<compile_context>
chip_gen: v7x
topology: tpu7x:2x2x1
jax: 0.10.2.dev20260603
libtpu: 0.0.44.dev20260713+nightly
codegen_flags: <defaults>
</compile_context>

<pallas_src>
import functools

import jax
import jax.numpy as jnp
from jax import lax
from jax.experimental import pallas as pl
from jax.experimental.pallas import tpu as pltpu
from jax.experimental.pallas import tpu_sc as plsc

N = 10000
E = 320000
F = 128
M = 5000

NC = 2
NS = 16
H = F // 2
CH = 128

NT = N + 16
DUMMY = N
RPT = NT // NS

KC = 157
ET = KC * CH
KP = 80
EP = KP * CH

KI = 5
PI = KI * CH

_mesh = plsc.VectorSubcoreMesh(core_axis_name="c", subcore_axis_name="s")
_f32 = jnp.float32
_sc_params = pltpu.CompilerParams(use_tc_tiling_on_sc=False)


@functools.partial(
    pl.kernel,
    out_type=(
        jax.ShapeDtypeStruct((NC, NS, RPT, 16), _f32),
        jax.ShapeDtypeStruct((NS, RPT, 16), _f32),
        jax.ShapeDtypeStruct((NC, NS, KI, CH, 16), _f32),
    ),
    mesh=_mesh,
    compiler_params=_sc_params,
    scratch_types=(
        pltpu.VMEM((KP, CH), jnp.int32),
        pltpu.VMEM((KI, CH), jnp.int32),
        pltpu.VMEM((CH, 16), _f32),
        pltpu.VMEM((CH, 16), _f32),
        pltpu.VMEM_SHARED((NT, 16), _f32),
        pltpu.VMEM_SHARED((NT, 16), _f32),
        pltpu.SemaphoreType.DMA,
    ),
)
def _sc_prep(dst32, idxp, z16, ones16,
             odeg, omask, odegidx,
             dv, iv, ones_v, gbuf, degt, maskt, sem):
    c = lax.axis_index("c")
    s = lax.axis_index("s")
    w = s * NC + c
    pltpu.sync_copy(dst32.at[w], dv)
    pltpu.sync_copy(idxp.at[s], iv)
    pltpu.sync_copy(ones16, ones_v)
    r0 = s * RPT
    pltpu.sync_copy(z16, degt.at[pl.ds(r0, RPT)])
    pltpu.sync_copy(z16, maskt.at[pl.ds(r0, RPT)])
    plsc.subcore_barrier()

    def body(k, carry):
        pltpu.sync_copy(ones_v, degt.at[dv.at[k]], add=True)
        return carry

    lax.fori_loop(0, KP, body, 0)
    for k in range(KI):
        pltpu.sync_copy(ones_v, maskt.at[iv.at[k]])
    plsc.subcore_barrier()

    pltpu.sync_copy(degt.at[pl.ds(r0, RPT)], odeg.at[c].at[s])

    @pl.when(c == 0)
    def _():
        pltpu.sync_copy(maskt.at[pl.ds(r0, RPT)], omask.at[s])

    for k in range(KI):
        pltpu.async_copy(degt.at[iv.at[k]], gbuf, sem).wait()
        pltpu.sync_copy(gbuf, odegidx.at[c].at[s].at[k])


def _make_conv(gather_out: bool):
    if gather_out:
        out_type = jax.ShapeDtypeStruct((NC, NS, KI, CH, H), _f32)
    else:
        out_type = jax.ShapeDtypeStruct((NC, NS, RPT, H), _f32)
    scratch = [
        pltpu.VMEM((KC, CH), jnp.int32),
        pltpu.VMEM((KC, CH), jnp.int32),
        pltpu.VMEM((CH, H), _f32),
        pltpu.VMEM_SHARED((NT, H), _f32),
        pltpu.SemaphoreType.DMA,
    ]
    if gather_out:
        scratch.append(pltpu.VMEM((KI, CH), jnp.int32))

    def body(*args):
        if gather_out:
            (x0v, src2, dstp, z64, idxp, out,
             sv, dv, rb, tab, sem, iv) = args
        else:
            (x0v, src2, dstp, z64, out,
             sv, dv, rb, tab, sem) = args
        c = lax.axis_index("c")
        s = lax.axis_index("s")
        pltpu.sync_copy(src2.at[c].at[s], sv)
        pltpu.sync_copy(dstp.at[s], dv)
        r0 = s * RPT
        pltpu.sync_copy(z64, tab.at[pl.ds(r0, RPT)])
        plsc.subcore_barrier()

        def step(k, carry):
            pltpu.async_copy(x0v.at[sv.at[k]], rb, sem).wait()
            pltpu.sync_copy(rb, tab.at[dv.at[k]], add=True)
            return carry

        lax.fori_loop(0, KC, step, 0)
        plsc.subcore_barrier()
        if gather_out:
            pltpu.sync_copy(idxp.at[s], iv)
            for k in range(KI):
                pltpu.async_copy(tab.at[iv.at[k]], rb, sem).wait()
                pltpu.sync_copy(rb, out.at[c].at[s].at[k])
        else:
            pltpu.sync_copy(tab.at[pl.ds(r0, RPT)], out.at[c].at[s])

    return pl.kernel(body, out_type=out_type, mesh=_mesh,
                     compiler_params=_sc_params,
                     scratch_types=tuple(scratch))


_sc_conv_full = _make_conv(False)
_sc_conv_gather = _make_conv(True)


BN = 2000


def _row_specs(args):
    specs = []
    for a in args:
        if a.shape[0] == N:
            specs.append(pl.BlockSpec((BN, a.shape[1]), lambda i: (i, 0)))
        else:
            specs.append(pl.BlockSpec(a.shape, lambda i: (0, 0)))
    return specs


def _tc_call(body, args):
    return pl.pallas_call(
        body,
        grid=(N // BN,),
        in_specs=_row_specs(args),
        out_specs=pl.BlockSpec((BN, F), lambda i: (i, 0)),
        out_shape=jax.ShapeDtypeStruct((N, F), _f32))(*args)


def _tc_select_mm(x, m, w0, b0, w1, b1):
    def body(x_ref, m_ref, w0_ref, b0_ref, w1_ref, b1_ref, o_ref):
        xb = x_ref[...]
        a = jnp.dot(xb, w0_ref[...], preferred_element_type=_f32, precision=lax.Precision.HIGHEST) + b0_ref[...]
        b = jnp.dot(xb, w1_ref[...], preferred_element_type=_f32, precision=lax.Precision.HIGHEST) + b1_ref[...]
        o_ref[...] = jnp.where(m_ref[...] > 0.0, b, a)

    return _tc_call(body, (x, m, w0, b0, w1, b1))


def _tc_conv_select_mm(aL, aH, dA, dB, m, wcl, wch, bc, w0, b0, w1, b1):
    def body(aL_ref, aH_ref, dA_ref, dB_ref, m_ref,
             wcl_ref, wch_ref, bc_ref, w0_ref, b0_ref, w1_ref, b1_ref, o_ref):
        inv = 1.0 / jnp.maximum(dA_ref[...] + dB_ref[...], 1.0)
        acc = (jnp.dot(aL_ref[...], wcl_ref[...], preferred_element_type=_f32,
                       precision=lax.Precision.HIGHEST)
               + jnp.dot(aH_ref[...], wch_ref[...], preferred_element_type=_f32,
                         precision=lax.Precision.HIGHEST))
        x1 = jnp.maximum(acc * inv + bc_ref[...], 0.0)
        a = jnp.dot(x1, w0_ref[...], preferred_element_type=_f32,
                    precision=lax.Precision.HIGHEST) + b0_ref[...]
        b = jnp.dot(x1, w1_ref[...], preferred_element_type=_f32,
                    precision=lax.Precision.HIGHEST) + b1_ref[...]
        o_ref[...] = jnp.where(m_ref[...] > 0.0, b, a)

    return _tc_call(body, (aL, aH, dA, dB, m, wcl, wch, bc, w0, b0, w1, b1))


def _tc_conv_mm(gL, gH, dA, dB, wcl, wch, bc):
    def body(gL_ref, gH_ref, dA_ref, dB_ref, wcl_ref, wch_ref, bc_ref, o_ref):
        inv = 1.0 / jnp.maximum(dA_ref[...] + dB_ref[...], 1.0)
        acc = (jnp.dot(gL_ref[...], wcl_ref[...], preferred_element_type=_f32,
                       precision=lax.Precision.HIGHEST)
               + jnp.dot(gH_ref[...], wch_ref[...], preferred_element_type=_f32,
                         precision=lax.Precision.HIGHEST))
        o_ref[...] = jnp.maximum(acc * inv + bc_ref[...], 0.0)

    return _tc_call(body, (gL, gH, dA, dB, wcl, wch, bc))


def kernel(x, edge_index, pos,
           W_f0_0, b_f0_0, W_f1_0, b_f1_0, W_c_0, b_c_0,
           W_f0_1, b_f0_1, W_f1_1, b_f1_1, W_c_1, b_c_1):
    src = edge_index[0]
    dst = edge_index[1]
    idx = pos.reshape(-1)

    i32 = jnp.int32
    dpad16 = DUMMY + (jnp.arange(NS * ET - E, dtype=i32) % 16)
    dst16 = jnp.concatenate([dst, dpad16]).reshape(NS, KC, CH)
    src_pad = jnp.concatenate([src, jnp.zeros((NS * ET - E,), i32)])
    src2 = (2 * src_pad)[None, :] + jnp.arange(NC, dtype=i32)[:, None]
    src2 = src2.reshape(NC, NS, KC, CH)
    dpad32 = DUMMY + (jnp.arange(NC * NS * EP - E, dtype=i32) % 16)
    dst32 = jnp.concatenate([dst, dpad32]).reshape(NC * NS, KP, CH)
    idxp = jnp.concatenate(
        [idx, jnp.broadcast_to(idx[0:1], (NS * PI - 2 * M,))]).reshape(NS, KI, CH)

    z16 = jnp.zeros((RPT, 16), _f32)
    z64 = jnp.zeros((RPT, H), _f32)
    ones16 = jnp.ones((CH, 16), _f32)

    odeg, omask, odegidx = _sc_prep(dst32, idxp, z16, ones16)
    degA = odeg[0].reshape(NT, 16)[:N, 0:1]
    degB = odeg[1].reshape(NT, 16)[:N, 0:1]
    m = omask.reshape(NT, 16)[:N, 0:1]
    diA = odegidx[0].reshape(NS * PI, 16)[:2 * M, 0:1]
    diB = odegidx[1].reshape(NS * PI, 16)[:2 * M, 0:1]

    b_f0_0r = b_f0_0.reshape(1, F)
    b_f1_0r = b_f1_0.reshape(1, F)
    b_c_0r = b_c_0.reshape(1, F)
    b_f0_1r = b_f0_1.reshape(1, F)
    b_f1_1r = b_f1_1.reshape(1, F)
    b_c_1r = b_c_1.reshape(1, F)

    x0 = _tc_select_mm(x, m, W_f0_0, b_f0_0r, W_f1_0, b_f1_0r)
    agg = _sc_conv_full(x0.reshape(2 * N, H), src2, dst16, z64)
    agg = agg.reshape(NC, NT, H)[:, :N]

    x0b = _tc_conv_select_mm(agg[0], agg[1], degA, degB, m,
                             W_c_0[:H], W_c_0[H:], b_c_0r,
                             W_f0_1, b_f0_1r, W_f1_1, b_f1_1r)
    g = _sc_conv_gather(x0b.reshape(2 * N, H), src2, dst16, z64, idxp)
    g = g.reshape(NC, NS * PI, H)[:, :2 * M]

    out = _tc_conv_mm(g[0], g[1], diA, diB, W_c_1[:H], W_c_1[H:], b_c_1r)
    return out.reshape(M, 2, F)

# --- scband reference (transcript-rebuilt; emitter-appended) ---
"""Pipeline reference for scband-flabeling-net-41351945126314 (READ-ONLY COPY).

The authoritative reference and input builder live on the scoring server;
editing this copy changes nothing except your own understanding.
"""

import jax, jax.numpy as jnp
import numpy as np

N = 10000
E = 320000
F = 128
M = 5000
L = 2


def setup_inputs(seed: int = 0) -> dict:
    key = jax.random.key(seed)
    ks = jax.random.split(key, 3 + 6 * L)
    inp = {}
    inp["x"] = jax.random.normal(ks[0], (N, F), dtype=jnp.float32)
    inp["edge_index"] = jax.random.randint(ks[1], (2, E), 0, N, dtype=jnp.int32)
    inp["pos"] = jax.random.randint(ks[2], (M, 2), 0, N, dtype=jnp.int32)
    # learned parameters: per layer, f0 (Linear F->F), f1 (Linear F->F), conv weight (Linear F->F)
    names = ["W_f0", "b_f0", "W_f1", "b_f1", "W_c", "b_c"]
    k = 3
    for i in range(L):
        inp[f"W_f0_{i}"] = jax.random.normal(ks[k + 0], (F, F), dtype=jnp.float32) * 0.05
        inp[f"b_f0_{i}"] = jnp.zeros((F,), dtype=jnp.float32)
        inp[f"W_f1_{i}"] = jax.random.normal(ks[k + 2], (F, F), dtype=jnp.float32) * 0.05
        inp[f"b_f1_{i}"] = jnp.zeros((F,), dtype=jnp.float32)
        inp[f"W_c_{i}"] = jax.random.normal(ks[k + 4], (F, F), dtype=jnp.float32) * 0.05
        inp[f"b_c_{i}"] = jnp.zeros((F,), dtype=jnp.float32)
        k += 6
    return inp


def reference(x, edge_index, pos,
              W_f0_0, b_f0_0, W_f1_0, b_f1_0, W_c_0, b_c_0,
              W_f0_1, b_f0_1, W_f1_1, b_f1_1, W_c_1, b_c_1):
    src = edge_index[0]
    dst = edge_index[1]
    idx = pos.reshape(-1)
    layers = [
        (W_f0_0, b_f0_0, W_f1_0, b_f1_0, W_c_0, b_c_0),
        (W_f0_1, b_f0_1, W_f1_1, b_f1_1, W_c_1, b_c_1),
    ]
    ones = jnp.ones((E,), dtype=x.dtype)
    for (Wf0, bf0, Wf1, bf1, Wc, bc) in layers:
        # x0 = f0(x);  x0[idx] = f1(x[idx])  (labeling trick overwrite)
        x0 = x @ Wf0 + bf0
        lab = x[idx] @ Wf1 + bf1
        x0 = x0.at[idx].set(lab)
        # conv(x0, adj): mean aggregation over incoming edges, then linear + relu
        msg = x0[src]
        agg = jax.ops.segment_sum(msg, dst, num_segments=N)
        deg = jax.ops.segment_sum(ones, dst, num_segments=N)
        agg = agg / jnp.maximum(deg, 1.0)[:, None]
        x = jax.nn.relu(agg @ Wc + bc)
    # x[pos] -> (M, 2, F)
    return x[pos]

if __name__ == "__main__":
    import jax
    _d = setup_inputs()
    print(jax.jit(kernel)(*tuple(_d.values())))

</pallas_src>

<mosaic_0001>
#map = affine_map<(d0, d1) -> (0, 0, 0)>
#map1 = affine_map<(d0, d1) -> (0, 0)>
#map2 = affine_map<(d0, d1) -> (0, 0, 0, 0)>
#map3 = affine_map<(d0, d1) -> (0, 0, 0, 0, 0)>
module attributes {stable_mosaic.version = 14 : i64} {
  func.func @_sc_prep(%arg0: i32, %arg1: i32, %arg2: memref<32x80x128xi32, #tpu.memory_space<hbm>>, %arg3: memref<16x5x128xi32, #tpu.memory_space<hbm>>, %arg4: memref<626x16xf32, #tpu.memory_space<hbm>>, %arg5: memref<128x16xf32, #tpu.memory_space<hbm>>, %arg6: memref<2x16x626x16xf32, #tpu.memory_space<hbm>>, %arg7: memref<16x626x16xf32, #tpu.memory_space<hbm>>, %arg8: memref<2x16x5x128x16xf32, #tpu.memory_space<hbm>>, %arg9: memref<80x128xi32, #tpu.memory_space<vmem>>, %arg10: memref<5x128xi32, #tpu.memory_space<vmem>>, %arg11: memref<128x16xf32, #tpu.memory_space<vmem>>, %arg12: memref<128x16xf32, #tpu.memory_space<vmem>>, %arg13: memref<10016x16xf32, #tpu.memory_space<vmem_shared>>, %arg14: memref<10016x16xf32, #tpu.memory_space<vmem_shared>>, %arg15: memref<!tpu.dma_semaphore, #tpu.memory_space<semaphore_mem>>) attributes {dimension_semantics = [#tpu.dimension_semantics<core_parallel>, #tpu.dimension_semantics<subcore_parallel>], iteration_bounds = array<i64: 2, 16>, scalar_prefetch = 0 : i64, scratch_operands = 7 : i64, tpu.core_type = #tpu.core_type<sc_vector_subcore>, window_params = [{transform_indices = #map}, {transform_indices = #map}, {transform_indices = #map1}, {transform_indices = #map1}, {transform_indices = #map2}, {transform_indices = #map}, {transform_indices = #map3}]} {
    %mul3A = arith.constant 2 : i32
    %mul3A_0 = arith.muli %arg1, %mul3A : i32
    %add3A = arith.addi %mul3A_0, %arg0 : i32
    "tpu.region"() ({
      %run_scoped3A_88 = tpu.sem_alloc : memref<!tpu.dma_semaphore, #tpu.memory_space<semaphore_mem>>
      %dma_start3A_89 = arith.constant 0 : i32
      %dma_start3A_90 = arith.constant 0 : i32
      %dma_start3A_91 = tpu.memref_slice %arg2[%add3A, %dma_start3A_89, %dma_start3A_90] : memref<32x80x128xi32, #tpu.memory_space<hbm>> -> memref<1x80x128xi32, #tpu.memory_space<hbm>>
      %dma_start3A_92 = tpu.memref_squeeze %dma_start3A_91 : memref<1x80x128xi32, #tpu.memory_space<hbm>> -> memref<80x128xi32, #tpu.memory_space<hbm>>
      %dma_start3A_93 = arith.constant 0 : i32
      %dma_start3A_94 = arith.constant 0 : i32
      %dma_start3A_95 = tpu.memref_slice %arg2[%add3A, %dma_start3A_93, %dma_start3A_94] : memref<32x80x128xi32, #tpu.memory_space<hbm>> -> memref<1x80x128xi32, #tpu.memory_space<hbm>>
      %dma_start3A_96 = tpu.memref_squeeze %dma_start3A_95 : memref<1x80x128xi32, #tpu.memory_space<hbm>> -> memref<80x128xi32, #tpu.memory_space<hbm>>
      tpu.enqueue_dma source(%dma_start3A_96 : memref<80x128xi32, #tpu.memory_space<hbm>>) target(%arg9 : memref<80x128xi32, #tpu.memory_space<vmem>>) target_semaphore(%run_scoped3A_88 : memref<!tpu.dma_semaphore, #tpu.memory_space<semaphore_mem>>)
      %dma_wait3A_97 = arith.constant 0 : i32
      %dma_wait3A_98 = arith.constant 0 : i32
      %dma_wait3A_99 = tpu.memref_slice %arg2[%add3A, %dma_wait3A_97, %dma_wait3A_98] : memref<32x80x128xi32, #tpu.memory_space<hbm>> -> memref<1x80x128xi32, #tpu.memory_space<hbm>>
      %dma_wait3A_100 = tpu.memref_squeeze %dma_wait3A_99 : memref<1x80x128xi32, #tpu.memory_space<hbm>> -> memref<80x128xi32, #tpu.memory_space<hbm>>
      %dma_wait3A_101 = arith.constant 0 : i32
      %dma_wait3A_102 = arith.constant 0 : i32
      %dma_wait3A_103 = tpu.memref_slice %arg2[%add3A, %dma_wait3A_101, %dma_wait3A_102] : memref<32x80x128xi32, #tpu.memory_space<hbm>> -> memref<1x80x128xi32, #tpu.memory_space<hbm>>
      %dma_wait3A_104 = tpu.memref_squeeze %dma_wait3A_103 : memref<1x80x128xi32, #tpu.memory_space<hbm>> -> memref<80x128xi32, #tpu.memory_space<hbm>>
      tpu.wait_dma2 semaphore(%run_scoped3A_88 : memref<!tpu.dma_semaphore, #tpu.memory_space<semaphore_mem>>) src(%dma_wait3A_104 : memref<80x128xi32, #tpu.memory_space<hbm>>) dst(%arg9 : memref<80x128xi32, #tpu.memory_space<vmem>>)
      tpu.yield
    }) : () -> ()
    "tpu.region"() ({
      %run_scoped3A_88 = tpu.sem_alloc : memref<!tpu.dma_semaphore, #tpu.memory_space<semaphore_mem>>
      %dma_start3A_89 = arith.constant 0 : i32
      %dma_start3A_90 = arith.constant 0 : i32
      %dma_start3A_91 = tpu.memref_slice %arg3[%arg1, %dma_start3A_89, %dma_start3A_90] : memref<16x5x128xi32, #tpu.memory_space<hbm>> -> memref<1x5x128xi32, #tpu.memory_space<hbm>>
      %dma_start3A_92 = tpu.memref_squeeze %dma_start3A_91 : memref<1x5x128xi32, #tpu.memory_space<hbm>> -> memref<5x128xi32, #tpu.memory_space<hbm>>
      %dma_start3A_93 = arith.constant 0 : i32
      %dma_start3A_94 = arith.constant 0 : i32
      %dma_start3A_95 = tpu.memref_slice %arg3[%arg1, %dma_start3A_93, %dma_start3A_94] : memref<16x5x128xi32, #tpu.memory_space<hbm>> -> memref<1x5x128xi32, #tpu.memory_space<hbm>>
      %dma_start3A_96 = tpu.memref_squeeze %dma_start3A_95 : memref<1x5x128xi32, #tpu.memory_space<hbm>> -> memref<5x128xi32, #tpu.memory_space<hbm>>
      tpu.enqueue_dma source(%dma_start3A_96 : memref<5x128xi32, #tpu.memory_space<hbm>>) target(%arg10 : memref<5x128xi32, #tpu.memory_space<vmem>>) target_semaphore(%run_scoped3A_88 : memref<!tpu.dma_semaphore, #tpu.memory_space<semaphore_mem>>)
      %dma_wait3A_97 = arith.constant 0 : i32
      %dma_wait3A_98 = arith.constant 0 : i32
      %dma_wait3A_99 = tpu.memref_slice %arg3[%arg1, %dma_wait3A_97, %dma_wait3A_98] : memref<16x5x128xi32, #tpu.memory_space<hbm>> -> memref<1x5x128xi32, #tpu.memory_space<hbm>>
      %dma_wait3A_100 = tpu.memref_squeeze %dma_wait3A_99 : memref<1x5x128xi32, #tpu.memory_space<hbm>> -> memref<5x128xi32, #tpu.memory_space<hbm>>
      %dma_wait3A_101 = arith.constant 0 : i32
      %dma_wait3A_102 = arith.constant 0 : i32
      %dma_wait3A_103 = tpu.memref_slice %arg3[%arg1, %dma_wait3A_101, %dma_wait3A_102] : memref<16x5x128xi32, #tpu.memory_space<hbm>> -> memref<1x5x128xi32, #tpu.memory_space<hbm>>
      %dma_wait3A_104 = tpu.memref_squeeze %dma_wait3A_103 : memref<1x5x128xi32, #tpu.memory_space<hbm>> -> memref<5x128xi32, #tpu.memory_space<hbm>>
      tpu.wait_dma2 semaphore(%run_scoped3A_88 : memref<!tpu.dma_semaphore, #tpu.memory_space<semaphore_mem>>) src(%dma_wait3A_104 : memref<5x128xi32, #tpu.memory_space<hbm>>) dst(%arg10 : memref<5x128xi32, #tpu.memory_space<vmem>>)
      tpu.yield
    }) : () -> ()
    "tpu.region"() ({
      %run_scoped3A_88 = tpu.sem_alloc : memref<!tpu.dma_semaphore, #tpu.memory_space<semaphore_mem>>
      tpu.enqueue_dma source(%arg5 : memref<128x16xf32, #tpu.memory_space<hbm>>) target(%arg11 : memref<128x16xf32, #tpu.memory_space<vmem>>) target_semaphore(%run_scoped3A_88 : memref<!tpu.dma_semaphore, #tpu.memory_space<semaphore_mem>>)
      tpu.wait_dma2 semaphore(%run_scoped3A_88 : memref<!tpu.dma_semaphore, #tpu.memory_space<semaphore_mem>>) src(%arg5 : memref<128x16xf32, #tpu.memory_space<hbm>>) dst(%arg11 : memref<128x16xf32, #tpu.memory_space<vmem>>)
      tpu.yield
    }) : () -> ()
    %mul3A_1 = arith.constant 626 : i32
    %mul3A_2 = arith.muli %arg1, %mul3A_1 : i32
    "tpu.region"() ({
      %run_scoped3A_88 = tpu.sem_alloc : memref<!tpu.dma_semaphore, #tpu.memory_space<semaphore_mem>>
      %dma_start3A_89 = arith.constant 0 : i32
      %dma_start3A_90 = tpu.memref_slice %arg13[%mul3A_2, %dma_start3A_89] : memref<10016x16xf32, #tpu.memory_space<vmem_shared>> -> memref<626x16xf32, #tpu.memory_space<vmem_shared>>
      tpu.enqueue_dma source(%arg4 : memref<626x16xf32, #tpu.memory_space<hbm>>) target(%dma_start3A_90 : memref<626x16xf32, #tpu.memory_space<vmem_shared>>) target_semaphore(%run_scoped3A_88 : memref<!tpu.dma_semaphore, #tpu.memory_space<semaphore_mem>>)
      %dma_wait3A_91 = arith.constant 0 : i32
      %dma_wait3A_92 = tpu.memref_slice %arg13[%mul3A_2, %dma_wait3A_91] : memref<10016x16xf32, #tpu.memory_space<vmem_shared>> -> memref<626x16xf32, #tpu.memory_space<vmem_shared>>
      tpu.wait_dma2 semaphore(%run_scoped3A_88 : memref<!tpu.dma_semaphore, #tpu.memory_space<semaphore_mem>>) src(%arg4 : memref<626x16xf32, #tpu.memory_space<hbm>>) dst(%dma_wait3A_92 : memref<626x16xf32, #tpu.memory_space<vmem_shared>>)
      tpu.yield
    }) : () -> ()
    "tpu.region"() ({
      %run_scoped3A_88 = tpu.sem_alloc : memref<!tpu.dma_semaphore, #tpu.memory_space<semaphore_mem>>
      %dma_start3A_89 = arith.constant 0 : i32
      %dma_start3A_90 = tpu.memref_slice %arg14[%mul3A_2, %dma_start3A_89] : memref<10016x16xf32, #tpu.memory_space<vmem_shared>> -> memref<626x16xf32, #tpu.memory_space<vmem_shared>>
      tpu.enqueue_dma source(%arg4 : memref<626x16xf32, #tpu.memory_space<hbm>>) target(%dma_start3A_90 : memref<626x16xf32, #tpu.memory_space<vmem_shared>>) target_semaphore(%run_scoped3A_88 : memref<!tpu.dma_semaphore, #tpu.memory_space<semaphore_mem>>)
      %dma_wait3A_91 = arith.constant 0 : i32
      %dma_wait3A_92 = tpu.memref_slice %arg14[%mul3A_2, %dma_wait3A_91] : memref<10016x16xf32, #tpu.memory_space<vmem_shared>> -> memref<626x16xf32, #tpu.memory_space<vmem_shared>>
      tpu.wait_dma2 semaphore(%run_scoped3A_88 : memref<!tpu.dma_semaphore, #tpu.memory_space<semaphore_mem>>) src(%arg4 : memref<626x16xf32, #tpu.memory_space<hbm>>) dst(%dma_wait3A_92 : memref<626x16xf32, #tpu.memory_space<vmem_shared>>)
      tpu.yield
    }) : () -> ()
    %barrier3A = arith.constant 0 : index
    tpu.barrier barrier_id(%barrier3A)
    %scan3A = arith.constant 0 : i32
    %scan3A_3 = arith.constant 0 : i32
    %scan3A_4 = arith.constant 80 : i32
    %scan3A_5 = arith.addi %scan3A_3, %scan3A_4 : i32
    %scan3A_6 = arith.constant 1 : i32
    scf.for %scan3A_88 = %scan3A_3 to %scan3A_5 step %scan3A_6  : i32 {
      "tpu.region"() ({
        %run_scoped3A_89 = tpu.sem_alloc : memref<!tpu.dma_semaphore, #tpu.memory_space<semaphore_mem>>
        %dma_start3A_90 = arith.constant 0 : i32
        %dma_start3A_91 = tpu.memref_slice %arg9[%scan3A_88, %dma_start3A_90] : memref<80x128xi32, #tpu.memory_space<vmem>> -> memref<1x128xi32, #tpu.memory_space<vmem>>
        %dma_start3A_92 = tpu.memref_squeeze %dma_start3A_91 : memref<1x128xi32, #tpu.memory_space<vmem>> -> memref<128xi32, #tpu.memory_space<vmem>>
        %dma_start3A_93 = arith.constant 0 : i32
        %dma_start3A_94 = arith.constant 0 : i32
        %dma_start3A_95 = tpu.memref_slice %arg13[%dma_start3A_93, %dma_start3A_94] : memref<10016x16xf32, #tpu.memory_space<vmem_shared>> -> memref<10016x16xf32, #tpu.memory_space<vmem_shared>>
        tpu.enqueue_indirect_dma source(%arg11 : memref<128x16xf32, #tpu.memory_space<vmem>>) target(%dma_start3A_95 : memref<10016x16xf32, #tpu.memory_space<vmem_shared>>) offsets(%dma_start3A_92 : memref<128xi32, #tpu.memory_space<vmem>>) semaphore(%run_scoped3A_89 : memref<!tpu.dma_semaphore, #tpu.memory_space<semaphore_mem>>) {add = true}
        %dma_wait3A_96 = arith.constant 0 : i32
        %dma_wait3A_97 = tpu.memref_slice %arg9[%scan3A_88, %dma_wait3A_96] : memref<80x128xi32, #tpu.memory_space<vmem>> -> memref<1x128xi32, #tpu.memory_space<vmem>>
        %dma_wait3A_98 = tpu.memref_squeeze %dma_wait3A_97 : memref<1x128xi32, #tpu.memory_space<vmem>> -> memref<128xi32, #tpu.memory_space<vmem>>
        %dma_wait3A_99 = arith.constant 0 : i32
        %dma_wait3A_100 = arith.constant 0 : i32
        %dma_wait3A_101 = tpu.memref_slice %arg13[%dma_wait3A_99, %dma_wait3A_100] : memref<10016x16xf32, #tpu.memory_space<vmem_shared>> -> memref<10016x16xf32, #tpu.memory_space<vmem_shared>>
        tpu.wait_indirect_dma semaphore(%run_scoped3A_89 : memref<!tpu.dma_semaphore, #tpu.memory_space<semaphore_mem>>) src(%arg11 : memref<128x16xf32, #tpu.memory_space<vmem>>) dst(%dma_wait3A_101 : memref<10016x16xf32, #tpu.memory_space<vmem_shared>>)
        tpu.yield
      }) : () -> ()
    }
    %scan3A_7 = arith.constant 80 : i32
    %run_scoped3A = arith.constant 0 : i32
    "tpu.region"() ({
      %run_scoped3A_88 = tpu.sem_alloc : memref<!tpu.dma_semaphore, #tpu.memory_space<semaphore_mem>>
      %dma_start3A_89 = arith.constant 0 : i32
      %dma_start3A_90 = tpu.memref_slice %arg10[%run_scoped3A, %dma_start3A_89] : memref<5x128xi32, #tpu.memory_space<vmem>> -> memref<1x128xi32, #tpu.memory_space<vmem>>
      %dma_start3A_91 = tpu.memref_squeeze %dma_start3A_90 : memref<1x128xi32, #tpu.memory_space<vmem>> -> memref<128xi32, #tpu.memory_space<vmem>>
      %dma_start3A_92 = arith.constant 0 : i32
      %dma_start3A_93 = arith.constant 0 : i32
      %dma_start3A_94 = tpu.memref_slice %arg14[%dma_start3A_92, %dma_start3A_93] : memref<10016x16xf32, #tpu.memory_space<vmem_shared>> -> memref<10016x16xf32, #tpu.memory_space<vmem_shared>>
      tpu.enqueue_indirect_dma source(%arg11 : memref<128x16xf32, #tpu.memory_space<vmem>>) target(%dma_start3A_94 : memref<10016x16xf32, #tpu.memory_space<vmem_shared>>) offsets(%dma_start3A_91 : memref<128xi32, #tpu.memory_space<vmem>>) semaphore(%run_scoped3A_88 : memref<!tpu.dma_semaphore, #tpu.memory_space<semaphore_mem>>)
      %dma_wait3A_95 = arith.constant 0 : i32
      %dma_wait3A_96 = tpu.memref_slice %arg10[%run_scoped3A, %dma_wait3A_95] : memref<5x128xi32, #tpu.memory_space<vmem>> -> memref<1x128xi32, #tpu.memory_space<vmem>>
      %dma_wait3A_97 = tpu.memref_squeeze %dma_wait3A_96 : memref<1x128xi32, #tpu.memory_space<vmem>> -> memref<128xi32, #tpu.memory_space<vmem>>
      %dma_wait3A_98 = arith.constant 0 : i32
      %dma_wait3A_99 = arith.constant 0 : i32
      %dma_wait3A_100 = tpu.memref_slice %arg14[%dma_wait3A_98, %dma_wait3A_99] : memref<10016x16xf32, #tpu.memory_space<vmem_shared>> -> memref<10016x16xf32, #tpu.memory_space<vmem_shared>>
      tpu.wait_indirect_dma semaphore(%run_scoped3A_88 : memref<!tpu.dma_semaphore, #tpu.memory_space<semaphore_mem>>) src(%arg11 : memref<128x16xf32, #tpu.memory_space<vmem>>) dst(%dma_wait3A_100 : memref<10016x16xf32, #tpu.memory_space<vmem_shared>>)
      tpu.yield
    }) : () -> ()
    %run_scoped3A_8 = arith.constant 1 : i32
    "tpu.region"() ({
      %run_scoped3A_88 = tpu.sem_alloc : memref<!tpu.dma_semaphore, #tpu.memory_space<semaphore_mem>>
      %dma_start3A_89 = arith.constant 0 : i32
      %dma_start3A_90 = tpu.memref_slice %arg10[%run_scoped3A_8, %dma_start3A_89] : memref<5x128xi32, #tpu.memory_space<vmem>> -> memref<1x128xi32, #tpu.memory_space<vmem>>
      %dma_start3A_91 = tpu.memref_squeeze %dma_start3A_90 : memref<1x128xi32, #tpu.memory_space<vmem>> -> memref<128xi32, #tpu.memory_space<vmem>>
      %dma_start3A_92 = arith.constant 0 : i32
      %dma_start3A_93 = arith.constant 0 : i32
      %dma_start3A_94 = tpu.memref_slice %arg14[%dma_start3A_92, %dma_start3A_93] : memref<10016x16xf32, #tpu.memory_space<vmem_shared>> -> memref<10016x16xf32, #tpu.memory_space<vmem_shared>>
      tpu.enqueue_indirect_dma source(%arg11 : memref<128x16xf32, #tpu.memory_space<vmem>>) target(%dma_start3A_94 : memref<10016x16xf32, #tpu.memory_space<vmem_shared>>) offsets(%dma_start3A_91 : memref<128xi32, #tpu.memory_space<vmem>>) semaphore(%run_scoped3A_88 : memref<!tpu.dma_semaphore, #tpu.memory_space<semaphore_mem>>)
      %dma_wait3A_95 = arith.constant 0 : i32
      %dma_wait3A_96 = tpu.memref_slice %arg10[%run_scoped3A_8, %dma_wait3A_95] : memref<5x128xi32, #tpu.memory_space<vmem>> -> memref<1x128xi32, #tpu.memory_space<vmem>>
      %dma_wait3A_97 = tpu.memref_squeeze %dma_wait3A_96 : memref<1x128xi32, #tpu.memory_space<vmem>> -> memref<128xi32, #tpu.memory_space<vmem>>
      %dma_wait3A_98 = arith.constant 0 : i32
      %dma_wait3A_99 = arith.constant 0 : i32
      %dma_wait3A_100 = tpu.memref_slice %arg14[%dma_wait3A_98, %dma_wait3A_99] : memref<10016x16xf32, #tpu.memory_space<vmem_shared>> -> memref<10016x16xf32, #tpu.memory_space<vmem_shared>>
      tpu.wait_indirect_dma semaphore(%run_scoped3A_88 : memref<!tpu.dma_semaphore, #tpu.memory_space<semaphore_mem>>) src(%arg11 : memref<128x16xf32, #tpu.memory_space<vmem>>) dst(%dma_wait3A_100 : memref<10016x16xf32, #tpu.memory_space<vmem_shared>>)
      tpu.yield
    }) : () -> ()
    %run_scoped3A_9 = arith.constant 2 : i32
    "tpu.region"() ({
      %run_scoped3A_88 = tpu.sem_alloc : memref<!tpu.dma_semaphore, #tpu.memory_space<semaphore_mem>>
      %dma_start3A_89 = arith.constant 0 : i32
      %dma_start3A_90 = tpu.memref_slice %arg10[%run_scoped3A_9, %dma_start3A_89] : memref<5x128xi32, #tpu.memory_space<vmem>> -> memref<1x128xi32, #tpu.memory_space<vmem>>
      %dma_start3A_91 = tpu.memref_squeeze %dma_start3A_90 : memref<1x128xi32, #tpu.memory_space<vmem>> -> memref<128xi32, #tpu.memory_space<vmem>>
      %dma_start3A_92 = arith.constant 0 : i32
      %dma_start3A_93 = arith.constant 0 : i32
      %dma_start3A_94 = tpu.memref_slice %arg14[%dma_start3A_92, %dma_start3A_93] : memref<10016x16xf32, #tpu.memory_space<vmem_shared>> -> memref<10016x16xf32, #tpu.memory_space<vmem_shared>>
      tpu.enqueue_indirect_dma source(%arg11 : memref<128x16xf32, #tpu.memory_space<vmem>>) target(%dma_start3A_94 : memref<10016x16xf32, #tpu.memory_space<vmem_shared>>) offsets(%dma_start3A_91 : memref<128xi32, #tpu.memory_space<vmem>>) semaphore(%run_scoped3A_88 : memref<!tpu.dma_semaphore, #tpu.memory_space<semaphore_mem>>)
      %dma_wait3A_95 = arith.constant 0 : i32
      %dma_wait3A_96 = tpu.memref_slice %arg10[%run_scoped3A_9, %dma_wait3A_95] : memref<5x128xi32, #tpu.memory_space<vmem>> -> memref<1x128xi32, #tpu.memory_space<vmem>>
      %dma_wait3A_97 = tpu.memref_squeeze %dma_wait3A_96 : memref<1x128xi32, #tpu.memory_space<vmem>> -> memref<128xi32, #tpu.memory_space<vmem>>
      %dma_wait3A_98 = arith.constant 0 : i32
      %dma_wait3A_99 = arith.constant 0 : i32
      %dma_wait3A_100 = tpu.memref_slice %arg14[%dma_wait3A_98, %dma_wait3A_99] : memref<10016x16xf32, #tpu.memory_space<vmem_shared>> -> memref<10016x16xf32, #tpu.memory_space<vmem_shared>>
      tpu.wait_indirect_dma semaphore(%run_scoped3A_88 : memref<!tpu.dma_semaphore, #tpu.memory_space<semaphore_mem>>) src(%arg11 : memref<128x16xf32, #tpu.memory_space<vmem>>) dst(%dma_wait3A_100 : memref<10016x16xf32, #tpu.memory_space<vmem_shared>>)
      tpu.yield
    }) : () -> ()
    %run_scoped3A_10 = arith.constant 3 : i32
    "tpu.region"() ({
      %run_scoped3A_88 = tpu.sem_alloc : memref<!tpu.dma_semaphore, #tpu.memory_space<semaphore_mem>>
      %dma_start3A_89 = arith.constant 0 : i32
      %dma_start3A_90 = tpu.memref_slice %arg10[%run_scoped3A_10, %dma_start3A_89] : memref<5x128xi32, #tpu.memory_space<vmem>> -> memref<1x128xi32, #tpu.memory_space<vmem>>
      %dma_start3A_91 = tpu.memref_squeeze %dma_start3A_90 : memref<1x128xi32, #tpu.memory_space<vmem>> -> memref<128xi32, #tpu.memory_space<vmem>>
      %dma_start3A_92 = arith.constant 0 : i32
      %dma_start3A_93 = arith.constant 0 : i32
      %dma_start3A_94 = tpu.memref_slice %arg14[%dma_start3A_92, %dma_start3A_93] : memref<10016x16xf32, #tpu.memory_space<vmem_shared>> -> memref<10016x16xf32, #tpu.memory_space<vmem_shared>>
      tpu.enqueue_indirect_dma source(%arg11 : memref<128x16xf32, #tpu.memory_space<vmem>>) target(%dma_start3A_94 : memref<10016x16xf32, #tpu.memory_space<vmem_shared>>) offsets(%dma_start3A_91 : memref<128xi32, #tpu.memory_space<vmem>>) semaphore(%run_scoped3A_88 : memref<!tpu.dma_semaphore, #tpu.memory_space<semaphore_mem>>)
      %dma_wait3A_95 = arith.constant 0 : i32
      %dma_wait3A_96 = tpu.memref_slice %arg10[%run_scoped3A_10, %dma_wait3A_95] : memref<5x128xi32, #tpu.memory_space<vmem>> -> memref<1x128xi32, #tpu.memory_space<vmem>>
      %dma_wait3A_97 = tpu.memref_squeeze %dma_wait3A_96 : memref<1x128xi32, #tpu.memory_space<vmem>> -> memref<128xi32, #tpu.memory_space<vmem>>
      %dma_wait3A_98 = arith.constant 0 : i32
      %dma_wait3A_99 = arith.constant 0 : i32
      %dma_wait3A_100 = tpu.memref_slice %arg14[%dma_wait3A_98, %dma_wait3A_99] : memref<10016x16xf32, #tpu.memory_space<vmem_shared>> -> memref<10016x16xf32, #tpu.memory_space<vmem_shared>>
      tpu.wait_indirect_dma semaphore(%run_scoped3A_88 : memref<!tpu.dma_semaphore, #tpu.memory_space<semaphore_mem>>) src(%arg11 : memref<128x16xf32, #tpu.memory_space<vmem>>) dst(%dma_wait3A_100 : memref<10016x16xf32, #tpu.memory_space<vmem_shared>>)
      tpu.yield
    }) : () -> ()
    %run_scoped3A_11 = arith.constant 4 : i32
    "tpu.region"() ({
      %run_scoped3A_88 = tpu.sem_alloc : memref<!tpu.dma_semaphore, #tpu.memory_space<semaphore_mem>>
      %dma_start3A_89 = arith.constant 0 : i32
      %dma_start3A_90 = tpu.memref_slice %arg10[%run_scoped3A_11, %dma_start3A_89] : memref<5x128xi32, #tpu.memory_space<vmem>> -> memref<1x128xi32, #tpu.memory_space<vmem>>
      %dma_start3A_91 = tpu.memref_squeeze %dma_start3A_90 : memref<1x128xi32, #tpu.memory_space<vmem>> -> memref<128xi32, #tpu.memory_space<vmem>>
      %dma_start3A_92 = arith.constant 0 : i32
      %dma_start3A_93 = arith.constant 0 : i32
      %dma_start3A_94 = tpu.memref_slice %arg14[%dma_start3A_92, %dma_start3A_93] : memref<10016x16xf32, #tpu.memory_space<vmem_shared>> -> memref<10016x16xf32, #tpu.memory_space<vmem_shared>>
      tpu.enqueue_indirect_dma source(%arg11 : memref<128x16xf32, #tpu.memory_space<vmem>>) target(%dma_start3A_94 : memref<10016x16xf32, #tpu.memory_space<vmem_shared>>) offsets(%dma_start3A_91 : memref<128xi32, #tpu.memory_space<vmem>>) semaphore(%run_scoped3A_88 : memref<!tpu.dma_semaphore, #tpu.memory_space<semaphore_mem>>)
      %dma_wait3A_95 = arith.constant 0 : i32
      %dma_wait3A_96 = tpu.memref_slice %arg10[%run_scoped3A_11, %dma_wait3A_95] : memref<5x128xi32, #tpu.memory_space<vmem>> -> memref<1x128xi32, #tpu.memory_space<vmem>>
      %dma_wait3A_97 = tpu.memref_squeeze %dma_wait3A_96 : memref<1x128xi32, #tpu.memory_space<vmem>> -> memref<128xi32, #tpu.memory_space<vmem>>
      %dma_wait3A_98 = arith.constant 0 : i32
      %dma_wait3A_99 = arith.constant 0 : i32
      %dma_wait3A_100 = tpu.memref_slice %arg14[%dma_wait3A_98, %dma_wait3A_99] : memref<10016x16xf32, #tpu.memory_space<vmem_shared>> -> memref<10016x16xf32, #tpu.memory_space<vmem_shared>>
      tpu.wait_indirect_dma semaphore(%run_scoped3A_88 : memref<!tpu.dma_semaphore, #tpu.memory_space<semaphore_mem>>) src(%arg11 : memref<128x16xf32, #tpu.memory_space<vmem>>) dst(%dma_wait3A_100 : memref<10016x16xf32, #tpu.memory_space<vmem_shared>>)
      tpu.yield
    }) : () -> ()
    %barrier3A_12 = arith.constant 0 : index
    tpu.barrier barrier_id(%barrier3A_12)
    "tpu.region"() ({
      %run_scoped3A_88 = tpu.sem_alloc : memref<!tpu.dma_semaphore, #tpu.memory_space<semaphore_mem>>
      %dma_start3A_89 = arith.constant 0 : i32
      %dma_start3A_90 = arith.constant 0 : i32
      %dma_start3A_91 = arith.constant 0 : i32
      %dma_start3A_92 = tpu.memref_slice %arg6[%arg0, %dma_start3A_89, %dma_start3A_90, %dma_start3A_91] : memref<2x16x626x16xf32, #tpu.memory_space<hbm>> -> memref<1x16x626x16xf32, #tpu.memory_space<hbm>>
      %dma_start3A_93 = tpu.memref_squeeze %dma_start3A_92 : memref<1x16x626x16xf32, #tpu.memory_space<hbm>> -> memref<16x626x16xf32, #tpu.memory_space<hbm>>
      %dma_start3A_94 = arith.constant 0 : i32
      %dma_start3A_95 = arith.constant 0 : i32
      %dma_start3A_96 = tpu.memref_slice %dma_start3A_93[%arg1, %dma_start3A_94, %dma_start3A_95] : memref<16x626x16xf32, #tpu.memory_space<hbm>> -> memref<1x626x16xf32, #tpu.memory_space<hbm>>
      %dma_start3A_97 = tpu.memref_squeeze %dma_start3A_96 : memref<1x626x16xf32, #tpu.memory_space<hbm>> -> memref<626x16xf32, #tpu.memory_space<hbm>>
      %dma_start3A_98 = arith.constant 0 : i32
      %dma_start3A_99 = tpu.memref_slice %arg13[%mul3A_2, %dma_start3A_98] : memref<10016x16xf32, #tpu.memory_space<vmem_shared>> -> memref<626x16xf32, #tpu.memory_space<vmem_shared>>
      tpu.enqueue_dma source(%dma_start3A_99 : memref<626x16xf32, #tpu.memory_space<vmem_shared>>) target(%dma_start3A_97 : memref<626x16xf32, #tpu.memory_space<hbm>>) target_semaphore(%run_scoped3A_88 : memref<!tpu.dma_semaphore, #tpu.memory_space<semaphore_mem>>)
      %dma_wait3A_100 = arith.constant 0 : i32
      %dma_wait3A_101 = arith.constant 0 : i32
      %dma_wait3A_102 = arith.constant 0 : i32
      %dma_wait3A_103 = tpu.memref_slice %arg6[%arg0, %dma_wait3A_100, %dma_wait3A_101, %dma_wait3A_102] : memref<2x16x626x16xf32, #tpu.memory_space<hbm>> -> memref<1x16x626x16xf32, #tpu.memory_space<hbm>>
      %dma_wait3A_104 = tpu.memref_squeeze %dma_wait3A_103 : memref<1x16x626x16xf32, #tpu.memory_space<hbm>> -> memref<16x626x16xf32, #tpu.memory_space<hbm>>
      %dma_wait3A_105 = arith.constant 0 : i32
      %dma_wait3A_106 = arith.constant 0 : i32
      %dma_wait3A_107 = tpu.memref_slice %dma_wait3A_104[%arg1, %dma_wait3A_105, %dma_wait3A_106] : memref<16x626x16xf32, #tpu.memory_space<hbm>> -> memref<1x626x16xf32, #tpu.memory_space<hbm>>
      %dma_wait3A_108 = tpu.memref_squeeze %dma_wait3A_107 : memref<1x626x16xf32, #tpu.memory_space<hbm>> -> memref<626x16xf32, #tpu.memory_space<hbm>>
      %dma_wait3A_109 = arith.constant 0 : i32
      %dma_wait3A_110 = tpu.memref_slice %arg13[%mul3A_2, %dma_wait3A_109] : memref<10016x16xf32, #tpu.memory_space<vmem_shared>> -> memref<626x16xf32, #tpu.memory_space<vmem_shared>>
      tpu.wait_dma2 semaphore(%run_scoped3A_88 : memref<!tpu.dma_semaphore, #tpu.memory_space<semaphore_mem>>) src(%dma_wait3A_110 : memref<626x16xf32, #tpu.memory_space<vmem_shared>>) dst(%dma_wait3A_108 : memref<626x16xf32, #tpu.memory_space<hbm>>)
      tpu.yield
    }) : () -> ()
    %eq3A = arith.constant 0 : i32
    %eq3A_13 = arith.cmpi eq, %arg0, %eq3A : i32
    %convert_element_type3A = arith.extui %eq3A_13 : i1 to i32
    %cond3A = arith.constant 0 : i32
    %cond3A_14 = arith.cmpi ne, %convert_element_type3A, %cond3A : i32
    scf.if %cond3A_14 {
      "tpu.region"() ({
        %run_scoped3A_88 = tpu.sem_alloc : memref<!tpu.dma_semaphore, #tpu.memory_space<semaphore_mem>>
        %dma_start3A_89 = arith.constant 0 : i32
        %dma_start3A_90 = arith.constant 0 : i32
        %dma_start3A_91 = tpu.memref_slice %arg7[%arg1, %dma_start3A_89, %dma_start3A_90] : memref<16x626x16xf32, #tpu.memory_space<hbm>> -> memref<1x626x16xf32, #tpu.memory_space<hbm>>
        %dma_start3A_92 = tpu.memref_squeeze %dma_start3A_91 : memref<1x626x16xf32, #tpu.memory_space<hbm>> -> memref<626x16xf32, #tpu.memory_space<hbm>>
        %dma_start3A_93 = arith.constant 0 : i32
        %dma_start3A_94 = tpu.memref_slice %arg14[%mul3A_2, %dma_start3A_93] : memref<10016x16xf32, #tpu.memory_space<vmem_shared>> -> memref<626x16xf32, #tpu.memory_space<vmem_shared>>
        tpu.enqueue_dma source(%dma_start3A_94 : memref<626x16xf32, #tpu.memory_space<vmem_shared>>) target(%dma_start3A_92 : memref<626x16xf32, #tpu.memory_space<hbm>>) target_semaphore(%run_scoped3A_88 : memref<!tpu.dma_semaphore, #tpu.memory_space<semaphore_mem>>)
        %dma_wait3A_95 = arith.constant 0 : i32
        %dma_wait3A_96 = arith.constant 0 : i32
        %dma_wait3A_97 = tpu.memref_slice %arg7[%arg1, %dma_wait3A_95, %dma_wait3A_96] : memref<16x626x16xf32, #tpu.memory_space<hbm>> -> memref<1x626x16xf32, #tpu.memory_space<hbm>>
        %dma_wait3A_98 = tpu.memref_squeeze %dma_wait3A_97 : memref<1x626x16xf32, #tpu.memory_space<hbm>> -> memref<626x16xf32, #tpu.memory_space<hbm>>
        %dma_wait3A_99 = arith.constant 0 : i32
        %dma_wait3A_100 = tpu.memref_slice %arg14[%mul3A_2, %dma_wait3A_99] : memref<10016x16xf32, #tpu.memory_space<vmem_shared>> -> memref<626x16xf32, #tpu.memory_space<vmem_shared>>
        tpu.wait_dma2 semaphore(%run_scoped3A_88 : memref<!tpu.dma_semaphore, #tpu.memory_space<semaphore_mem>>) src(%dma_wait3A_100 : memref<626x16xf32, #tpu.memory_space<vmem_shared>>) dst(%dma_wait3A_98 : memref<626x16xf32, #tpu.memory_space<hbm>>)
        tpu.yield
      }) : () -> ()
    } else {
    }
    %dma_start3A = arith.constant 0 : i32
    %dma_start3A_15 = arith.constant 0 : i32
    %dma_start3A_16 = tpu.memref_slice %arg10[%dma_start3A, %dma_start3A_15] : memref<5x128xi32, #tpu.memory_space<vmem>> -> memref<1x128xi32, #tpu.memory_space<vmem>>
    %dma_start3A_17 = tpu.memref_squeeze %dma_start3A_16 : memref<1x128xi32, #tpu.memory_space<vmem>> -> memref<128xi32, #tpu.memory_space<vmem>>
    %dma_start3A_18 = arith.constant 0 : i32
    %dma_start3A_19 = arith.constant 0 : i32
    %dma_start3A_20 = tpu.memref_slice %arg13[%dma_start3A_18, %dma_start3A_19] : memref<10016x16xf32, #tpu.memory_space<vmem_shared>> -> memref<10016x16xf32, #tpu.memory_space<vmem_shared>>
    tpu.enqueue_indirect_dma source(%dma_start3A_20 : memref<10016x16xf32, #tpu.memory_space<vmem_shared>>) target(%arg12 : memref<128x16xf32, #tpu.memory_space<vmem>>) offsets(%dma_start3A_17 : memref<128xi32, #tpu.memory_space<vmem>>) semaphore(%arg15 : memref<!tpu.dma_semaphore, #tpu.memory_space<semaphore_mem>>)
    %dma_wait3A = arith.constant 0 : i32
    %dma_wait3A_21 = arith.constant 0 : i32
    %dma_wait3A_22 = tpu.memref_slice %arg10[%dma_wait3A, %dma_wait3A_21] : memref<5x128xi32, #tpu.memory_space<vmem>> -> memref<1x128xi32, #tpu.memory_space<vmem>>
    %dma_wait3A_23 = tpu.memref_squeeze %dma_wait3A_22 : memref<1x128xi32, #tpu.memory_space<vmem>> -> memref<128xi32, #tpu.memory_space<vmem>>
    %dma_wait3A_24 = arith.constant 0 : i32
    %dma_wait3A_25 = arith.constant 0 : i32
    %dma_wait3A_26 = tpu.memref_slice %arg13[%dma_wait3A_24, %dma_wait3A_25] : memref<10016x16xf32, #tpu.memory_space<vmem_shared>> -> memref<10016x16xf32, #tpu.memory_space<vmem_shared>>
    tpu.wait_indirect_dma semaphore(%arg15 : memref<!tpu.dma_semaphore, #tpu.memory_space<semaphore_mem>>) src(%dma_wait3A_26 : memref<10016x16xf32, #tpu.memory_space<vmem_shared>>) dst(%arg12 : memref<128x16xf32, #tpu.memory_space<vmem>>)
    %run_scoped3A_27 = arith.constant 0 : i32
    "tpu.region"() ({
      %run_scoped3A_88 = tpu.sem_alloc : memref<!tpu.dma_semaphore, #tpu.memory_space<semaphore_mem>>
      %dma_start3A_89 = arith.constant 0 : i32
      %dma_start3A_90 = arith.constant 0 : i32
      %dma_start3A_91 = arith.constant 0 : i32
      %dma_start3A_92 = arith.constant 0 : i32
      %dma_start3A_93 = tpu.memref_slice %arg8[%arg0, %dma_start3A_89, %dma_start3A_90, %dma_start3A_91, %dma_start3A_92] : memref<2x16x5x128x16xf32, #tpu.memory_space<hbm>> -> memref<1x16x5x128x16xf32, #tpu.memory_space<hbm>>
      %dma_start3A_94 = tpu.memref_squeeze %dma_start3A_93 : memref<1x16x5x128x16xf32, #tpu.memory_space<hbm>> -> memref<16x5x128x16xf32, #tpu.memory_space<hbm>>
      %dma_start3A_95 = arith.constant 0 : i32
      %dma_start3A_96 = arith.constant 0 : i32
      %dma_start3A_97 = arith.constant 0 : i32
      %dma_start3A_98 = tpu.memref_slice %dma_start3A_94[%arg1, %dma_start3A_95, %dma_start3A_96, %dma_start3A_97] : memref<16x5x128x16xf32, #tpu.memory_space<hbm>> -> memref<1x5x128x16xf32, #tpu.memory_space<hbm>>
      %dma_start3A_99 = tpu.memref_squeeze %dma_start3A_98 : memref<1x5x128x16xf32, #tpu.memory_space<hbm>> -> memref<5x128x16xf32, #tpu.memory_space<hbm>>
      %dma_start3A_100 = arith.constant 0 : i32
      %dma_start3A_101 = arith.constant 0 : i32
      %dma_start3A_102 = tpu.memref_slice %dma_start3A_99[%run_scoped3A_27, %dma_start3A_100, %dma_start3A_101] : memref<5x128x16xf32, #tpu.memory_space<hbm>> -> memref<1x128x16xf32, #tpu.memory_space<hbm>>
      %dma_start3A_103 = tpu.memref_squeeze %dma_start3A_102 : memref<1x128x16xf32, #tpu.memory_space<hbm>> -> memref<128x16xf32, #tpu.memory_space<hbm>>
      %dma_start3A_104 = arith.constant 0 : i32
      %dma_start3A_105 = arith.constant 0 : i32
      %dma_start3A_106 = arith.constant 0 : i32
      %dma_start3A_107 = arith.constant 0 : i32
      %dma_start3A_108 = tpu.memref_slice %arg8[%arg0, %dma_start3A_104, %dma_start3A_105, %dma_start3A_106, %dma_start3A_107] : memref<2x16x5x128x16xf32, #tpu.memory_space<hbm>> -> memref<1x16x5x128x16xf32, #tpu.memory_space<hbm>>
      %dma_start3A_109 = tpu.memref_squeeze %dma_start3A_108 : memref<1x16x5x128x16xf32, #tpu.memory_space<hbm>> -> memref<16x5x128x16xf32, #tpu.memory_space<hbm>>
      %dma_start3A_110 = arith.constant 0 : i32
      %dma_start3A_111 = arith.constant 0 : i32
      %dma_start3A_112 = arith.constant 0 : i32
      %dma_start3A_113 = tpu.memref_slice %dma_start3A_109[%arg1, %dma_start3A_110, %dma_start3A_111, %dma_start3A_112] : memref<16x5x128x16xf32, #tpu.memory_space<hbm>> -> memref<1x5x128x16xf32, #tpu.memory_space<hbm>>
      %dma_start3A_114 = tpu.memref_squeeze %dma_start3A_113 : memref<1x5x128x16xf32, #tpu.memory_space<hbm>> -> memref<5x128x16xf32, #tpu.memory_space<hbm>>
      %dma_start3A_115 = arith.constant 0 : i32
      %dma_start3A_116 = arith.constant 0 : i32
      %dma_start3A_117 = tpu.memref_slice %dma_start3A_114[%run_scoped3A_27, %dma_start3A_115, %dma_start3A_116] : memref<5x128x16xf32, #tpu.memory_space<hbm>> -> memref<1x128x16xf32, #tpu.memory_space<hbm>>
      %dma_start3A_118 = tpu.memref_squeeze %dma_start3A_117 : memref<1x128x16xf32, #tpu.memory_space<hbm>> -> memref<128x16xf32, #tpu.memory_space<hbm>>
      tpu.enqueue_dma source(%arg12 : memref<128x16xf32, #tpu.memory_space<vmem>>) target(%dma_start3A_118 : memref<128x16xf32, #tpu.memory_space<hbm>>) target_semaphore(%run_scoped3A_88 : memref<!tpu.dma_semaphore, #tpu.memory_space<semaphore_mem>>)
      %dma_wait3A_119 = arith.constant 0 : i32
      %dma_wait3A_120 = arith.constant 0 : i32
      %dma_wait3A_121 = arith.constant 0 : i32
      %dma_wait3A_122 = arith.constant 0 : i32
      %dma_wait3A_123 = tpu.memref_slice %arg8[%arg0, %dma_wait3A_119, %dma_wait3A_120, %dma_wait3A_121, %dma_wait3A_122] : memref<2x16x5x128x16xf32, #tpu.memory_space<hbm>> -> memref<1x16x5x128x16xf32, #tpu.memory_space<hbm>>
      %dma_wait3A_124 = tpu.memref_squeeze %dma_wait3A_123 : memref<1x16x5x128x16xf32, #tpu.memory_space<hbm>> -> memref<16x5x128x16xf32, #tpu.memory_space<hbm>>
      %dma_wait3A_125 = arith.constant 0 : i32
      %dma_wait3A_126 = arith.constant 0 : i32
      %dma_wait3A_127 = arith.constant 0 : i32
      %dma_wait3A_128 = tpu.memref_slice %dma_wait3A_124[%arg1, %dma_wait3A_125, %dma_wait3A_126, %dma_wait3A_127] : memref<16x5x128x16xf32, #tpu.memory_space<hbm>> -> memref<1x5x128x16xf32, #tpu.memory_space<hbm>>
      %dma_wait3A_129 = tpu.memref_squeeze %dma_wait3A_128 : memref<1x5x128x16xf32, #tpu.memory_space<hbm>> -> memref<5x128x16xf32, #tpu.memory_space<hbm>>
      %dma_wait3A_130 = arith.constant 0 : i32
      %dma_wait3A_131 = arith.constant 0 : i32
      %dma_wait3A_132 = tpu.memref_slice %dma_wait3A_129[%run_scoped3A_27, %dma_wait3A_130, %dma_wait3A_131] : memref<5x128x16xf32, #tpu.memory_space<hbm>> -> memref<1x128x16xf32, #tpu.memory_space<hbm>>
      %dma_wait3A_133 = tpu.memref_squeeze %dma_wait3A_132 : memref<1x128x16xf32, #tpu.memory_space<hbm>> -> memref<128x16xf32, #tpu.memory_space<hbm>>
      %dma_wait3A_134 = arith.constant 0 : i32
      %dma_wait3A_135 = arith.constant 0 : i32
      %dma_wait3A_136 = arith.constant 0 : i32
      %dma_wait3A_137 = arith.constant 0 : i32
      %dma_wait3A_138 = tpu.memref_slice %arg8[%arg0, %dma_wait3A_134, %dma_wait3A_135, %dma_wait3A_136, %dma_wait3A_137] : memref<2x16x5x128x16xf32, #tpu.memory_space<hbm>> -> memref<1x16x5x128x16xf32, #tpu.memory_space<hbm>>
      %dma_wait3A_139 = tpu.memref_squeeze %dma_wait3A_138 : memref<1x16x5x128x16xf32, #tpu.memory_space<hbm>> -> memref<16x5x128x16xf32, #tpu.memory_space<hbm>>
      %dma_wait3A_140 = arith.constant 0 : i32
      %dma_wait3A_141 = arith.constant 0 : i32
      %dma_wait3A_142 = arith.constant 0 : i32
      %dma_wait3A_143 = tpu.memref_slice %dma_wait3A_139[%arg1, %dma_wait3A_140, %dma_wait3A_141, %dma_wait3A_142] : memref<16x5x128x16xf32, #tpu.memory_space<hbm>> -> memref<1x5x128x16xf32, #tpu.memory_space<hbm>>
      %dma_wait3A_144 = tpu.memref_squeeze %dma_wait3A_143 : memref<1x5x128x16xf32, #tpu.memory_space<hbm>> -> memref<5x128x16xf32, #tpu.memory_space<hbm>>
      %dma_wait3A_145 = arith.constant 0 : i32
      %dma_wait3A_146 = arith.constant 0 : i32
      %dma_wait3A_147 = tpu.memref_slice %dma_wait3A_144[%run_scoped3A_27, %dma_wait3A_145, %dma_wait3A_146] : memref<5x128x16xf32, #tpu.memory_space<hbm>> -> memref<1x128x16xf32, #tpu.memory_space<hbm>>
      %dma_wait3A_148 = tpu.memref_squeeze %dma_wait3A_147 : memref<1x128x16xf32, #tpu.memory_space<hbm>> -> memref<128x16xf32, #tpu.memory_space<hbm>>
      tpu.wait_dma2 semaphore(%run_scoped3A_88 : memref<!tpu.dma_semaphore, #tpu.memory_space<semaphore_mem>>) src(%arg12 : memref<128x16xf32, #tpu.memory_space<vmem>>) dst(%dma_wait3A_148 : memref<128x16xf32, #tpu.memory_space<hbm>>)
      tpu.yield
    }) : () -> ()
    %dma_start3A_28 = arith.constant 1 : i32
    %dma_start3A_29 = arith.constant 0 : i32
    %dma_start3A_30 = tpu.memref_slice %arg10[%dma_start3A_28, %dma_start3A_29] : memref<5x128xi32, #tpu.memory_space<vmem>> -> memref<1x128xi32, #tpu.memory_space<vmem>>
    %dma_start3A_31 = tpu.memref_squeeze %dma_start3A_30 : memref<1x128xi32, #tpu.memory_space<vmem>> -> memref<128xi32, #tpu.memory_space<vmem>>
    %dma_start3A_32 = arith.constant 0 : i32
    %dma_start3A_33 = arith.constant 0 : i32
    %dma_start3A_34 = tpu.memref_slice %arg13[%dma_start3A_32, %dma_start3A_33] : memref<10016x16xf32, #tpu.memory_space<vmem_shared>> -> memref<10016x16xf32, #tpu.memory_space<vmem_shared>>
    tpu.enqueue_indirect_dma source(%dma_start3A_34 : memref<10016x16xf32, #tpu.memory_space<vmem_shared>>) target(%arg12 : memref<128x16xf32, #tpu.memory_space<vmem>>) offsets(%dma_start3A_31 : memref<128xi32, #tpu.memory_space<vmem>>) semaphore(%arg15 : memref<!tpu.dma_semaphore, #tpu.memory_space<semaphore_mem>>)
    %dma_wait3A_35 = arith.constant 1 : i32
    %dma_wait3A_36 = arith.constant 0 : i32
    %dma_wait3A_37 = tpu.memref_slice %arg10[%dma_wait3A_35, %dma_wait3A_36] : memref<5x128xi32, #tpu.memory_space<vmem>> -> memref<1x128xi32, #tpu.memory_space<vmem>>
    %dma_wait3A_38 = tpu.memref_squeeze %dma_wait3A_37 : memref<1x128xi32, #tpu.memory_space<vmem>> -> memref<128xi32, #tpu.memory_space<vmem>>
    %dma_wait3A_39 = arith.constant 0 : i32
    %dma_wait3A_40 = arith.constant 0 : i32
    %dma_wait3A_41 = tpu.memref_slice %arg13[%dma_wait3A_39, %dma_wait3A_40] : memref<10016x16xf32, #tpu.memory_space<vmem_shared>> -> memref<10016x16xf32, #tpu.memory_space<vmem_shared>>
    tpu.wait_indirect_dma semaphore(%arg15 : memref<!tpu.dma_semaphore, #tpu.memory_space<semaphore_mem>>) src(%dma_wait3A_41 : memref<10016x16xf32, #tpu.memory_space<vmem_shared>>) dst(%arg12 : memref<128x16xf32, #tpu.memory_space<vmem>>)
    %run_scoped3A_42 = arith.constant 1 : i32
    "tpu.region"() ({
      %run_scoped3A_88 = tpu.sem_alloc : memref<!tpu.dma_semaphore, #tpu.memory_space<semaphore_mem>>
      %dma_start3A_89 = arith.constant 0 : i32
      %dma_start3A_90 = arith.constant 0 : i32
      %dma_start3A_91 = arith.constant 0 : i32
      %dma_start3A_92 = arith.constant 0 : i32
      %dma_start3A_93 = tpu.memref_slice %arg8[%arg0, %dma_start3A_89, %dma_start3A_90, %dma_start3A_91, %dma_start3A_92] : memref<2x16x5x128x16xf32, #tpu.memory_space<hbm>> -> memref<1x16x5x128x16xf32, #tpu.memory_space<hbm>>
      %dma_start3A_94 = tpu.memref_squeeze %dma_start3A_93 : memref<1x16x5x128x16xf32, #tpu.memory_space<hbm>> -> memref<16x5x128x16xf32, #tpu.memory_space<hbm>>
      %dma_start3A_95 = arith.constant 0 : i32
      %dma_start3A_96 = arith.constant 0 : i32
      %dma_start3A_97 = arith.constant 0 : i32
      %dma_start3A_98 = tpu.memref_slice %dma_start3A_94[%arg1, %dma_start3A_95, %dma_start3A_96, %dma_start3A_97] : memref<16x5x128x16xf32, #tpu.memory_space<hbm>> -> memref<1x5x128x16xf32, #tpu.memory_space<hbm>>
      %dma_start3A_99 = tpu.memref_squeeze %dma_start3A_98 : memref<1x5x128x16xf32, #tpu.memory_space<hbm>> -> memref<5x128x16xf32, #tpu.memory_space<hbm>>
      %dma_start3A_100 = arith.constant 0 : i32
      %dma_start3A_101 = arith.constant 0 : i32
      %dma_start3A_102 = tpu.memref_slice %dma_start3A_99[%run_scoped3A_42, %dma_start3A_100, %dma_start3A_101] : memref<5x128x16xf32, #tpu.memory_space<hbm>> -> memref<1x128x16xf32, #tpu.memory_space<hbm>>
      %dma_start3A_103 = tpu.memref_squeeze %dma_start3A_102 : memref<1x128x16xf32, #tpu.memory_space<hbm>> -> memref<128x16xf32, #tpu.memory_space<hbm>>
      %dma_start3A_104 = arith.constant 0 : i32
      %dma_start3A_105 = arith.constant 0 : i32
      %dma_start3A_106 = arith.constant 0 : i32
      %dma_start3A_107 = arith.constant 0 : i32
      %dma_start3A_108 = tpu.memref_slice %arg8[%arg0, %dma_start3A_104, %dma_start3A_105, %dma_start3A_106, %dma_start3A_107] : memref<2x16x5x128x16xf32, #tpu.memory_space<hbm>> -> memref<1x16x5x128x16xf32, #tpu.memory_space<hbm>>
      %dma_start3A_109 = tpu.memref_squeeze %dma_start3A_108 : memref<1x16x5x128x16xf32, #tpu.memory_space<hbm>> -> memref<16x5x128x16xf32, #tpu.memory_space<hbm>>
      %dma_start3A_110 = arith.constant 0 : i32
      %dma_start3A_111 = arith.constant 0 : i32
      %dma_start3A_112 = arith.constant 0 : i32
      %dma_start3A_113 = tpu.memref_slice %dma_start3A_109[%arg1, %dma_start3A_110, %dma_start3A_111, %dma_start3A_112] : memref<16x5x128x16xf32, #tpu.memory_space<hbm>> -> memref<1x5x128x16xf32, #tpu.memory_space<hbm>>
      %dma_start3A_114 = tpu.memref_squeeze %dma_start3A_113 : memref<1x5x128x16xf32, #tpu.memory_space<hbm>> -> memref<5x128x16xf32, #tpu.memory_space<hbm>>
      %dma_start3A_115 = arith.constant 0 : i32
      %dma_start3A_116 = arith.constant 0 : i32
      %dma_start3A_117 = tpu.memref_slice %dma_start3A_114[%run_scoped3A_42, %dma_start3A_115, %dma_start3A_116] : memref<5x128x16xf32, #tpu.memory_space<hbm>> -> memref<1x128x16xf32, #tpu.memory_space<hbm>>
      %dma_start3A_118 = tpu.memref_squeeze %dma_start3A_117 : memref<1x128x16xf32, #tpu.memory_space<hbm>> -> memref<128x16xf32, #tpu.memory_space<hbm>>
      tpu.enqueue_dma source(%arg12 : memref<128x16xf32, #tpu.memory_space<vmem>>) target(%dma_start3A_118 : memref<128x16xf32, #tpu.memory_space<hbm>>) target_semaphore(%run_scoped3A_88 : memref<!tpu.dma_semaphore, #tpu.memory_space<semaphore_mem>>)
      %dma_wait3A_119 = arith.constant 0 : i32
      %dma_wait3A_120 = arith.constant 0 : i32
      %dma_wait3A_121 = arith.constant 0 : i32
      %dma_wait3A_122 = arith.constant 0 : i32
      %dma_wait3A_123 = tpu.memref_slice %arg8[%arg0, %dma_wait3A_119, %dma_wait3A_120, %dma_wait3A_121, %dma_wait3A_122] : memref<2x16x5x128x16xf32, #tpu.memory_space<hbm>> -> memref<1x16x5x128x16xf32, #tpu.memory_space<hbm>>
      %dma_wait3A_124 = tpu.memref_squeeze %dma_wait3A_123 : memref<1x16x5x128x16xf32, #tpu.memory_space<hbm>> -> memref<16x5x128x16xf32, #tpu.memory_space<hbm>>
      %dma_wait3A_125 = arith.constant 0 : i32
      %dma_wait3A_126 = arith.constant 0 : i32
      %dma_wait3A_127 = arith.constant 0 : i32
      %dma_wait3A_128 = tpu.memref_slice %dma_wait3A_124[%arg1, %dma_wait3A_125, %dma_wait3A_126, %dma_wait3A_127] : memref<16x5x128x16xf32, #tpu.memory_space<hbm>> -> memref<1x5x128x16xf32, #tpu.memory_space<hbm>>
      %dma_wait3A_129 = tpu.memref_squeeze %dma_wait3A_128 : memref<1x5x128x16xf32, #tpu.memory_space<hbm>> -> memref<5x128x16xf32, #tpu.memory_space<hbm>>
      %dma_wait3A_130 = arith.constant 0 : i32
      %dma_wait3A_131 = arith.constant 0 : i32
      %dma_wait3A_132 = tpu.memref_slice %dma_wait3A_129[%run_scoped3A_42, %dma_wait3A_130, %dma_wait3A_131] : memref<5x128x16xf32, #tpu.memory_space<hbm>> -> memref<1x128x16xf32, #tpu.memory_space<hbm>>
      %dma_wait3A_133 = tpu.memref_squeeze %dma_wait3A_132 : memref<1x128x16xf32, #tpu.memory_space<hbm>> -> memref<128x16xf32, #tpu.memory_space<hbm>>
      %dma_wait3A_134 = arith.constant 0 : i32
      %dma_wait3A_135 = arith.constant 0 : i32
      %dma_wait3A_136 = arith.constant 0 : i32
      %dma_wait3A_137 = arith.constant 0 : i32
      %dma_wait3A_138 = tpu.memref_slice %arg8[%arg0, %dma_wait3A_134, %dma_wait3A_135, %dma_wait3A_136, %dma_wait3A_137] : memref<2x16x5x128x16xf32, #tpu.memory_space<hbm>> -> memref<1x16x5x128x16xf32, #tpu.memory_space<hbm>>
      %dma_wait3A_139 = tpu.memref_squeeze %dma_wait3A_138 : memref<1x16x5x128x16xf32, #tpu.memory_space<hbm>> -> memref<16x5x128x16xf32, #tpu.memory_space<hbm>>
      %dma_wait3A_140 = arith.constant 0 : i32
      %dma_wait3A_141 = arith.constant 0 : i32
      %dma_wait3A_142 = arith.constant 0 : i32
      %dma_wait3A_143 = tpu.memref_slice %dma_wait3A_139[%arg1, %dma_wait3A_140, %dma_wait3A_141, %dma_wait3A_142] : memref<16x5x128x16xf32, #tpu.memory_space<hbm>> -> memref<1x5x128x16xf32, #tpu.memory_space<hbm>>
      %dma_wait3A_144 = tpu.memref_squeeze %dma_wait3A_143 : memref<1x5x128x16xf32, #tpu.memory_space<hbm>> -> memref<5x128x16xf32, #tpu.memory_space<hbm>>
      %dma_wait3A_145 = arith.constant 0 : i32
      %dma_wait3A_146 = arith.constant 0 : i32
      %dma_wait3A_147 = tpu.memref_slice %dma_wait3A_144[%run_scoped3A_42, %dma_wait3A_145, %dma_wait3A_146] : memref<5x128x16xf32, #tpu.memory_space<hbm>> -> memref<1x128x16xf32, #tpu.memory_space<hbm>>
      %dma_wait3A_148 = tpu.memref_squeeze %dma_wait3A_147 : memref<1x128x16xf32, #tpu.memory_space<hbm>> -> memref<128x16xf32, #tpu.memory_space<hbm>>
      tpu.wait_dma2 semaphore(%run_scoped3A_88 : memref<!tpu.dma_semaphore, #tpu.memory_space<semaphore_mem>>) src(%arg12 : memref<128x16xf32, #tpu.memory_space<vmem>>) dst(%dma_wait3A_148 : memref<128x16xf32, #tpu.memory_space<hbm>>)
      tpu.yield
    }) : () -> ()
    %dma_start3A_43 = arith.constant 2 : i32
    %dma_start3A_44 = arith.constant 0 : i32
    %dma_start3A_45 = tpu.memref_slice %arg10[%dma_start3A_43, %dma_start3A_44] : memref<5x128xi32, #tpu.memory_space<vmem>> -> memref<1x128xi32, #tpu.memory_space<vmem>>
    %dma_start3A_46 = tpu.memref_squeeze %dma_start3A_45 : memref<1x128xi32, #tpu.memory_space<vmem>> -> memref<128xi32, #tpu.memory_space<vmem>>
    %dma_start3A_47 = arith.constant 0 : i32
    %dma_start3A_48 = arith.constant 0 : i32
    %dma_start3A_49 = tpu.memref_slice %arg13[%dma_start3A_47, %dma_start3A_48] : memref<10016x16xf32, #tpu.memory_space<vmem_shared>> -> memref<10016x16xf32, #tpu.memory_space<vmem_shared>>
    tpu.enqueue_indirect_dma source(%dma_start3A_49 : memref<10016x16xf32, #tpu.memory_space<vmem_shared>>) target(%arg12 : memref<128x16xf32, #tpu.memory_space<vmem>>) offsets(%dma_start3A_46 : memref<128xi32, #tpu.memory_space<vmem>>) semaphore(%arg15 : memref<!tpu.dma_semaphore, #tpu.memory_space<semaphore_mem>>)
    %dma_wait3A_50 = arith.constant 2 : i32
    %dma_wait3A_51 = arith.constant 0 : i32
    %dma_wait3A_52 = tpu.memref_slice %arg10[%dma_wait3A_50, %dma_wait3A_51] : memref<5x128xi32, #tpu.memory_space<vmem>> -> memref<1x128xi32, #tpu.memory_space<vmem>>
    %dma_wait3A_53 = tpu.memref_squeeze %dma_wait3A_52 : memref<1x128xi32, #tpu.memory_space<vmem>> -> memref<128xi32, #tpu.memory_space<vmem>>
    %dma_wait3A_54 = arith.constant 0 : i32
    %dma_wait3A_55 = arith.constant 0 : i32
    %dma_wait3A_56 = tpu.memref_slice %arg13[%dma_wait3A_54, %dma_wait3A_55] : memref<10016x16xf32, #tpu.memory_space<vmem_shared>> -> memref<10016x16xf32, #tpu.memory_space<vmem_shared>>
    tpu.wait_indirect_dma semaphore(%arg15 : memref<!tpu.dma_semaphore, #tpu.memory_space<semaphore_mem>>) src(%dma_wait3A_56 : memref<10016x16xf32, #tpu.memory_space<vmem_shared>>) dst(%arg12 : memref<128x16xf32, #tpu.memory_space<vmem>>)
    %run_scoped3A_57 = arith.constant 2 : i32
    "tpu.region"() ({
      %run_scoped3A_88 = tpu.sem_alloc : memref<!tpu.dma_semaphore, #tpu.memory_space<semaphore_mem>>
      %dma_start3A_89 = arith.constant 0 : i32
      %dma_start3A_90 = arith.constant 0 : i32
      %dma_start3A_91 = arith.constant 0 : i32
      %dma_start3A_92 = arith.constant 0 : i32
      %dma_start3A_93 = tpu.memref_slice %arg8[%arg0, %dma_start3A_89, %dma_start3A_90, %dma_start3A_91, %dma_start3A_92] : memref<2x16x5x128x16xf32, #tpu.memory_space<hbm>> -> memref<1x16x5x128x16xf32, #tpu.memory_space<hbm>>
      %dma_start3A_94 = tpu.memref_squeeze %dma_start3A_93 : memref<1x16x5x128x16xf32, #tpu.memory_space<hbm>> -> memref<16x5x128x16xf32, #tpu.memory_space<hbm>>
      %dma_start3A_95 = arith.constant 0 : i32
      %dma_start3A_96 = arith.constant 0 : i32
      %dma_start3A_97 = arith.constant 0 : i32
      %dma_start3A_98 = tpu.memref_slice %dma_start3A_94[%arg1, %dma_start3A_95, %dma_start3A_96, %dma_start3A_97] : memref<16x5x128x16xf32, #tpu.memory_space<hbm>> -> memref<1x5x128x16xf32, #tpu.memory_space<hbm>>
      %dma_start3A_99 = tpu.memref_squeeze %dma_start3A_98 : memref<1x5x128x16xf32, #tpu.memory_space<hbm>> -> memref<5x128x16xf32, #tpu.memory_space<hbm>>
      %dma_start3A_100 = arith.constant 0 : i32
      %dma_start3A_101 = arith.constant 0 : i32
      %dma_start3A_102 = tpu.memref_slice %dma_start3A_99[%run_scoped3A_57, %dma_start3A_100, %dma_start3A_101] : memref<5x128x16xf32, #tpu.memory_space<hbm>> -> memref<1x128x16xf32, #tpu.memory_space<hbm>>
      %dma_start3A_103 = tpu.memref_squeeze %dma_start3A_102 : memref<1x128x16xf32, #tpu.memory_space<hbm>> -> memref<128x16xf32, #tpu.memory_space<hbm>>
      %dma_start3A_104 = arith.constant 0 : i32
      %dma_start3A_105 = arith.constant 0 : i32
      %dma_start3A_106 = arith.constant 0 : i32
      %dma_start3A_107 = arith.constant 0 : i32
      %dma_start3A_108 = tpu.memref_slice %arg8[%arg0, %dma_start3A_104, %dma_start3A_105, %dma_start3A_106, %dma_start3A_107] : memref<2x16x5x128x16xf32, #tpu.memory_space<hbm>> -> memref<1x16x5x128x16xf32, #tpu.memory_space<hbm>>
      %dma_start3A_109 = tpu.memref_squeeze %dma_start3A_108 : memref<1x16x5x128x16xf32, #tpu.memory_space<hbm>> -> memref<16x5x128x16xf32, #tpu.memory_space<hbm>>
      %dma_start3A_110 = arith.constant 0 : i32
      %dma_start3A_111 = arith.constant 0 : i32
      %dma_start3A_112 = arith.constant 0 : i32
      %dma_start3A_113 = tpu.memref_slice %dma_start3A_109[%arg1, %dma_start3A_110, %dma_start3A_111, %dma_start3A_112] : memref<16x5x128x16xf32, #tpu.memory_space<hbm>> -> memref<1x5x128x16xf32, #tpu.memory_space<hbm>>
      %dma_start3A_114 = tpu.memref_squeeze %dma_start3A_113 : memref<1x5x128x16xf32, #tpu.memory_space<hbm>> -> memref<5x128x16xf32, #tpu.memory_space<hbm>>
      %dma_start3A_115 = arith.constant 0 : i32
      %dma_start3A_116 = arith.constant 0 : i32
      %dma_start3A_117 = tpu.memref_slice %dma_start3A_114[%run_scoped3A_57, %dma_start3A_115, %dma_start3A_116] : memref<5x128x16xf32, #tpu.memory_space<hbm>> -> memref<1x128x16xf32, #tpu.memory_space<hbm>>
      %dma_start3A_118 = tpu.memref_squeeze %dma_start3A_117 : memref<1x128x16xf32, #tpu.memory_space<hbm>> -> memref<128x16xf32, #tpu.memory_space<hbm>>
      tpu.enqueue_dma source(%arg12 : memref<128x16xf32, #tpu.memory_space<vmem>>) target(%dma_start3A_118 : memref<128x16xf32, #tpu.memory_space<hbm>>) target_semaphore(%run_scoped3A_88 : memref<!tpu.dma_semaphore, #tpu.memory_space<semaphore_mem>>)
      %dma_wait3A_119 = arith.constant 0 : i32
      %dma_wait3A_120 = arith.constant 0 : i32
      %dma_wait3A_121 = arith.constant 0 : i32
      %dma_wait3A_122 = arith.constant 0 : i32
      %dma_wait3A_123 = tpu.memref_slice %arg8[%arg0, %dma_wait3A_119, %dma_wait3A_120, %dma_wait3A_121, %dma_wait3A_122] : memref<2x16x5x128x16xf32, #tpu.memory_space<hbm>> -> memref<1x16x5x128x16xf32, #tpu.memory_space<hbm>>
      %dma_wait3A_124 = tpu.memref_squeeze %dma_wait3A_123 : memref<1x16x5x128x16xf32, #tpu.memory_space<hbm>> -> memref<16x5x128x16xf32, #tpu.memory_space<hbm>>
      %dma_wait3A_125 = arith.constant 0 : i32
      %dma_wait3A_126 = arith.constant 0 : i32
      %dma_wait3A_127 = arith.constant 0 : i32
      %dma_wait3A_128 = tpu.memref_slice %dma_wait3A_124[%arg1, %dma_wait3A_125, %dma_wait3A_126, %dma_wait3A_127] : memref<16x5x128x16xf32, #tpu.memory_space<hbm>> -> memref<1x5x128x16xf32, #tpu.memory_space<hbm>>
      %dma_wait3A_129 = tpu.memref_squeeze %dma_wait3A_128 : memref<1x5x128x16xf32, #tpu.memory_space<hbm>> -> memref<5x128x16xf32, #tpu.memory_space<hbm>>
      %dma_wait3A_130 = arith.constant 0 : i32
      %dma_wait3A_131 = arith.constant 0 : i32
      %dma_wait3A_132 = tpu.memref_slice %dma_wait3A_129[%run_scoped3A_57, %dma_wait3A_130, %dma_wait3A_131] : memref<5x128x16xf32, #tpu.memory_space<hbm>> -> memref<1x128x16xf32, #tpu.memory_space<hbm>>
      %dma_wait3A_133 = tpu.memref_squeeze %dma_wait3A_132 : memref<1x128x16xf32, #tpu.memory_space<hbm>> -> memref<128x16xf32, #tpu.memory_space<hbm>>
      %dma_wait3A_134 = arith.constant 0 : i32
      %dma_wait3A_135 = arith.constant 0 : i32
      %dma_wait3A_136 = arith.constant 0 : i32
      %dma_wait3A_137 = arith.constant 0 : i32
      %dma_wait3A_138 = tpu.memref_slice %arg8[%arg0, %dma_wait3A_134, %dma_wait3A_135, %dma_wait3A_136, %dma_wait3A_137] : memref<2x16x5x128x16xf32, #tpu.memory_space<hbm>> -> memref<1x16x5x128x16xf32, #tpu.memory_space<hbm>>
      %dma_wait3A_139 = tpu.memref_squeeze %dma_wait3A_138 : memref<1x16x5x128x16xf32, #tpu.memory_space<hbm>> -> memref<16x5x128x16xf32, #tpu.memory_space<hbm>>
      %dma_wait3A_140 = arith.constant 0 : i32
      %dma_wait3A_141 = arith.constant 0 : i32
      %dma_wait3A_142 = arith.constant 0 : i32
      %dma_wait3A_143 = tpu.memref_slice %dma_wait3A_139[%arg1, %dma_wait3A_140, %dma_wait3A_141, %dma_wait3A_142] : memref<16x5x128x16xf32, #tpu.memory_space<hbm>> -> memref<1x5x128x16xf32, #tpu.memory_space<hbm>>
      %dma_wait3A_144 = tpu.memref_squeeze %dma_wait3A_143 : memref<1x5x128x16xf32, #tpu.memory_space<hbm>> -> memref<5x128x16xf32, #tpu.memory_space<hbm>>
      %dma_wait3A_145 = arith.constant 0 : i32
      %dma_wait3A_146 = arith.constant 0 : i32
      %dma_wait3A_147 = tpu.memref_slice %dma_wait3A_144[%run_scoped3A_57, %dma_wait3A_145, %dma_wait3A_146] : memref<5x128x16xf32, #tpu.memory_space<hbm>> -> memref<1x128x16xf32, #tpu.memory_space<hbm>>
      %dma_wait3A_148 = tpu.memref_squeeze %dma_wait3A_147 : memref<1x128x16xf32, #tpu.memory_space<hbm>> -> memref<128x16xf32, #tpu.memory_space<hbm>>
      tpu.wait_dma2 semaphore(%run_scoped3A_88 : memref<!tpu.dma_semaphore, #tpu.memory_space<semaphore_mem>>) src(%arg12 : memref<128x16xf32, #tpu.memory_space<vmem>>) dst(%dma_wait3A_148 : memref<128x16xf32, #tpu.memory_space<hbm>>)
      tpu.yield
    }) : () -> ()
    %dma_start3A_58 = arith.constant 3 : i32
    %dma_start3A_59 = arith.constant 0 : i32
    %dma_start3A_60 = tpu.memref_slice %arg10[%dma_start3A_58, %dma_start3A_59] : memref<5x128xi32, #tpu.memory_space<vmem>> -> memref<1x128xi32, #tpu.memory_space<vmem>>
    %dma_start3A_61 = tpu.memref_squeeze %dma_start3A_60 : memref<1x128xi32, #tpu.memory_space<vmem>> -> memref<128xi32, #tpu.memory_space<vmem>>
    %dma_start3A_62 = arith.constant 0 : i32
    %dma_start3A_63 = arith.constant 0 : i32
    %dma_start3A_64 = tpu.memref_slice %arg13[%dma_start3A_62, %dma_start3A_63] : memref<10016x16xf32, #tpu.memory_space<vmem_shared>> -> memref<10016x16xf32, #tpu.memory_space<vmem_shared>>
    tpu.enqueue_indirect_dma source(%dma_start3A_64 : memref<10016x16xf32, #tpu.memory_space<vmem_shared>>) target(%arg12 : memref<128x16xf32, #tpu.memory_space<vmem>>) offsets(%dma_start3A_61 : memref<128xi32, #tpu.memory_space<vmem>>) semaphore(%arg15 : memref<!tpu.dma_semaphore, #tpu.memory_space<semaphore_mem>>)
    %dma_wait3A_65 = arith.constant 3 : i32
    %dma_wait3A_66 = arith.constant 0 : i32
    %dma_wait3A_67 = tpu.memref_slice %arg10[%dma_wait3A_65, %dma_wait3A_66] : memref<5x128xi32, #tpu.memory_space<vmem>> -> memref<1x128xi32, #tpu.memory_space<vmem>>
    %dma_wait3A_68 = tpu.memref_squeeze %dma_wait3A_67 : memref<1x128xi32, #tpu.memory_space<vmem>> -> memref<128xi32, #tpu.memory_space<vmem>>
    %dma_wait3A_69 = arith.constant 0 : i32
    %dma_wait3A_70 = arith.constant 0 : i32
    %dma_wait3A_71 = tpu.memref_slice %arg13[%dma_wait3A_69, %dma_wait3A_70] : memref<10016x16xf32, #tpu.memory_space<vmem_shared>> -> memref<10016x16xf32, #tpu.memory_space<vmem_shared>>
    tpu.wait_indirect_dma semaphore(%arg15 : memref<!tpu.dma_semaphore, #tpu.memory_space<semaphore_mem>>) src(%dma_wait3A_71 : memref<10016x16xf32, #tpu.memory_space<vmem_shared>>) dst(%arg12 : memref<128x16xf32, #tpu.memory_space<vmem>>)
    %run_scoped3A_72 = arith.constant 3 : i32
    "tpu.region"() ({
      %run_scoped3A_88 = tpu.sem_alloc : memref<!tpu.dma_semaphore, #tpu.memory_space<semaphore_mem>>
      %dma_start3A_89 = arith.constant 0 : i32
      %dma_start3A_90 = arith.constant 0 : i32
      %dma_start3A_91 = arith.constant 0 : i32
      %dma_start3A_92 = arith.constant 0 : i32
      %dma_start3A_93 = tpu.memref_slice %arg8[%arg0, %dma_start3A_89, %dma_start3A_90, %dma_start3A_91, %dma_start3A_92] : memref<2x16x5x128x16xf32, #tpu.memory_space<hbm>> -> memref<1x16x5x128x16xf32, #tpu.memory_space<hbm>>
      %dma_start3A_94 = tpu.memref_squeeze %dma_start3A_93 : memref<1x16x5x128x16xf32, #tpu.memory_space<hbm>> -> memref<16x5x128x16xf32, #tpu.memory_space<hbm>>
      %dma_start3A_95 = arith.constant 0 : i32
      %dma_start3A_96 = arith.constant 0 : i32
      %dma_start3A_97 = arith.constant 0 : i32
      %dma_start3A_98 = tpu.memref_slice %dma_start3A_94[%arg1, %dma_start3A_95, %dma_start3A_96, %dma_start3A_97] : memref<16x5x128x16xf32, #tpu.memory_space<hbm>> -> memref<1x5x128x16xf32, #tpu.memory_space<hbm>>
      %dma_start3A_99 = tpu.memref_squeeze %dma_start3A_98 : memref<1x5x128x16xf32, #tpu.memory_space<hbm>> -> memref<5x128x16xf32, #tpu.memory_space<hbm>>
      %dma_start3A_100 = arith.constant 0 : i32
      %dma_start3A_101 = arith.constant 0 : i32
      %dma_start3A_102 = tpu.memref_slice %dma_start3A_99[%run_scoped3A_72, %dma_start3A_100, %dma_start3A_101] : memref<5x128x16xf32, #tpu.memory_space<hbm>> -> memref<1x128x16xf32, #tpu.memory_space<hbm>>
      %dma_start3A_103 = tpu.memref_squeeze %dma_start3A_102 : memref<1x128x16xf32, #tpu.memory_space<hbm>> -> memref<128x16xf32, #tpu.memory_space<hbm>>
      %dma_start3A_104 = arith.constant 0 : i32
      %dma_start3A_105 = arith.constant 0 : i32
      %dma_start3A_106 = arith.constant 0 : i32
      %dma_start3A_107 = arith.constant 0 : i32
      %dma_start3A_108 = tpu.memref_slice %arg8[%arg0, %dma_start3A_104, %dma_start3A_105, %dma_start3A_106, %dma_start3A_107] : memref<2x16x5x128x16xf32, #tpu.memory_space<hbm>> -> memref<1x16x5x128x16xf32, #tpu.memory_space<hbm>>
      %dma_start3A_109 = tpu.memref_squeeze %dma_start3A_108 : memref<1x16x5x128x16xf32, #tpu.memory_space<hbm>> -> memref<16x5x128x16xf32, #tpu.memory_space<hbm>>
      %dma_start3A_110 = arith.constant 0 : i32
      %dma_start3A_111 = arith.constant 0 : i32
      %dma_start3A_112 = arith.constant 0 : i32
      %dma_start3A_113 = tpu.memref_slice %dma_start3A_109[%arg1, %dma_start3A_110, %dma_start3A_111, %dma_start3A_112] : memref<16x5x128x16xf32, #tpu.memory_space<hbm>> -> memref<1x5x128x16xf32, #tpu.memory_space<hbm>>
      %dma_start3A_114 = tpu.memref_squeeze %dma_start3A_113 : memref<1x5x128x16xf32, #tpu.memory_space<hbm>> -> memref<5x128x16xf32, #tpu.memory_space<hbm>>
      %dma_start3A_115 = arith.constant 0 : i32
      %dma_start3A_116 = arith.constant 0 : i32
      %dma_start3A_117 = tpu.memref_slice %dma_start3A_114[%run_scoped3A_72, %dma_start3A_115, %dma_start3A_116] : memref<5x128x16xf32, #tpu.memory_space<hbm>> -> memref<1x128x16xf32, #tpu.memory_space<hbm>>
      %dma_start3A_118 = tpu.memref_squeeze %dma_start3A_117 : memref<1x128x16xf32, #tpu.memory_space<hbm>> -> memref<128x16xf32, #tpu.memory_space<hbm>>
      tpu.enqueue_dma source(%arg12 : memref<128x16xf32, #tpu.memory_space<vmem>>) target(%dma_start3A_118 : memref<128x16xf32, #tpu.memory_space<hbm>>) target_semaphore(%run_scoped3A_88 : memref<!tpu.dma_semaphore, #tpu.memory_space<semaphore_mem>>)
      %dma_wait3A_119 = arith.constant 0 : i32
      %dma_wait3A_120 = arith.constant 0 : i32
      %dma_wait3A_121 = arith.constant 0 : i32
      %dma_wait3A_122 = arith.constant 0 : i32
      %dma_wait3A_123 = tpu.memref_slice %arg8[%arg0, %dma_wait3A_119, %dma_wait3A_120, %dma_wait3A_121, %dma_wait3A_122] : memref<2x16x5x128x16xf32, #tpu.memory_space<hbm>> -> memref<1x16x5x128x16xf32, #tpu.memory_space<hbm>>
      %dma_wait3A_124 = tpu.memref_squeeze %dma_wait3A_123 : memref<1x16x5x128x16xf32, #tpu.memory_space<hbm>> -> memref<16x5x128x16xf32, #tpu.memory_space<hbm>>
      %dma_wait3A_125 = arith.constant 0 : i32
      %dma_wait3A_126 = arith.constant 0 : i32
      %dma_wait3A_127 = arith.constant 0 : i32
      %dma_wait3A_128 = tpu.memref_slice %dma_wait3A_124[%arg1, %dma_wait3A_125, %dma_wait3A_126, %dma_wait3A_127] : memref<16x5x128x16xf32, #tpu.memory_space<hbm>> -> memref<1x5x128x16xf32, #tpu.memory_space<hbm>>
      %dma_wait3A_129 = tpu.memref_squeeze %dma_wait3A_128 : memref<1x5x128x16xf32, #tpu.memory_space<hbm>> -> memref<5x128x16xf32, #tpu.memory_space<hbm>>
      %dma_wait3A_130 = arith.constant 0 : i32
      %dma_wait3A_131 = arith.constant 0 : i32
      %dma_wait3A_132 = tpu.memref_slice %dma_wait3A_129[%run_scoped3A_72, %dma_wait3A_130, %dma_wait3A_131] : memref<5x128x16xf32, #tpu.memory_space<hbm>> -> memref<1x128x16xf32, #tpu.memory_space<hbm>>
      %dma_wait3A_133 = tpu.memref_squeeze %dma_wait3A_132 : memref<1x128x16xf32, #tpu.memory_space<hbm>> -> memref<128x16xf32, #tpu.memory_space<hbm>>
      %dma_wait3A_134 = arith.constant 0 : i32
      %dma_wait3A_135 = arith.constant 0 : i32
      %dma_wait3A_136 = arith.constant 0 : i32
      %dma_wait3A_137 = arith.constant 0 : i32
      %dma_wait3A_138 = tpu.memref_slice %arg8[%arg0, %dma_wait3A_134, %dma_wait3A_135, %dma_wait3A_136, %dma_wait3A_137] : memref<2x16x5x128x16xf32, #tpu.memory_space<hbm>> -> memref<1x16x5x128x16xf32, #tpu.memory_space<hbm>>
      %dma_wait3A_139 = tpu.memref_squeeze %dma_wait3A_138 : memref<1x16x5x128x16xf32, #tpu.memory_space<hbm>> -> memref<16x5x128x16xf32, #tpu.memory_space<hbm>>
      %dma_wait3A_140 = arith.constant 0 : i32
      %dma_wait3A_141 = arith.constant 0 : i32
      %dma_wait3A_142 = arith.constant 0 : i32
      %dma_wait3A_143 = tpu.memref_slice %dma_wait3A_139[%arg1, %dma_wait3A_140, %dma_wait3A_141, %dma_wait3A_142] : memref<16x5x128x16xf32, #tpu.memory_space<hbm>> -> memref<1x5x128x16xf32, #tpu.memory_space<hbm>>
      %dma_wait3A_144 = tpu.memref_squeeze %dma_wait3A_143 : memref<1x5x128x16xf32, #tpu.memory_space<hbm>> -> memref<5x128x16xf32, #tpu.memory_space<hbm>>
      %dma_wait3A_145 = arith.constant 0 : i32
      %dma_wait3A_146 = arith.constant 0 : i32
      %dma_wait3A_147 = tpu.memref_slice %dma_wait3A_144[%run_scoped3A_72, %dma_wait3A_145, %dma_wait3A_146] : memref<5x128x16xf32, #tpu.memory_space<hbm>> -> memref<1x128x16xf32, #tpu.memory_space<hbm>>
      %dma_wait3A_148 = tpu.memref_squeeze %dma_wait3A_147 : memref<1x128x16xf32, #tpu.memory_space<hbm>> -> memref<128x16xf32, #tpu.memory_space<hbm>>
      tpu.wait_dma2 semaphore(%run_scoped3A_88 : memref<!tpu.dma_semaphore, #tpu.memory_space<semaphore_mem>>) src(%arg12 : memref<128x16xf32, #tpu.memory_space<vmem>>) dst(%dma_wait3A_148 : memref<128x16xf32, #tpu.memory_space<hbm>>)
      tpu.yield
    }) : () -> ()
    %dma_start3A_73 = arith.constant 4 : i32
    %dma_start3A_74 = arith.constant 0 : i32
    %dma_start3A_75 = tpu.memref_slice %arg10[%dma_start3A_73, %dma_start3A_74] : memref<5x128xi32, #tpu.memory_space<vmem>> -> memref<1x128xi32, #tpu.memory_space<vmem>>
    %dma_start3A_76 = tpu.memref_squeeze %dma_start3A_75 : memref<1x128xi32, #tpu.memory_space<vmem>> -> memref<128xi32, #tpu.memory_space<vmem>>
    %dma_start3A_77 = arith.constant 0 : i32
    %dma_start3A_78 = arith.constant 0 : i32
    %dma_start3A_79 = tpu.memref_slice %arg13[%dma_start3A_77, %dma_start3A_78] : memref<10016x16xf32, #tpu.memory_space<vmem_shared>> -> memref<10016x16xf32, #tpu.memory_space<vmem_shared>>
    tpu.enqueue_indirect_dma source(%dma_start3A_79 : memref<10016x16xf32, #tpu.memory_space<vmem_shared>>) target(%arg12 : memref<128x16xf32, #tpu.memory_space<vmem>>) offsets(%dma_start3A_76 : memref<128xi32, #tpu.memory_space<vmem>>) semaphore(%arg15 : memref<!tpu.dma_semaphore, #tpu.memory_space<semaphore_mem>>)
    %dma_wait3A_80 = arith.constant 4 : i32
    %dma_wait3A_81 = arith.constant 0 : i32
    %dma_wait3A_82 = tpu.memref_slice %arg10[%dma_wait3A_80, %dma_wait3A_81] : memref<5x128xi32, #tpu.memory_space<vmem>> -> memref<1x128xi32, #tpu.memory_space<vmem>>
    %dma_wait3A_83 = tpu.memref_squeeze %dma_wait3A_82 : memref<1x128xi32, #tpu.memory_space<vmem>> -> memref<128xi32, #tpu.memory_space<vmem>>
    %dma_wait3A_84 = arith.constant 0 : i32
    %dma_wait3A_85 = arith.constant 0 : i32
    %dma_wait3A_86 = tpu.memref_slice %arg13[%dma_wait3A_84, %dma_wait3A_85] : memref<10016x16xf32, #tpu.memory_space<vmem_shared>> -> memref<10016x16xf32, #tpu.memory_space<vmem_shared>>
    tpu.wait_indirect_dma semaphore(%arg15 : memref<!tpu.dma_semaphore, #tpu.memory_space<semaphore_mem>>) src(%dma_wait3A_86 : memref<10016x16xf32, #tpu.memory_space<vmem_shared>>) dst(%arg12 : memref<128x16xf32, #tpu.memory_space<vmem>>)
    %run_scoped3A_87 = arith.constant 4 : i32
    "tpu.region"() ({
      %run_scoped3A_88 = tpu.sem_alloc : memref<!tpu.dma_semaphore, #tpu.memory_space<semaphore_mem>>
      %dma_start3A_89 = arith.constant 0 : i32
      %dma_start3A_90 = arith.constant 0 : i32
      %dma_start3A_91 = arith.constant 0 : i32
      %dma_start3A_92 = arith.constant 0 : i32
      %dma_start3A_93 = tpu.memref_slice %arg8[%arg0, %dma_start3A_89, %dma_start3A_90, %dma_start3A_91, %dma_start3A_92] : memref<2x16x5x128x16xf32, #tpu.memory_space<hbm>> -> memref<1x16x5x128x16xf32, #tpu.memory_space<hbm>>
      %dma_start3A_94 = tpu.memref_squeeze %dma_start3A_93 : memref<1x16x5x128x16xf32, #tpu.memory_space<hbm>> -> memref<16x5x128x16xf32, #tpu.memory_space<hbm>>
      %dma_start3A_95 = arith.constant 0 : i32
      %dma_start3A_96 = arith.constant 0 : i32
      %dma_start3A_97 = arith.constant 0 : i32
      %dma_start3A_98 = tpu.memref_slice %dma_start3A_94[%arg1, %dma_start3A_95, %dma_start3A_96, %dma_start3A_97] : memref<16x5x128x16xf32, #tpu.memory_space<hbm>> -> memref<1x5x128x16xf32, #tpu.memory_space<hbm>>
      %dma_start3A_99 = tpu.memref_squeeze %dma_start3A_98 : memref<1x5x128x16xf32, #tpu.memory_space<hbm>> -> memref<5x128x16xf32, #tpu.memory_space<hbm>>
      %dma_start3A_100 = arith.constant 0 : i32
      %dma_start3A_101 = arith.constant 0 : i32
      %dma_start3A_102 = tpu.memref_slice %dma_start3A_99[%run_scoped3A_87, %dma_start3A_100, %dma_start3A_101] : memref<5x128x16xf32, #tpu.memory_space<hbm>> -> memref<1x128x16xf32, #tpu.memory_space<hbm>>
      %dma_start3A_103 = tpu.memref_squeeze %dma_start3A_102 : memref<1x128x16xf32, #tpu.memory_space<hbm>> -> memref<128x16xf32, #tpu.memory_space<hbm>>
      %dma_start3A_104 = arith.constant 0 : i32
      %dma_start3A_105 = arith.constant 0 : i32
      %dma_start3A_106 = arith.constant 0 : i32
      %dma_start3A_107 = arith.constant 0 : i32
      %dma_start3A_108 = tpu.memref_slice %arg8[%arg0, %dma_start3A_104, %dma_start3A_105, %dma_start3A_106, %dma_start3A_107] : memref<2x16x5x128x16xf32, #tpu.memory_space<hbm>> -> memref<1x16x5x128x16xf32, #tpu.memory_space<hbm>>
      %dma_start3A_109 = tpu.memref_squeeze %dma_start3A_108 : memref<1x16x5x128x16xf32, #tpu.memory_space<hbm>> -> memref<16x5x128x16xf32, #tpu.memory_space<hbm>>
      %dma_start3A_110 = arith.constant 0 : i32
      %dma_start3A_111 = arith.constant 0 : i32
      %dma_start3A_112 = arith.constant 0 : i32
      %dma_start3A_113 = tpu.memref_slice %dma_start3A_109[%arg1, %dma_start3A_110, %dma_start3A_111, %dma_start3A_112] : memref<16x5x128x16xf32, #tpu.memory_space<hbm>> -> memref<1x5x128x16xf32, #tpu.memory_space<hbm>>
      %dma_start3A_114 = tpu.memref_squeeze %dma_start3A_113 : memref<1x5x128x16xf32, #tpu.memory_space<hbm>> -> memref<5x128x16xf32, #tpu.memory_space<hbm>>
      %dma_start3A_115 = arith.constant 0 : i32
      %dma_start3A_116 = arith.constant 0 : i32
      %dma_start3A_117 = tpu.memref_slice %dma_start3A_114[%run_scoped3A_87, %dma_start3A_115, %dma_start3A_116] : memref<5x128x16xf32, #tpu.memory_space<hbm>> -> memref<1x128x16xf32, #tpu.memory_space<hbm>>
      %dma_start3A_118 = tpu.memref_squeeze %dma_start3A_117 : memref<1x128x16xf32, #tpu.memory_space<hbm>> -> memref<128x16xf32, #tpu.memory_space<hbm>>
      tpu.enqueue_dma source(%arg12 : memref<128x16xf32, #tpu.memory_space<vmem>>) target(%dma_start3A_118 : memref<128x16xf32, #tpu.memory_space<hbm>>) target_semaphore(%run_scoped3A_88 : memref<!tpu.dma_semaphore, #tpu.memory_space<semaphore_mem>>)
      %dma_wait3A_119 = arith.constant 0 : i32
      %dma_wait3A_120 = arith.constant 0 : i32
      %dma_wait3A_121 = arith.constant 0 : i32
      %dma_wait3A_122 = arith.constant 0 : i32
      %dma_wait3A_123 = tpu.memref_slice %arg8[%arg0, %dma_wait3A_119, %dma_wait3A_120, %dma_wait3A_121, %dma_wait3A_122] : memref<2x16x5x128x16xf32, #tpu.memory_space<hbm>> -> memref<1x16x5x128x16xf32, #tpu.memory_space<hbm>>
      %dma_wait3A_124 = tpu.memref_squeeze %dma_wait3A_123 : memref<1x16x5x128x16xf32, #tpu.memory_space<hbm>> -> memref<16x5x128x16xf32, #tpu.memory_space<hbm>>
      %dma_wait3A_125 = arith.constant 0 : i32
      %dma_wait3A_126 = arith.constant 0 : i32
      %dma_wait3A_127 = arith.constant 0 : i32
      %dma_wait3A_128 = tpu.memref_slice %dma_wait3A_124[%arg1, %dma_wait3A_125, %dma_wait3A_126, %dma_wait3A_127] : memref<16x5x128x16xf32, #tpu.memory_space<hbm>> -> memref<1x5x128x16xf32, #tpu.memory_space<hbm>>
      %dma_wait3A_129 = tpu.memref_squeeze %dma_wait3A_128 : memref<1x5x128x16xf32, #tpu.memory_space<hbm>> -> memref<5x128x16xf32, #tpu.memory_space<hbm>>
      %dma_wait3A_130 = arith.constant 0 : i32
      %dma_wait3A_131 = arith.constant 0 : i32
      %dma_wait3A_132 = tpu.memref_slice %dma_wait3A_129[%run_scoped3A_87, %dma_wait3A_130, %dma_wait3A_131] : memref<5x128x16xf32, #tpu.memory_space<hbm>> -> memref<1x128x16xf32, #tpu.memory_space<hbm>>
      %dma_wait3A_133 = tpu.memref_squeeze %dma_wait3A_132 : memref<1x128x16xf32, #tpu.memory_space<hbm>> -> memref<128x16xf32, #tpu.memory_space<hbm>>
      %dma_wait3A_134 = arith.constant 0 : i32
      %dma_wait3A_135 = arith.constant 0 : i32
      %dma_wait3A_136 = arith.constant 0 : i32
      %dma_wait3A_137 = arith.constant 0 : i32
      %dma_wait3A_138 = tpu.memref_slice %arg8[%arg0, %dma_wait3A_134, %dma_wait3A_135, %dma_wait3A_136, %dma_wait3A_137] : memref<2x16x5x128x16xf32, #tpu.memory_space<hbm>> -> memref<1x16x5x128x16xf32, #tpu.memory_space<hbm>>
      %dma_wait3A_139 = tpu.memref_squeeze %dma_wait3A_138 : memref<1x16x5x128x16xf32, #tpu.memory_space<hbm>> -> memref<16x5x128x16xf32, #tpu.memory_space<hbm>>
      %dma_wait3A_140 = arith.constant 0 : i32
      %dma_wait3A_141 = arith.constant 0 : i32
      %dma_wait3A_142 = arith.constant 0 : i32
      %dma_wait3A_143 = tpu.memref_slice %dma_wait3A_139[%arg1, %dma_wait3A_140, %dma_wait3A_141, %dma_wait3A_142] : memref<16x5x128x16xf32, #tpu.memory_space<hbm>> -> memref<1x5x128x16xf32, #tpu.memory_space<hbm>>
      %dma_wait3A_144 = tpu.memref_squeeze %dma_wait3A_143 : memref<1x5x128x16xf32, #tpu.memory_space<hbm>> -> memref<5x128x16xf32, #tpu.memory_space<hbm>>
      %dma_wait3A_145 = arith.constant 0 : i32
      %dma_wait3A_146 = arith.constant 0 : i32
      %dma_wait3A_147 = tpu.memref_slice %dma_wait3A_144[%run_scoped3A_87, %dma_wait3A_145, %dma_wait3A_146] : memref<5x128x16xf32, #tpu.memory_space<hbm>> -> memref<1x128x16xf32, #tpu.memory_space<hbm>>
      %dma_wait3A_148 = tpu.memref_squeeze %dma_wait3A_147 : memref<1x128x16xf32, #tpu.memory_space<hbm>> -> memref<128x16xf32, #tpu.memory_space<hbm>>
      tpu.wait_dma2 semaphore(%run_scoped3A_88 : memref<!tpu.dma_semaphore, #tpu.memory_space<semaphore_mem>>) src(%arg12 : memref<128x16xf32, #tpu.memory_space<vmem>>) dst(%dma_wait3A_148 : memref<128x16xf32, #tpu.memory_space<hbm>>)
      tpu.yield
    }) : () -> ()
    return
  }
}

#map = affine_map<(d0, d1) -> (0, 0)>
#map1 = affine_map<(d0, d1) -> (0, 0, 0, 0)>
#map2 = affine_map<(d0, d1) -> (0, 0, 0)>
module attributes {stable_mosaic.version = 14 : i64} {
  func.func @body(%arg0: i32, %arg1: i32, %arg2: memref<20000x64xf32, #tpu.memory_space<hbm>>, %arg3: memref<2x16x157x128xi32, #tpu.memory_space<hbm>>, %arg4: memref<16x157x128xi32, #tpu.memory_space<hbm>>, %arg5: memref<626x64xf32, #tpu.memory_space<hbm>>, %arg6: memref<2x16x626x64xf32, #tpu.memory_space<hbm>>, %arg7: memref<157x128xi32, #tpu.memory_space<vmem>>, %arg8: memref<157x128xi32, #tpu.memory_space<vmem>>, %arg9: memref<128x64xf32, #tpu.memory_space<vmem>>, %arg10: memref<10016x64xf32, #tpu.memory_space<vmem_shared>>, %arg11: memref<!tpu.dma_semaphore, #tpu.memory_space<semaphore_mem>>) attributes {dimension_semantics = [#tpu.dimension_semantics<core_parallel>, #tpu.dimension_semantics<subcore_parallel>], iteration_bounds = array<i64: 2, 16>, scalar_prefetch = 0 : i64, scratch_operands = 5 : i64, tpu.core_type = #tpu.core_type<sc_vector_subcore>, window_params = [{transform_indices = #map}, {transform_indices = #map1}, {transform_indices = #map2}, {transform_indices = #map}, {transform_indices = #map1}]} {
    "tpu.region"() ({
      %run_scoped3A = tpu.sem_alloc : memref<!tpu.dma_semaphore, #tpu.memory_space<semaphore_mem>>
      %dma_start3A = arith.constant 0 : i32
      %dma_start3A_7 = arith.constant 0 : i32
      %dma_start3A_8 = arith.constant 0 : i32
      %dma_start3A_9 = tpu.memref_slice %arg3[%arg0, %dma_start3A, %dma_start3A_7, %dma_start3A_8] : memref<2x16x157x128xi32, #tpu.memory_space<hbm>> -> memref<1x16x157x128xi32, #tpu.memory_space<hbm>>
      %dma_start3A_10 = tpu.memref_squeeze %dma_start3A_9 : memref<1x16x157x128xi32, #tpu.memory_space<hbm>> -> memref<16x157x128xi32, #tpu.memory_space<hbm>>
      %dma_start3A_11 = arith.constant 0 : i32
      %dma_start3A_12 = arith.constant 0 : i32
      %dma_start3A_13 = tpu.memref_slice %dma_start3A_10[%arg1, %dma_start3A_11, %dma_start3A_12] : memref<16x157x128xi32, #tpu.memory_space<hbm>> -> memref<1x157x128xi32, #tpu.memory_space<hbm>>
      %dma_start3A_14 = tpu.memref_squeeze %dma_start3A_13 : memref<1x157x128xi32, #tpu.memory_space<hbm>> -> memref<157x128xi32, #tpu.memory_space<hbm>>
      %dma_start3A_15 = arith.constant 0 : i32
      %dma_start3A_16 = arith.constant 0 : i32
      %dma_start3A_17 = arith.constant 0 : i32
      %dma_start3A_18 = tpu.memref_slice %arg3[%arg0, %dma_start3A_15, %dma_start3A_16, %dma_start3A_17] : memref<2x16x157x128xi32, #tpu.memory_space<hbm>> -> memref<1x16x157x128xi32, #tpu.memory_space<hbm>>
      %dma_start3A_19 = tpu.memref_squeeze %dma_start3A_18 : memref<1x16x157x128xi32, #tpu.memory_space<hbm>> -> memref<16x157x128xi32, #tpu.memory_space<hbm>>
      %dma_start3A_20 = arith.constant 0 : i32
      %dma_start3A_21 = arith.constant 0 : i32
      %dma_start3A_22 = tpu.memref_slice %dma_start3A_19[%arg1, %dma_start3A_20, %dma_start3A_21] : memref<16x157x128xi32, #tpu.memory_space<hbm>> -> memref<1x157x128xi32, #tpu.memory_space<hbm>>
      %dma_start3A_23 = tpu.memref_squeeze %dma_start3A_22 : memref<1x157x128xi32, #tpu.memory_space<hbm>> -> memref<157x128xi32, #tpu.memory_space<hbm>>
      tpu.enqueue_dma source(%dma_start3A_23 : memref<157x128xi32, #tpu.memory_space<hbm>>) target(%arg7 : memref<157x128xi32, #tpu.memory_space<vmem>>) target_semaphore(%run_scoped3A : memref<!tpu.dma_semaphore, #tpu.memory_space<semaphore_mem>>)
      %dma_wait3A = arith.constant 0 : i32
      %dma_wait3A_24 = arith.constant 0 : i32
      %dma_wait3A_25 = arith.constant 0 : i32
      %dma_wait3A_26 = tpu.memref_slice %arg3[%arg0, %dma_wait3A, %dma_wait3A_24, %dma_wait3A_25] : memref<2x16x157x128xi32, #tpu.memory_space<hbm>> -> memref<1x16x157x128xi32, #tpu.memory_space<hbm>>
      %dma_wait3A_27 = tpu.memref_squeeze %dma_wait3A_26 : memref<1x16x157x128xi32, #tpu.memory_space<hbm>> -> memref<16x157x128xi32, #tpu.memory_space<hbm>>
      %dma_wait3A_28 = arith.constant 0 : i32
      %dma_wait3A_29 = arith.constant 0 : i32
      %dma_wait3A_30 = tpu.memref_slice %dma_wait3A_27[%arg1, %dma_wait3A_28, %dma_wait3A_29] : memref<16x157x128xi32, #tpu.memory_space<hbm>> -> memref<1x157x128xi32, #tpu.memory_space<hbm>>
      %dma_wait3A_31 = tpu.memref_squeeze %dma_wait3A_30 : memref<1x157x128xi32, #tpu.memory_space<hbm>> -> memref<157x128xi32, #tpu.memory_space<hbm>>
      %dma_wait3A_32 = arith.constant 0 : i32
      %dma_wait3A_33 = arith.constant 0 : i32
      %dma_wait3A_34 = arith.constant 0 : i32
      %dma_wait3A_35 = tpu.memref_slice %arg3[%arg0, %dma_wait3A_32, %dma_wait3A_33, %dma_wait3A_34] : memref<2x16x157x128xi32, #tpu.memory_space<hbm>> -> memref<1x16x157x128xi32, #tpu.memory_space<hbm>>
      %dma_wait3A_36 = tpu.memref_squeeze %dma_wait3A_35 : memref<1x16x157x128xi32, #tpu.memory_space<hbm>> -> memref<16x157x128xi32, #tpu.memory_space<hbm>>
      %dma_wait3A_37 = arith.constant 0 : i32
      %dma_wait3A_38 = arith.constant 0 : i32
      %dma_wait3A_39 = tpu.memref_slice %dma_wait3A_36[%arg1, %dma_wait3A_37, %dma_wait3A_38] : memref<16x157x128xi32, #tpu.memory_space<hbm>> -> memref<1x157x128xi32, #tpu.memory_space<hbm>>
      %dma_wait3A_40 = tpu.memref_squeeze %dma_wait3A_39 : memref<1x157x128xi32, #tpu.memory_space<hbm>> -> memref<157x128xi32, #tpu.memory_space<hbm>>
      tpu.wait_dma2 semaphore(%run_scoped3A : memref<!tpu.dma_semaphore, #tpu.memory_space<semaphore_mem>>) src(%dma_wait3A_40 : memref<157x128xi32, #tpu.memory_space<hbm>>) dst(%arg7 : memref<157x128xi32, #tpu.memory_space<vmem>>)
      tpu.yield
    }) : () -> ()
    "tpu.region"() ({
      %run_scoped3A = tpu.sem_alloc : memref<!tpu.dma_semaphore, #tpu.memory_space<semaphore_mem>>
      %dma_start3A = arith.constant 0 : i32
      %dma_start3A_7 = arith.constant 0 : i32
      %dma_start3A_8 = tpu.memref_slice %arg4[%arg1, %dma_start3A, %dma_start3A_7] : memref<16x157x128xi32, #tpu.memory_space<hbm>> -> memref<1x157x128xi32, #tpu.memory_space<hbm>>
      %dma_start3A_9 = tpu.memref_squeeze %dma_start3A_8 : memref<1x157x128xi32, #tpu.memory_space<hbm>> -> memref<157x128xi32, #tpu.memory_space<hbm>>
      %dma_start3A_10 = arith.constant 0 : i32
      %dma_start3A_11 = arith.constant 0 : i32
      %dma_start3A_12 = tpu.memref_slice %arg4[%arg1, %dma_start3A_10, %dma_start3A_11] : memref<16x157x128xi32, #tpu.memory_space<hbm>> -> memref<1x157x128xi32, #tpu.memory_space<hbm>>
      %dma_start3A_13 = tpu.memref_squeeze %dma_start3A_12 : memref<1x157x128xi32, #tpu.memory_space<hbm>> -> memref<157x128xi32, #tpu.memory_space<hbm>>
      tpu.enqueue_dma source(%dma_start3A_13 : memref<157x128xi32, #tpu.memory_space<hbm>>) target(%arg8 : memref<157x128xi32, #tpu.memory_space<vmem>>) target_semaphore(%run_scoped3A : memref<!tpu.dma_semaphore, #tpu.memory_space<semaphore_mem>>)
      %dma_wait3A = arith.constant 0 : i32
      %dma_wait3A_14 = arith.constant 0 : i32
      %dma_wait3A_15 = tpu.memref_slice %arg4[%arg1, %dma_wait3A, %dma_wait3A_14] : memref<16x157x128xi32, #tpu.memory_space<hbm>> -> memref<1x157x128xi32, #tpu.memory_space<hbm>>
      %dma_wait3A_16 = tpu.memref_squeeze %dma_wait3A_15 : memref<1x157x128xi32, #tpu.memory_space<hbm>> -> memref<157x128xi32, #tpu.memory_space<hbm>>
      %dma_wait3A_17 = arith.constant 0 : i32
      %dma_wait3A_18 = arith.constant 0 : i32
      %dma_wait3A_19 = tpu.memref_slice %arg4[%arg1, %dma_wait3A_17, %dma_wait3A_18] : memref<16x157x128xi32, #tpu.memory_space<hbm>> -> memref<1x157x128xi32, #tpu.memory_space<hbm>>
      %dma_wait3A_20 = tpu.memref_squeeze %dma_wait3A_19 : memref<1x157x128xi32, #tpu.memory_space<hbm>> -> memref<157x128xi32, #tpu.memory_space<hbm>>
      tpu.wait_dma2 semaphore(%run_scoped3A : memref<!tpu.dma_semaphore, #tpu.memory_space<semaphore_mem>>) src(%dma_wait3A_20 : memref<157x128xi32, #tpu.memory_space<hbm>>) dst(%arg8 : memref<157x128xi32, #tpu.memory_space<vmem>>)
      tpu.yield
    }) : () -> ()
    %mul3A = arith.constant 626 : i32
    %mul3A_0 = arith.muli %arg1, %mul3A : i32
    "tpu.region"() ({
      %run_scoped3A = tpu.sem_alloc : memref<!tpu.dma_semaphore, #tpu.memory_space<semaphore_mem>>
      %dma_start3A = arith.constant 0 : i32
      %dma_start3A_7 = tpu.memref_slice %arg10[%mul3A_0, %dma_start3A] : memref<10016x64xf32, #tpu.memory_space<vmem_shared>> -> memref<626x64xf32, #tpu.memory_space<vmem_shared>>
      tpu.enqueue_dma source(%arg5 : memref<626x64xf32, #tpu.memory_space<hbm>>) target(%dma_start3A_7 : memref<626x64xf32, #tpu.memory_space<vmem_shared>>) target_semaphore(%run_scoped3A : memref<!tpu.dma_semaphore, #tpu.memory_space<semaphore_mem>>)
      %dma_wait3A = arith.constant 0 : i32
      %dma_wait3A_8 = tpu.memref_slice %arg10[%mul3A_0, %dma_wait3A] : memref<10016x64xf32, #tpu.memory_space<vmem_shared>> -> memref<626x64xf32, #tpu.memory_space<vmem_shared>>
      tpu.wait_dma2 semaphore(%run_scoped3A : memref<!tpu.dma_semaphore, #tpu.memory_space<semaphore_mem>>) src(%arg5 : memref<626x64xf32, #tpu.memory_space<hbm>>) dst(%dma_wait3A_8 : memref<626x64xf32, #tpu.memory_space<vmem_shared>>)
      tpu.yield
    }) : () -> ()
    %barrier3A = arith.constant 0 : index
    tpu.barrier barrier_id(%barrier3A)
    %scan3A = arith.constant 0 : i32
    %scan3A_1 = arith.constant 0 : i32
    %scan3A_2 = arith.constant 157 : i32
    %scan3A_3 = arith.addi %scan3A_1, %scan3A_2 : i32
    %scan3A_4 = arith.constant 1 : i32
    scf.for %scan3A_7 = %scan3A_1 to %scan3A_3 step %scan3A_4  : i32 {
      %dma_start3A = arith.constant 0 : i32
      %dma_start3A_8 = tpu.memref_slice %arg7[%scan3A_7, %dma_start3A] : memref<157x128xi32, #tpu.memory_space<vmem>> -> memref<1x128xi32, #tpu.memory_space<vmem>>
      %dma_start3A_9 = tpu.memref_squeeze %dma_start3A_8 : memref<1x128xi32, #tpu.memory_space<vmem>> -> memref<128xi32, #tpu.memory_space<vmem>>
      %dma_start3A_10 = arith.constant 0 : i32
      %dma_start3A_11 = arith.constant 0 : i32
      %dma_start3A_12 = tpu.memref_slice %arg2[%dma_start3A_10, %dma_start3A_11] : memref<20000x64xf32, #tpu.memory_space<hbm>> -> memref<20000x64xf32, #tpu.memory_space<hbm>>
      tpu.enqueue_indirect_dma source(%dma_start3A_12 : memref<20000x64xf32, #tpu.memory_space<hbm>>) target(%arg9 : memref<128x64xf32, #tpu.memory_space<vmem>>) offsets(%dma_start3A_9 : memref<128xi32, #tpu.memory_space<vmem>>) semaphore(%arg11 : memref<!tpu.dma_semaphore, #tpu.memory_space<semaphore_mem>>)
      %dma_wait3A = arith.constant 0 : i32
      %dma_wait3A_13 = tpu.memref_slice %arg7[%scan3A_7, %dma_wait3A] : memref<157x128xi32, #tpu.memory_space<vmem>> -> memref<1x128xi32, #tpu.memory_space<vmem>>
      %dma_wait3A_14 = tpu.memref_squeeze %dma_wait3A_13 : memref<1x128xi32, #tpu.memory_space<vmem>> -> memref<128xi32, #tpu.memory_space<vmem>>
      %dma_wait3A_15 = arith.constant 0 : i32
      %dma_wait3A_16 = arith.constant 0 : i32
      %dma_wait3A_17 = tpu.memref_slice %arg2[%dma_wait3A_15, %dma_wait3A_16] : memref<20000x64xf32, #tpu.memory_space<hbm>> -> memref<20000x64xf32, #tpu.memory_space<hbm>>
      tpu.wait_indirect_dma semaphore(%arg11 : memref<!tpu.dma_semaphore, #tpu.memory_space<semaphore_mem>>) src(%dma_wait3A_17 : memref<20000x64xf32, #tpu.memory_space<hbm>>) dst(%arg9 : memref<128x64xf32, #tpu.memory_space<vmem>>)
      "tpu.region"() ({
        %run_scoped3A = tpu.sem_alloc : memref<!tpu.dma_semaphore, #tpu.memory_space<semaphore_mem>>
        %dma_start3A_18 = arith.constant 0 : i32
        %dma_start3A_19 = tpu.memref_slice %arg8[%scan3A_7, %dma_start3A_18] : memref<157x128xi32, #tpu.memory_space<vmem>> -> memref<1x128xi32, #tpu.memory_space<vmem>>
        %dma_start3A_20 = tpu.memref_squeeze %dma_start3A_19 : memref<1x128xi32, #tpu.memory_space<vmem>> -> memref<128xi32, #tpu.memory_space<vmem>>
        %dma_start3A_21 = arith.constant 0 : i32
        %dma_start3A_22 = arith.constant 0 : i32
        %dma_start3A_23 = tpu.memref_slice %arg10[%dma_start3A_21, %dma_start3A_22] : memref<10016x64xf32, #tpu.memory_space<vmem_shared>> -> memref<10016x64xf32, #tpu.memory_space<vmem_shared>>
        tpu.enqueue_indirect_dma source(%arg9 : memref<128x64xf32, #tpu.memory_space<vmem>>) target(%dma_start3A_23 : memref<10016x64xf32, #tpu.memory_space<vmem_shared>>) offsets(%dma_start3A_20 : memref<128xi32, #tpu.memory_space<vmem>>) semaphore(%run_scoped3A : memref<!tpu.dma_semaphore, #tpu.memory_space<semaphore_mem>>) {add = true}
        %dma_wait3A_24 = arith.constant 0 : i32
        %dma_wait3A_25 = tpu.memref_slice %arg8[%scan3A_7, %dma_wait3A_24] : memref<157x128xi32, #tpu.memory_space<vmem>> -> memref<1x128xi32, #tpu.memory_space<vmem>>
        %dma_wait3A_26 = tpu.memref_squeeze %dma_wait3A_25 : memref<1x128xi32, #tpu.memory_space<vmem>> -> memref<128xi32, #tpu.memory_space<vmem>>
        %dma_wait3A_27 = arith.constant 0 : i32
        %dma_wait3A_28 = arith.constant 0 : i32
        %dma_wait3A_29 = tpu.memref_slice %arg10[%dma_wait3A_27, %dma_wait3A_28] : memref<10016x64xf32, #tpu.memory_space<vmem_shared>> -> memref<10016x64xf32, #tpu.memory_space<vmem_shared>>
        tpu.wait_indirect_dma semaphore(%run_scoped3A : memref<!tpu.dma_semaphore, #tpu.memory_space<semaphore_mem>>) src(%arg9 : memref<128x64xf32, #tpu.memory_space<vmem>>) dst(%dma_wait3A_29 : memref<10016x64xf32, #tpu.memory_space<vmem_shared>>)
        tpu.yield
      }) : () -> ()
    }
    %scan3A_5 = arith.constant 157 : i32
    %barrier3A_6 = arith.constant 0 : index
    tpu.barrier barrier_id(%barrier3A_6)
    "tpu.region"() ({
      %run_scoped3A = tpu.sem_alloc : memref<!tpu.dma_semaphore, #tpu.memory_space<semaphore_mem>>
      %dma_start3A = arith.constant 0 : i32
      %dma_start3A_7 = arith.constant 0 : i32
      %dma_start3A_8 = arith.constant 0 : i32
      %dma_start3A_9 = tpu.memref_slice %arg6[%arg0, %dma_start3A, %dma_start3A_7, %dma_start3A_8] : memref<2x16x626x64xf32, #tpu.memory_space<hbm>> -> memref<1x16x626x64xf32, #tpu.memory_space<hbm>>
      %dma_start3A_10 = tpu.memref_squeeze %dma_start3A_9 : memref<1x16x626x64xf32, #tpu.memory_space<hbm>> -> memref<16x626x64xf32, #tpu.memory_space<hbm>>
      %dma_start3A_11 = arith.constant 0 : i32
      %dma_start3A_12 = arith.constant 0 : i32
      %dma_start3A_13 = tpu.memref_slice %dma_start3A_10[%arg1, %dma_start3A_11, %dma_start3A_12] : memref<16x626x64xf32, #tpu.memory_space<hbm>> -> memref<1x626x64xf32, #tpu.memory_space<hbm>>
      %dma_start3A_14 = tpu.memref_squeeze %dma_start3A_13 : memref<1x626x64xf32, #tpu.memory_space<hbm>> -> memref<626x64xf32, #tpu.memory_space<hbm>>
      %dma_start3A_15 = arith.constant 0 : i32
      %dma_start3A_16 = tpu.memref_slice %arg10[%mul3A_0, %dma_start3A_15] : memref<10016x64xf32, #tpu.memory_space<vmem_shared>> -> memref<626x64xf32, #tpu.memory_space<vmem_shared>>
      tpu.enqueue_dma source(%dma_start3A_16 : memref<626x64xf32, #tpu.memory_space<vmem_shared>>) target(%dma_start3A_14 : memref<626x64xf32, #tpu.memory_space<hbm>>) target_semaphore(%run_scoped3A : memref<!tpu.dma_semaphore, #tpu.memory_space<semaphore_mem>>)
      %dma_wait3A = arith.constant 0 : i32
      %dma_wait3A_17 = arith.constant 0 : i32
      %dma_wait3A_18 = arith.constant 0 : i32
      %dma_wait3A_19 = tpu.memref_slice %arg6[%arg0, %dma_wait3A, %dma_wait3A_17, %dma_wait3A_18] : memref<2x16x626x64xf32, #tpu.memory_space<hbm>> -> memref<1x16x626x64xf32, #tpu.memory_space<hbm>>
      %dma_wait3A_20 = tpu.memref_squeeze %dma_wait3A_19 : memref<1x16x626x64xf32, #tpu.memory_space<hbm>> -> memref<16x626x64xf32, #tpu.memory_space<hbm>>
      %dma_wait3A_21 = arith.constant 0 : i32
      %dma_wait3A_22 = arith.constant 0 : i32
      %dma_wait3A_23 = tpu.memref_slice %dma_wait3A_20[%arg1, %dma_wait3A_21, %dma_wait3A_22] : memref<16x626x64xf32, #tpu.memory_space<hbm>> -> memref<1x626x64xf32, #tpu.memory_space<hbm>>
      %dma_wait3A_24 = tpu.memref_squeeze %dma_wait3A_23 : memref<1x626x64xf32, #tpu.memory_space<hbm>> -> memref<626x64xf32, #tpu.memory_space<hbm>>
      %dma_wait3A_25 = arith.constant 0 : i32
      %dma_wait3A_26 = tpu.memref_slice %arg10[%mul3A_0, %dma_wait3A_25] : memref<10016x64xf32, #tpu.memory_space<vmem_shared>> -> memref<626x64xf32, #tpu.memory_space<vmem_shared>>
      tpu.wait_dma2 semaphore(%run_scoped3A : memref<!tpu.dma_semaphore, #tpu.memory_space<semaphore_mem>>) src(%dma_wait3A_26 : memref<626x64xf32, #tpu.memory_space<vmem_shared>>) dst(%dma_wait3A_24 : memref<626x64xf32, #tpu.memory_space<hbm>>)
      tpu.yield
    }) : () -> ()
    return
  }
}

#map = affine_map<(d0, d1) -> (0, 0)>
#map1 = affine_map<(d0, d1) -> (0, 0, 0, 0)>
#map2 = affine_map<(d0, d1) -> (0, 0, 0)>
#map3 = affine_map<(d0, d1) -> (0, 0, 0, 0, 0)>
module attributes {stable_mosaic.version = 14 : i64} {
  func.func @body(%arg0: i32, %arg1: i32, %arg2: memref<20000x64xf32, #tpu.memory_space<hbm>>, %arg3: memref<2x16x157x128xi32, #tpu.memory_space<hbm>>, %arg4: memref<16x157x128xi32, #tpu.memory_space<hbm>>, %arg5: memref<626x64xf32, #tpu.memory_space<hbm>>, %arg6: memref<16x5x128xi32, #tpu.memory_space<hbm>>, %arg7: memref<2x16x5x128x64xf32, #tpu.memory_space<hbm>>, %arg8: memref<157x128xi32, #tpu.memory_space<vmem>>, %arg9: memref<157x128xi32, #tpu.memory_space<vmem>>, %arg10: memref<128x64xf32, #tpu.memory_space<vmem>>, %arg11: memref<10016x64xf32, #tpu.memory_space<vmem_shared>>, %arg12: memref<!tpu.dma_semaphore, #tpu.memory_space<semaphore_mem>>, %arg13: memref<5x128xi32, #tpu.memory_space<vmem>>) attributes {dimension_semantics = [#tpu.dimension_semantics<core_parallel>, #tpu.dimension_semantics<subcore_parallel>], iteration_bounds = array<i64: 2, 16>, scalar_prefetch = 0 : i64, scratch_operands = 6 : i64, tpu.core_type = #tpu.core_type<sc_vector_subcore>, window_params = [{transform_indices = #map}, {transform_indices = #map1}, {transform_indices = #map2}, {transform_indices = #map}, {transform_indices = #map2}, {transform_indices = #map3}]} {
    "tpu.region"() ({
      %run_scoped3A_79 = tpu.sem_alloc : memref<!tpu.dma_semaphore, #tpu.memory_space<semaphore_mem>>
      %dma_start3A_80 = arith.constant 0 : i32
      %dma_start3A_81 = arith.constant 0 : i32
      %dma_start3A_82 = arith.constant 0 : i32
      %dma_start3A_83 = tpu.memref_slice %arg3[%arg0, %dma_start3A_80, %dma_start3A_81, %dma_start3A_82] : memref<2x16x157x128xi32, #tpu.memory_space<hbm>> -> memref<1x16x157x128xi32, #tpu.memory_space<hbm>>
      %dma_start3A_84 = tpu.memref_squeeze %dma_start3A_83 : memref<1x16x157x128xi32, #tpu.memory_space<hbm>> -> memref<16x157x128xi32, #tpu.memory_space<hbm>>
      %dma_start3A_85 = arith.constant 0 : i32
      %dma_start3A_86 = arith.constant 0 : i32
      %dma_start3A_87 = tpu.memref_slice %dma_start3A_84[%arg1, %dma_start3A_85, %dma_start3A_86] : memref<16x157x128xi32, #tpu.memory_space<hbm>> -> memref<1x157x128xi32, #tpu.memory_space<hbm>>
      %dma_start3A_88 = tpu.memref_squeeze %dma_start3A_87 : memref<1x157x128xi32, #tpu.memory_space<hbm>> -> memref<157x128xi32, #tpu.memory_space<hbm>>
      %dma_start3A_89 = arith.constant 0 : i32
      %dma_start3A_90 = arith.constant 0 : i32
      %dma_start3A_91 = arith.constant 0 : i32
      %dma_start3A_92 = tpu.memref_slice %arg3[%arg0, %dma_start3A_89, %dma_start3A_90, %dma_start3A_91] : memref<2x16x157x128xi32, #tpu.memory_space<hbm>> -> memref<1x16x157x128xi32, #tpu.memory_space<hbm>>
      %dma_start3A_93 = tpu.memref_squeeze %dma_start3A_92 : memref<1x16x157x128xi32, #tpu.memory_space<hbm>> -> memref<16x157x128xi32, #tpu.memory_space<hbm>>
      %dma_start3A_94 = arith.constant 0 : i32
      %dma_start3A_95 = arith.constant 0 : i32
      %dma_start3A_96 = tpu.memref_slice %dma_start3A_93[%arg1, %dma_start3A_94, %dma_start3A_95] : memref<16x157x128xi32, #tpu.memory_space<hbm>> -> memref<1x157x128xi32, #tpu.memory_space<hbm>>
      %dma_start3A_97 = tpu.memref_squeeze %dma_start3A_96 : memref<1x157x128xi32, #tpu.memory_space<hbm>> -> memref<157x128xi32, #tpu.memory_space<hbm>>
      tpu.enqueue_dma source(%dma_start3A_97 : memref<157x128xi32, #tpu.memory_space<hbm>>) target(%arg8 : memref<157x128xi32, #tpu.memory_space<vmem>>) target_semaphore(%run_scoped3A_79 : memref<!tpu.dma_semaphore, #tpu.memory_space<semaphore_mem>>)
      %dma_wait3A_98 = arith.constant 0 : i32
      %dma_wait3A_99 = arith.constant 0 : i32
      %dma_wait3A_100 = arith.constant 0 : i32
      %dma_wait3A_101 = tpu.memref_slice %arg3[%arg0, %dma_wait3A_98, %dma_wait3A_99, %dma_wait3A_100] : memref<2x16x157x128xi32, #tpu.memory_space<hbm>> -> memref<1x16x157x128xi32, #tpu.memory_space<hbm>>
      %dma_wait3A_102 = tpu.memref_squeeze %dma_wait3A_101 : memref<1x16x157x128xi32, #tpu.memory_space<hbm>> -> memref<16x157x128xi32, #tpu.memory_space<hbm>>
      %dma_wait3A_103 = arith.constant 0 : i32
      %dma_wait3A_104 = arith.constant 0 : i32
      %dma_wait3A_105 = tpu.memref_slice %dma_wait3A_102[%arg1, %dma_wait3A_103, %dma_wait3A_104] : memref<16x157x128xi32, #tpu.memory_space<hbm>> -> memref<1x157x128xi32, #tpu.memory_space<hbm>>
      %dma_wait3A_106 = tpu.memref_squeeze %dma_wait3A_105 : memref<1x157x128xi32, #tpu.memory_space<hbm>> -> memref<157x128xi32, #tpu.memory_space<hbm>>
      %dma_wait3A_107 = arith.constant 0 : i32
      %dma_wait3A_108 = arith.constant 0 : i32
      %dma_wait3A_109 = arith.constant 0 : i32
      %dma_wait3A_110 = tpu.memref_slice %arg3[%arg0, %dma_wait3A_107, %dma_wait3A_108, %dma_wait3A_109] : memref<2x16x157x128xi32, #tpu.memory_space<hbm>> -> memref<1x16x157x128xi32, #tpu.memory_space<hbm>>
      %dma_wait3A_111 = tpu.memref_squeeze %dma_wait3A_110 : memref<1x16x157x128xi32, #tpu.memory_space<hbm>> -> memref<16x157x128xi32, #tpu.memory_space<hbm>>
      %dma_wait3A_112 = arith.constant 0 : i32
      %dma_wait3A_113 = arith.constant 0 : i32
      %dma_wait3A_114 = tpu.memref_slice %dma_wait3A_111[%arg1, %dma_wait3A_112, %dma_wait3A_113] : memref<16x157x128xi32, #tpu.memory_space<hbm>> -> memref<1x157x128xi32, #tpu.memory_space<hbm>>
      %dma_wait3A_115 = tpu.memref_squeeze %dma_wait3A_114 : memref<1x157x128xi32, #tpu.memory_space<hbm>> -> memref<157x128xi32, #tpu.memory_space<hbm>>
      tpu.wait_dma2 semaphore(%run_scoped3A_79 : memref<!tpu.dma_semaphore, #tpu.memory_space<semaphore_mem>>) src(%dma_wait3A_115 : memref<157x128xi32, #tpu.memory_space<hbm>>) dst(%arg8 : memref<157x128xi32, #tpu.memory_space<vmem>>)
      tpu.yield
    }) : () -> ()
    "tpu.region"() ({
      %run_scoped3A_79 = tpu.sem_alloc : memref<!tpu.dma_semaphore, #tpu.memory_space<semaphore_mem>>
      %dma_start3A_80 = arith.constant 0 : i32
      %dma_start3A_81 = arith.constant 0 : i32
      %dma_start3A_82 = tpu.memref_slice %arg4[%arg1, %dma_start3A_80, %dma_start3A_81] : memref<16x157x128xi32, #tpu.memory_space<hbm>> -> memref<1x157x128xi32, #tpu.memory_space<hbm>>
      %dma_start3A_83 = tpu.memref_squeeze %dma_start3A_82 : memref<1x157x128xi32, #tpu.memory_space<hbm>> -> memref<157x128xi32, #tpu.memory_space<hbm>>
      %dma_start3A_84 = arith.constant 0 : i32
      %dma_start3A_85 = arith.constant 0 : i32
      %dma_start3A_86 = tpu.memref_slice %arg4[%arg1, %dma_start3A_84, %dma_start3A_85] : memref<16x157x128xi32, #tpu.memory_space<hbm>> -> memref<1x157x128xi32, #tpu.memory_space<hbm>>
      %dma_start3A_87 = tpu.memref_squeeze %dma_start3A_86 : memref<1x157x128xi32, #tpu.memory_space<hbm>> -> memref<157x128xi32, #tpu.memory_space<hbm>>
      tpu.enqueue_dma source(%dma_start3A_87 : memref<157x128xi32, #tpu.memory_space<hbm>>) target(%arg9 : memref<157x128xi32, #tpu.memory_space<vmem>>) target_semaphore(%run_scoped3A_79 : memref<!tpu.dma_semaphore, #tpu.memory_space<semaphore_mem>>)
      %dma_wait3A_88 = arith.constant 0 : i32
      %dma_wait3A_89 = arith.constant 0 : i32
      %dma_wait3A_90 = tpu.memref_slice %arg4[%arg1, %dma_wait3A_88, %dma_wait3A_89] : memref<16x157x128xi32, #tpu.memory_space<hbm>> -> memref<1x157x128xi32, #tpu.memory_space<hbm>>
      %dma_wait3A_91 = tpu.memref_squeeze %dma_wait3A_90 : memref<1x157x128xi32, #tpu.memory_space<hbm>> -> memref<157x128xi32, #tpu.memory_space<hbm>>
      %dma_wait3A_92 = arith.constant 0 : i32
      %dma_wait3A_93 = arith.constant 0 : i32
      %dma_wait3A_94 = tpu.memref_slice %arg4[%arg1, %dma_wait3A_92, %dma_wait3A_93] : memref<16x157x128xi32, #tpu.memory_space<hbm>> -> memref<1x157x128xi32, #tpu.memory_space<hbm>>
      %dma_wait3A_95 = tpu.memref_squeeze %dma_wait3A_94 : memref<1x157x128xi32, #tpu.memory_space<hbm>> -> memref<157x128xi32, #tpu.memory_space<hbm>>
      tpu.wait_dma2 semaphore(%run_scoped3A_79 : memref<!tpu.dma_semaphore, #tpu.memory_space<semaphore_mem>>) src(%dma_wait3A_95 : memref<157x128xi32, #tpu.memory_space<hbm>>) dst(%arg9 : memref<157x128xi32, #tpu.memory_space<vmem>>)
      tpu.yield
    }) : () -> ()
    %mul3A = arith.constant 626 : i32
    %mul3A_0 = arith.muli %arg1, %mul3A : i32
    "tpu.region"() ({
      %run_scoped3A_79 = tpu.sem_alloc : memref<!tpu.dma_semaphore, #tpu.memory_space<semaphore_mem>>
      %dma_start3A_80 = arith.constant 0 : i32
      %dma_start3A_81 = tpu.memref_slice %arg11[%mul3A_0, %dma_start3A_80] : memref<10016x64xf32, #tpu.memory_space<vmem_shared>> -> memref<626x64xf32, #tpu.memory_space<vmem_shared>>
      tpu.enqueue_dma source(%arg5 : memref<626x64xf32, #tpu.memory_space<hbm>>) target(%dma_start3A_81 : memref<626x64xf32, #tpu.memory_space<vmem_shared>>) target_semaphore(%run_scoped3A_79 : memref<!tpu.dma_semaphore, #tpu.memory_space<semaphore_mem>>)
      %dma_wait3A_82 = arith.constant 0 : i32
      %dma_wait3A_83 = tpu.memref_slice %arg11[%mul3A_0, %dma_wait3A_82] : memref<10016x64xf32, #tpu.memory_space<vmem_shared>> -> memref<626x64xf32, #tpu.memory_space<vmem_shared>>
      tpu.wait_dma2 semaphore(%run_scoped3A_79 : memref<!tpu.dma_semaphore, #tpu.memory_space<semaphore_mem>>) src(%arg5 : memref<626x64xf32, #tpu.memory_space<hbm>>) dst(%dma_wait3A_83 : memref<626x64xf32, #tpu.memory_space<vmem_shared>>)
      tpu.yield
    }) : () -> ()
    %barrier3A = arith.constant 0 : index
    tpu.barrier barrier_id(%barrier3A)
    %scan3A = arith.constant 0 : i32
    %scan3A_1 = arith.constant 0 : i32
    %scan3A_2 = arith.constant 157 : i32
    %scan3A_3 = arith.addi %scan3A_1, %scan3A_2 : i32
    %scan3A_4 = arith.constant 1 : i32
    scf.for %scan3A_79 = %scan3A_1 to %scan3A_3 step %scan3A_4  : i32 {
      %dma_start3A_80 = arith.constant 0 : i32
      %dma_start3A_81 = tpu.memref_slice %arg8[%scan3A_79, %dma_start3A_80] : memref<157x128xi32, #tpu.memory_space<vmem>> -> memref<1x128xi32, #tpu.memory_space<vmem>>
      %dma_start3A_82 = tpu.memref_squeeze %dma_start3A_81 : memref<1x128xi32, #tpu.memory_space<vmem>> -> memref<128xi32, #tpu.memory_space<vmem>>
      %dma_start3A_83 = arith.constant 0 : i32
      %dma_start3A_84 = arith.constant 0 : i32
      %dma_start3A_85 = tpu.memref_slice %arg2[%dma_start3A_83, %dma_start3A_84] : memref<20000x64xf32, #tpu.memory_space<hbm>> -> memref<20000x64xf32, #tpu.memory_space<hbm>>
      tpu.enqueue_indirect_dma source(%dma_start3A_85 : memref<20000x64xf32, #tpu.memory_space<hbm>>) target(%arg10 : memref<128x64xf32, #tpu.memory_space<vmem>>) offsets(%dma_start3A_82 : memref<128xi32, #tpu.memory_space<vmem>>) semaphore(%arg12 : memref<!tpu.dma_semaphore, #tpu.memory_space<semaphore_mem>>)
      %dma_wait3A_86 = arith.constant 0 : i32
      %dma_wait3A_87 = tpu.memref_slice %arg8[%scan3A_79, %dma_wait3A_86] : memref<157x128xi32, #tpu.memory_space<vmem>> -> memref<1x128xi32, #tpu.memory_space<vmem>>
      %dma_wait3A_88 = tpu.memref_squeeze %dma_wait3A_87 : memref<1x128xi32, #tpu.memory_space<vmem>> -> memref<128xi32, #tpu.memory_space<vmem>>
      %dma_wait3A_89 = arith.constant 0 : i32
      %dma_wait3A_90 = arith.constant 0 : i32
      %dma_wait3A_91 = tpu.memref_slice %arg2[%dma_wait3A_89, %dma_wait3A_90] : memref<20000x64xf32, #tpu.memory_space<hbm>> -> memref<20000x64xf32, #tpu.memory_space<hbm>>
      tpu.wait_indirect_dma semaphore(%arg12 : memref<!tpu.dma_semaphore, #tpu.memory_space<semaphore_mem>>) src(%dma_wait3A_91 : memref<20000x64xf32, #tpu.memory_space<hbm>>) dst(%arg10 : memref<128x64xf32, #tpu.memory_space<vmem>>)
      "tpu.region"() ({
        %run_scoped3A_92 = tpu.sem_alloc : memref<!tpu.dma_semaphore, #tpu.memory_space<semaphore_mem>>
        %dma_start3A_93 = arith.constant 0 : i32
        %dma_start3A_94 = tpu.memref_slice %arg9[%scan3A_79, %dma_start3A_93] : memref<157x128xi32, #tpu.memory_space<vmem>> -> memref<1x128xi32, #tpu.memory_space<vmem>>
        %dma_start3A_95 = tpu.memref_squeeze %dma_start3A_94 : memref<1x128xi32, #tpu.memory_space<vmem>> -> memref<128xi32, #tpu.memory_space<vmem>>
        %dma_start3A_96 = arith.constant 0 : i32
        %dma_start3A_97 = arith.constant 0 : i32
        %dma_start3A_98 = tpu.memref_slice %arg11[%dma_start3A_96, %dma_start3A_97] : memref<10016x64xf32, #tpu.memory_space<vmem_shared>> -> memref<10016x64xf32, #tpu.memory_space<vmem_shared>>
        tpu.enqueue_indirect_dma source(%arg10 : memref<128x64xf32, #tpu.memory_space<vmem>>) target(%dma_start3A_98 : memref<10016x64xf32, #tpu.memory_space<vmem_shared>>) offsets(%dma_start3A_95 : memref<128xi32, #tpu.memory_space<vmem>>) semaphore(%run_scoped3A_92 : memref<!tpu.dma_semaphore, #tpu.memory_space<semaphore_mem>>) {add = true}
        %dma_wait3A_99 = arith.constant 0 : i32
        %dma_wait3A_100 = tpu.memref_slice %arg9[%scan3A_79, %dma_wait3A_99] : memref<157x128xi32, #tpu.memory_space<vmem>> -> memref<1x128xi32, #tpu.memory_space<vmem>>
        %dma_wait3A_101 = tpu.memref_squeeze %dma_wait3A_100 : memref<1x128xi32, #tpu.memory_space<vmem>> -> memref<128xi32, #tpu.memory_space<vmem>>
        %dma_wait3A_102 = arith.constant 0 : i32
        %dma_wait3A_103 = arith.constant 0 : i32
        %dma_wait3A_104 = tpu.memref_slice %arg11[%dma_wait3A_102, %dma_wait3A_103] : memref<10016x64xf32, #tpu.memory_space<vmem_shared>> -> memref<10016x64xf32, #tpu.memory_space<vmem_shared>>
        tpu.wait_indirect_dma semaphore(%run_scoped3A_92 : memref<!tpu.dma_semaphore, #tpu.memory_space<semaphore_mem>>) src(%arg10 : memref<128x64xf32, #tpu.memory_space<vmem>>) dst(%dma_wait3A_104 : memref<10016x64xf32, #tpu.memory_space<vmem_shared>>)
        tpu.yield
      }) : () -> ()
    }
    %scan3A_5 = arith.constant 157 : i32
    %barrier3A_6 = arith.constant 0 : index
    tpu.barrier barrier_id(%barrier3A_6)
    "tpu.region"() ({
      %run_scoped3A_79 = tpu.sem_alloc : memref<!tpu.dma_semaphore, #tpu.memory_space<semaphore_mem>>
      %dma_start3A_80 = arith.constant 0 : i32
      %dma_start3A_81 = arith.constant 0 : i32
      %dma_start3A_82 = tpu.memref_slice %arg6[%arg1, %dma_start3A_80, %dma_start3A_81] : memref<16x5x128xi32, #tpu.memory_space<hbm>> -> memref<1x5x128xi32, #tpu.memory_space<hbm>>
      %dma_start3A_83 = tpu.memref_squeeze %dma_start3A_82 : memref<1x5x128xi32, #tpu.memory_space<hbm>> -> memref<5x128xi32, #tpu.memory_space<hbm>>
      %dma_start3A_84 = arith.constant 0 : i32
      %dma_start3A_85 = arith.constant 0 : i32
      %dma_start3A_86 = tpu.memref_slice %arg6[%arg1, %dma_start3A_84, %dma_start3A_85] : memref<16x5x128xi32, #tpu.memory_space<hbm>> -> memref<1x5x128xi32, #tpu.memory_space<hbm>>
      %dma_start3A_87 = tpu.memref_squeeze %dma_start3A_86 : memref<1x5x128xi32, #tpu.memory_space<hbm>> -> memref<5x128xi32, #tpu.memory_space<hbm>>
      tpu.enqueue_dma source(%dma_start3A_87 : memref<5x128xi32, #tpu.memory_space<hbm>>) target(%arg13 : memref<5x128xi32, #tpu.memory_space<vmem>>) target_semaphore(%run_scoped3A_79 : memref<!tpu.dma_semaphore, #tpu.memory_space<semaphore_mem>>)
      %dma_wait3A_88 = arith.constant 0 : i32
      %dma_wait3A_89 = arith.constant 0 : i32
      %dma_wait3A_90 = tpu.memref_slice %arg6[%arg1, %dma_wait3A_88, %dma_wait3A_89] : memref<16x5x128xi32, #tpu.memory_space<hbm>> -> memref<1x5x128xi32, #tpu.memory_space<hbm>>
      %dma_wait3A_91 = tpu.memref_squeeze %dma_wait3A_90 : memref<1x5x128xi32, #tpu.memory_space<hbm>> -> memref<5x128xi32, #tpu.memory_space<hbm>>
      %dma_wait3A_92 = arith.constant 0 : i32
      %dma_wait3A_93 = arith.constant 0 : i32
      %dma_wait3A_94 = tpu.memref_slice %arg6[%arg1, %dma_wait3A_92, %dma_wait3A_93] : memref<16x5x128xi32, #tpu.memory_space<hbm>> -> memref<1x5x128xi32, #tpu.memory_space<hbm>>
      %dma_wait3A_95 = tpu.memref_squeeze %dma_wait3A_94 : memref<1x5x128xi32, #tpu.memory_space<hbm>> -> memref<5x128xi32, #tpu.memory_space<hbm>>
      tpu.wait_dma2 semaphore(%run_scoped3A_79 : memref<!tpu.dma_semaphore, #tpu.memory_space<semaphore_mem>>) src(%dma_wait3A_95 : memref<5x128xi32, #tpu.memory_space<hbm>>) dst(%arg13 : memref<5x128xi32, #tpu.memory_space<vmem>>)
      tpu.yield
    }) : () -> ()
    %dma_start3A = arith.constant 0 : i32
    %dma_start3A_7 = arith.constant 0 : i32
    %dma_start3A_8 = tpu.memref_slice %arg13[%dma_start3A, %dma_start3A_7] : memref<5x128xi32, #tpu.memory_space<vmem>> -> memref<1x128xi32, #tpu.memory_space<vmem>>
    %dma_start3A_9 = tpu.memref_squeeze %dma_start3A_8 : memref<1x128xi32, #tpu.memory_space<vmem>> -> memref<128xi32, #tpu.memory_space<vmem>>
    %dma_start3A_10 = arith.constant 0 : i32
    %dma_start3A_11 = arith.constant 0 : i32
    %dma_start3A_12 = tpu.memref_slice %arg11[%dma_start3A_10, %dma_start3A_11] : memref<10016x64xf32, #tpu.memory_space<vmem_shared>> -> memref<10016x64xf32, #tpu.memory_space<vmem_shared>>
    tpu.enqueue_indirect_dma source(%dma_start3A_12 : memref<10016x64xf32, #tpu.memory_space<vmem_shared>>) target(%arg10 : memref<128x64xf32, #tpu.memory_space<vmem>>) offsets(%dma_start3A_9 : memref<128xi32, #tpu.memory_space<vmem>>) semaphore(%arg12 : memref<!tpu.dma_semaphore, #tpu.memory_space<semaphore_mem>>)
    %dma_wait3A = arith.constant 0 : i32
    %dma_wait3A_13 = arith.constant 0 : i32
    %dma_wait3A_14 = tpu.memref_slice %arg13[%dma_wait3A, %dma_wait3A_13] : memref<5x128xi32, #tpu.memory_space<vmem>> -> memref<1x128xi32, #tpu.memory_space<vmem>>
    %dma_wait3A_15 = tpu.memref_squeeze %dma_wait3A_14 : memref<1x128xi32, #tpu.memory_space<vmem>> -> memref<128xi32, #tpu.memory_space<vmem>>
    %dma_wait3A_16 = arith.constant 0 : i32
    %dma_wait3A_17 = arith.constant 0 : i32
    %dma_wait3A_18 = tpu.memref_slice %arg11[%dma_wait3A_16, %dma_wait3A_17] : memref<10016x64xf32, #tpu.memory_space<vmem_shared>> -> memref<10016x64xf32, #tpu.memory_space<vmem_shared>>
    tpu.wait_indirect_dma semaphore(%arg12 : memref<!tpu.dma_semaphore, #tpu.memory_space<semaphore_mem>>) src(%dma_wait3A_18 : memref<10016x64xf32, #tpu.memory_space<vmem_shared>>) dst(%arg10 : memref<128x64xf32, #tpu.memory_space<vmem>>)
    %run_scoped3A = arith.constant 0 : i32
    "tpu.region"() ({
      %run_scoped3A_79 = tpu.sem_alloc : memref<!tpu.dma_semaphore, #tpu.memory_space<semaphore_mem>>
      %dma_start3A_80 = arith.constant 0 : i32
      %dma_start3A_81 = arith.constant 0 : i32
      %dma_start3A_82 = arith.constant 0 : i32
      %dma_start3A_83 = arith.constant 0 : i32
      %dma_start3A_84 = tpu.memref_slice %arg7[%arg0, %dma_start3A_80, %dma_start3A_81, %dma_start3A_82, %dma_start3A_83] : memref<2x16x5x128x64xf32, #tpu.memory_space<hbm>> -> memref<1x16x5x128x64xf32, #tpu.memory_space<hbm>>
      %dma_start3A_85 = tpu.memref_squeeze %dma_start3A_84 : memref<1x16x5x128x64xf32, #tpu.memory_space<hbm>> -> memref<16x5x128x64xf32, #tpu.memory_space<hbm>>
      %dma_start3A_86 = arith.constant 0 : i32
      %dma_start3A_87 = arith.constant 0 : i32
      %dma_start3A_88 = arith.constant 0 : i32
      %dma_start3A_89 = tpu.memref_slice %dma_start3A_85[%arg1, %dma_start3A_86, %dma_start3A_87, %dma_start3A_88] : memref<16x5x128x64xf32, #tpu.memory_space<hbm>> -> memref<1x5x128x64xf32, #tpu.memory_space<hbm>>
      %dma_start3A_90 = tpu.memref_squeeze %dma_start3A_89 : memref<1x5x128x64xf32, #tpu.memory_space<hbm>> -> memref<5x128x64xf32, #tpu.memory_space<hbm>>
      %dma_start3A_91 = arith.constant 0 : i32
      %dma_start3A_92 = arith.constant 0 : i32
      %dma_start3A_93 = tpu.memref_slice %dma_start3A_90[%run_scoped3A, %dma_start3A_91, %dma_start3A_92] : memref<5x128x64xf32, #tpu.memory_space<hbm>> -> memref<1x128x64xf32, #tpu.memory_space<hbm>>
      %dma_start3A_94 = tpu.memref_squeeze %dma_start3A_93 : memref<1x128x64xf32, #tpu.memory_space<hbm>> -> memref<128x64xf32, #tpu.memory_space<hbm>>
      %dma_start3A_95 = arith.constant 0 : i32
      %dma_start3A_96 = arith.constant 0 : i32
      %dma_start3A_97 = arith.constant 0 : i32
      %dma_start3A_98 = arith.constant 0 : i32
      %dma_start3A_99 = tpu.memref_slice %arg7[%arg0, %dma_start3A_95, %dma_start3A_96, %dma_start3A_97, %dma_start3A_98] : memref<2x16x5x128x64xf32, #tpu.memory_space<hbm>> -> memref<1x16x5x128x64xf32, #tpu.memory_space<hbm>>
      %dma_start3A_100 = tpu.memref_squeeze %dma_start3A_99 : memref<1x16x5x128x64xf32, #tpu.memory_space<hbm>> -> memref<16x5x128x64xf32, #tpu.memory_space<hbm>>
      %dma_start3A_101 = arith.constant 0 : i32
      %dma_start3A_102 = arith.constant 0 : i32
      %dma_start3A_103 = arith.constant 0 : i32
      %dma_start3A_104 = tpu.memref_slice %dma_start3A_100[%arg1, %dma_start3A_101, %dma_start3A_102, %dma_start3A_103] : memref<16x5x128x64xf32, #tpu.memory_space<hbm>> -> memref<1x5x128x64xf32, #tpu.memory_space<hbm>>
      %dma_start3A_105 = tpu.memref_squeeze %dma_start3A_104 : memref<1x5x128x64xf32, #tpu.memory_space<hbm>> -> memref<5x128x64xf32, #tpu.memory_space<hbm>>
      %dma_start3A_106 = arith.constant 0 : i32
      %dma_start3A_107 = arith.constant 0 : i32
      %dma_start3A_108 = tpu.memref_slice %dma_start3A_105[%run_scoped3A, %dma_start3A_106, %dma_start3A_107] : memref<5x128x64xf32, #tpu.memory_space<hbm>> -> memref<1x128x64xf32, #tpu.memory_space<hbm>>
      %dma_start3A_109 = tpu.memref_squeeze %dma_start3A_108 : memref<1x128x64xf32, #tpu.memory_space<hbm>> -> memref<128x64xf32, #tpu.memory_space<hbm>>
      tpu.enqueue_dma source(%arg10 : memref<128x64xf32, #tpu.memory_space<vmem>>) target(%dma_start3A_109 : memref<128x64xf32, #tpu.memory_space<hbm>>) target_semaphore(%run_scoped3A_79 : memref<!tpu.dma_semaphore, #tpu.memory_space<semaphore_mem>>)
      %dma_wait3A_110 = arith.constant 0 : i32
      %dma_wait3A_111 = arith.constant 0 : i32
      %dma_wait3A_112 = arith.constant 0 : i32
      %dma_wait3A_113 = arith.constant 0 : i32
      %dma_wait3A_114 = tpu.memref_slice %arg7[%arg0, %dma_wait3A_110, %dma_wait3A_111, %dma_wait3A_112, %dma_wait3A_113] : memref<2x16x5x128x64xf32, #tpu.memory_space<hbm>> -> memref<1x16x5x128x64xf32, #tpu.memory_space<hbm>>
      %dma_wait3A_115 = tpu.memref_squeeze %dma_wait3A_114 : memref<1x16x5x128x64xf32, #tpu.memory_space<hbm>> -> memref<16x5x128x64xf32, #tpu.memory_space<hbm>>
      %dma_wait3A_116 = arith.constant 0 : i32
      %dma_wait3A_117 = arith.constant 0 : i32
      %dma_wait3A_118 = arith.constant 0 : i32
      %dma_wait3A_119 = tpu.memref_slice %dma_wait3A_115[%arg1, %dma_wait3A_116, %dma_wait3A_117, %dma_wait3A_118] : memref<16x5x128x64xf32, #tpu.memory_space<hbm>> -> memref<1x5x128x64xf32, #tpu.memory_space<hbm>>
      %dma_wait3A_120 = tpu.memref_squeeze %dma_wait3A_119 : memref<1x5x128x64xf32, #tpu.memory_space<hbm>> -> memref<5x128x64xf32, #tpu.memory_space<hbm>>
      %dma_wait3A_121 = arith.constant 0 : i32
      %dma_wait3A_122 = arith.constant 0 : i32
      %dma_wait3A_123 = tpu.memref_slice %dma_wait3A_120[%run_scoped3A, %dma_wait3A_121, %dma_wait3A_122] : memref<5x128x64xf32, #tpu.memory_space<hbm>> -> memref<1x128x64xf32, #tpu.memory_space<hbm>>
      %dma_wait3A_124 = tpu.memref_squeeze %dma_wait3A_123 : memref<1x128x64xf32, #tpu.memory_space<hbm>> -> memref<128x64xf32, #tpu.memory_space<hbm>>
      %dma_wait3A_125 = arith.constant 0 : i32
      %dma_wait3A_126 = arith.constant 0 : i32
      %dma_wait3A_127 = arith.constant 0 : i32
      %dma_wait3A_128 = arith.constant 0 : i32
      %dma_wait3A_129 = tpu.memref_slice %arg7[%arg0, %dma_wait3A_125, %dma_wait3A_126, %dma_wait3A_127, %dma_wait3A_128] : memref<2x16x5x128x64xf32, #tpu.memory_space<hbm>> -> memref<1x16x5x128x64xf32, #tpu.memory_space<hbm>>
      %dma_wait3A_130 = tpu.memref_squeeze %dma_wait3A_129 : memref<1x16x5x128x64xf32, #tpu.memory_space<hbm>> -> memref<16x5x128x64xf32, #tpu.memory_space<hbm>>
      %dma_wait3A_131 = arith.constant 0 : i32
      %dma_wait3A_132 = arith.constant 0 : i32
      %dma_wait3A_133 = arith.constant 0 : i32
      %dma_wait3A_134 = tpu.memref_slice %dma_wait3A_130[%arg1, %dma_wait3A_131, %dma_wait3A_132, %dma_wait3A_133] : memref<16x5x128x64xf32, #tpu.memory_space<hbm>> -> memref<1x5x128x64xf32, #tpu.memory_space<hbm>>
      %dma_wait3A_135 = tpu.memref_squeeze %dma_wait3A_134 : memref<1x5x128x64xf32, #tpu.memory_space<hbm>> -> memref<5x128x64xf32, #tpu.memory_space<hbm>>
      %dma_wait3A_136 = arith.constant 0 : i32
      %dma_wait3A_137 = arith.constant 0 : i32
      %dma_wait3A_138 = tpu.memref_slice %dma_wait3A_135[%run_scoped3A, %dma_wait3A_136, %dma_wait3A_137] : memref<5x128x64xf32, #tpu.memory_space<hbm>> -> memref<1x128x64xf32, #tpu.memory_space<hbm>>
      %dma_wait3A_139 = tpu.memref_squeeze %dma_wait3A_138 : memref<1x128x64xf32, #tpu.memory_space<hbm>> -> memref<128x64xf32, #tpu.memory_space<hbm>>
      tpu.wait_dma2 semaphore(%run_scoped3A_79 : memref<!tpu.dma_semaphore, #tpu.memory_space<semaphore_mem>>) src(%arg10 : memref<128x64xf32, #tpu.memory_space<vmem>>) dst(%dma_wait3A_139 : memref<128x64xf32, #tpu.memory_space<hbm>>)
      tpu.yield
    }) : () -> ()
    %dma_start3A_19 = arith.constant 1 : i32
    %dma_start3A_20 = arith.constant 0 : i32
    %dma_start3A_21 = tpu.memref_slice %arg13[%dma_start3A_19, %dma_start3A_20] : memref<5x128xi32, #tpu.memory_space<vmem>> -> memref<1x128xi32, #tpu.memory_space<vmem>>
    %dma_start3A_22 = tpu.memref_squeeze %dma_start3A_21 : memref<1x128xi32, #tpu.memory_space<vmem>> -> memref<128xi32, #tpu.memory_space<vmem>>
    %dma_start3A_23 = arith.constant 0 : i32
    %dma_start3A_24 = arith.constant 0 : i32
    %dma_start3A_25 = tpu.memref_slice %arg11[%dma_start3A_23, %dma_start3A_24] : memref<10016x64xf32, #tpu.memory_space<vmem_shared>> -> memref<10016x64xf32, #tpu.memory_space<vmem_shared>>
    tpu.enqueue_indirect_dma source(%dma_start3A_25 : memref<10016x64xf32, #tpu.memory_space<vmem_shared>>) target(%arg10 : memref<128x64xf32, #tpu.memory_space<vmem>>) offsets(%dma_start3A_22 : memref<128xi32, #tpu.memory_space<vmem>>) semaphore(%arg12 : memref<!tpu.dma_semaphore, #tpu.memory_space<semaphore_mem>>)
    %dma_wait3A_26 = arith.constant 1 : i32
    %dma_wait3A_27 = arith.constant 0 : i32
    %dma_wait3A_28 = tpu.memref_slice %arg13[%dma_wait3A_26, %dma_wait3A_27] : memref<5x128xi32, #tpu.memory_space<vmem>> -> memref<1x128xi32, #tpu.memory_space<vmem>>
    %dma_wait3A_29 = tpu.memref_squeeze %dma_wait3A_28 : memref<1x128xi32, #tpu.memory_space<vmem>> -> memref<128xi32, #tpu.memory_space<vmem>>
    %dma_wait3A_30 = arith.constant 0 : i32
    %dma_wait3A_31 = arith.constant 0 : i32
    %dma_wait3A_32 = tpu.memref_slice %arg11[%dma_wait3A_30, %dma_wait3A_31] : memref<10016x64xf32, #tpu.memory_space<vmem_shared>> -> memref<10016x64xf32, #tpu.memory_space<vmem_shared>>
    tpu.wait_indirect_dma semaphore(%arg12 : memref<!tpu.dma_semaphore, #tpu.memory_space<semaphore_mem>>) src(%dma_wait3A_32 : memref<10016x64xf32, #tpu.memory_space<vmem_shared>>) dst(%arg10 : memref<128x64xf32, #tpu.memory_space<vmem>>)
    %run_scoped3A_33 = arith.constant 1 : i32
    "tpu.region"() ({
      %run_scoped3A_79 = tpu.sem_alloc : memref<!tpu.dma_semaphore, #tpu.memory_space<semaphore_mem>>
      %dma_start3A_80 = arith.constant 0 : i32
      %dma_start3A_81 = arith.constant 0 : i32
      %dma_start3A_82 = arith.constant 0 : i32
      %dma_start3A_83 = arith.constant 0 : i32
      %dma_start3A_84 = tpu.memref_slice %arg7[%arg0, %dma_start3A_80, %dma_start3A_81, %dma_start3A_82, %dma_start3A_83] : memref<2x16x5x128x64xf32, #tpu.memory_space<hbm>> -> memref<1x16x5x128x64xf32, #tpu.memory_space<hbm>>
      %dma_start3A_85 = tpu.memref_squeeze %dma_start3A_84 : memref<1x16x5x128x64xf32, #tpu.memory_space<hbm>> -> memref<16x5x128x64xf32, #tpu.memory_space<hbm>>
      %dma_start3A_86 = arith.constant 0 : i32
      %dma_start3A_87 = arith.constant 0 : i32
      %dma_start3A_88 = arith.constant 0 : i32
      %dma_start3A_89 = tpu.memref_slice %dma_start3A_85[%arg1, %dma_start3A_86, %dma_start3A_87, %dma_start3A_88] : memref<16x5x128x64xf32, #tpu.memory_space<hbm>> -> memref<1x5x128x64xf32, #tpu.memory_space<hbm>>
      %dma_start3A_90 = tpu.memref_squeeze %dma_start3A_89 : memref<1x5x128x64xf32, #tpu.memory_space<hbm>> -> memref<5x128x64xf32, #tpu.memory_space<hbm>>
      %dma_start3A_91 = arith.constant 0 : i32
      %dma_start3A_92 = arith.constant 0 : i32
      %dma_start3A_93 = tpu.memref_slice %dma_start3A_90[%run_scoped3A_33, %dma_start3A_91, %dma_start3A_92] : memref<5x128x64xf32, #tpu.memory_space<hbm>> -> memref<1x128x64xf32, #tpu.memory_space<hbm>>
      %dma_start3A_94 = tpu.memref_squeeze %dma_start3A_93 : memref<1x128x64xf32, #tpu.memory_space<hbm>> -> memref<128x64xf32, #tpu.memory_space<hbm>>
      %dma_start3A_95 = arith.constant 0 : i32
      %dma_start3A_96 = arith.constant 0 : i32
      %dma_start3A_97 = arith.constant 0 : i32
      %dma_start3A_98 = arith.constant 0 : i32
      %dma_start3A_99 = tpu.memref_slice %arg7[%arg0, %dma_start3A_95, %dma_start3A_96, %dma_start3A_97, %dma_start3A_98] : memref<2x16x5x128x64xf32, #tpu.memory_space<hbm>> -> memref<1x16x5x128x64xf32, #tpu.memory_space<hbm>>
      %dma_start3A_100 = tpu.memref_squeeze %dma_start3A_99 : memref<1x16x5x128x64xf32, #tpu.memory_space<hbm>> -> memref<16x5x128x64xf32, #tpu.memory_space<hbm>>
      %dma_start3A_101 = arith.constant 0 : i32
      %dma_start3A_102 = arith.constant 0 : i32
      %dma_start3A_103 = arith.constant 0 : i32
      %dma_start3A_104 = tpu.memref_slice %dma_start3A_100[%arg1, %dma_start3A_101, %dma_start3A_102, %dma_start3A_103] : memref<16x5x128x64xf32, #tpu.memory_space<hbm>> -> memref<1x5x128x64xf32, #tpu.memory_space<hbm>>
      %dma_start3A_105 = tpu.memref_squeeze %dma_start3A_104 : memref<1x5x128x64xf32, #tpu.memory_space<hbm>> -> memref<5x128x64xf32, #tpu.memory_space<hbm>>
      %dma_start3A_106 = arith.constant 0 : i32
      %dma_start3A_107 = arith.constant 0 : i32
      %dma_start3A_108 = tpu.memref_slice %dma_start3A_105[%run_scoped3A_33, %dma_start3A_106, %dma_start3A_107] : memref<5x128x64xf32, #tpu.memory_space<hbm>> -> memref<1x128x64xf32, #tpu.memory_space<hbm>>
      %dma_start3A_109 = tpu.memref_squeeze %dma_start3A_108 : memref<1x128x64xf32, #tpu.memory_space<hbm>> -> memref<128x64xf32, #tpu.memory_space<hbm>>
      tpu.enqueue_dma source(%arg10 : memref<128x64xf32, #tpu.memory_space<vmem>>) target(%dma_start3A_109 : memref<128x64xf32, #tpu.memory_space<hbm>>) target_semaphore(%run_scoped3A_79 : memref<!tpu.dma_semaphore, #tpu.memory_space<semaphore_mem>>)
      %dma_wait3A_110 = arith.constant 0 : i32
      %dma_wait3A_111 = arith.constant 0 : i32
      %dma_wait3A_112 = arith.constant 0 : i32
      %dma_wait3A_113 = arith.constant 0 : i32
      %dma_wait3A_114 = tpu.memref_slice %arg7[%arg0, %dma_wait3A_110, %dma_wait3A_111, %dma_wait3A_112, %dma_wait3A_113] : memref<2x16x5x128x64xf32, #tpu.memory_space<hbm>> -> memref<1x16x5x128x64xf32, #tpu.memory_space<hbm>>
      %dma_wait3A_115 = tpu.memref_squeeze %dma_wait3A_114 : memref<1x16x5x128x64xf32, #tpu.memory_space<hbm>> -> memref<16x5x128x64xf32, #tpu.memory_space<hbm>>
      %dma_wait3A_116 = arith.constant 0 : i32
      %dma_wait3A_117 = arith.constant 0 : i32
      %dma_wait3A_118 = arith.constant 0 : i32
      %dma_wait3A_119 = tpu.memref_slice %dma_wait3A_115[%arg1, %dma_wait3A_116, %dma_wait3A_117, %dma_wait3A_118] : memref<16x5x128x64xf32, #tpu.memory_space<hbm>> -> memref<1x5x128x64xf32, #tpu.memory_space<hbm>>
      %dma_wait3A_120 = tpu.memref_squeeze %dma_wait3A_119 : memref<1x5x128x64xf32, #tpu.memory_space<hbm>> -> memref<5x128x64xf32, #tpu.memory_space<hbm>>
      %dma_wait3A_121 = arith.constant 0 : i32
      %dma_wait3A_122 = arith.constant 0 : i32
      %dma_wait3A_123 = tpu.memref_slice %dma_wait3A_120[%run_scoped3A_33, %dma_wait3A_121, %dma_wait3A_122] : memref<5x128x64xf32, #tpu.memory_space<hbm>> -> memref<1x128x64xf32, #tpu.memory_space<hbm>>
      %dma_wait3A_124 = tpu.memref_squeeze %dma_wait3A_123 : memref<1x128x64xf32, #tpu.memory_space<hbm>> -> memref<128x64xf32, #tpu.memory_space<hbm>>
      %dma_wait3A_125 = arith.constant 0 : i32
      %dma_wait3A_126 = arith.constant 0 : i32
      %dma_wait3A_127 = arith.constant 0 : i32
      %dma_wait3A_128 = arith.constant 0 : i32
      %dma_wait3A_129 = tpu.memref_slice %arg7[%arg0, %dma_wait3A_125, %dma_wait3A_126, %dma_wait3A_127, %dma_wait3A_128] : memref<2x16x5x128x64xf32, #tpu.memory_space<hbm>> -> memref<1x16x5x128x64xf32, #tpu.memory_space<hbm>>
      %dma_wait3A_130 = tpu.memref_squeeze %dma_wait3A_129 : memref<1x16x5x128x64xf32, #tpu.memory_space<hbm>> -> memref<16x5x128x64xf32, #tpu.memory_space<hbm>>
      %dma_wait3A_131 = arith.constant 0 : i32
      %dma_wait3A_132 = arith.constant 0 : i32
      %dma_wait3A_133 = arith.constant 0 : i32
      %dma_wait3A_134 = tpu.memref_slice %dma_wait3A_130[%arg1, %dma_wait3A_131, %dma_wait3A_132, %dma_wait3A_133] : memref<16x5x128x64xf32, #tpu.memory_space<hbm>> -> memref<1x5x128x64xf32, #tpu.memory_space<hbm>>
      %dma_wait3A_135 = tpu.memref_squeeze %dma_wait3A_134 : memref<1x5x128x64xf32, #tpu.memory_space<hbm>> -> memref<5x128x64xf32, #tpu.memory_space<hbm>>
      %dma_wait3A_136 = arith.constant 0 : i32
      %dma_wait3A_137 = arith.constant 0 : i32
      %dma_wait3A_138 = tpu.memref_slice %dma_wait3A_135[%run_scoped3A_33, %dma_wait3A_136, %dma_wait3A_137] : memref<5x128x64xf32, #tpu.memory_space<hbm>> -> memref<1x128x64xf32, #tpu.memory_space<hbm>>
      %dma_wait3A_139 = tpu.memref_squeeze %dma_wait3A_138 : memref<1x128x64xf32, #tpu.memory_space<hbm>> -> memref<128x64xf32, #tpu.memory_space<hbm>>
      tpu.wait_dma2 semaphore(%run_scoped3A_79 : memref<!tpu.dma_semaphore, #tpu.memory_space<semaphore_mem>>) src(%arg10 : memref<128x64xf32, #tpu.memory_space<vmem>>) dst(%dma_wait3A_139 : memref<128x64xf32, #tpu.memory_space<hbm>>)
      tpu.yield
    }) : () -> ()
    %dma_start3A_34 = arith.constant 2 : i32
    %dma_start3A_35 = arith.constant 0 : i32
    %dma_start3A_36 = tpu.memref_slice %arg13[%dma_start3A_34, %dma_start3A_35] : memref<5x128xi32, #tpu.memory_space<vmem>> -> memref<1x128xi32, #tpu.memory_space<vmem>>
    %dma_start3A_37 = tpu.memref_squeeze %dma_start3A_36 : memref<1x128xi32, #tpu.memory_space<vmem>> -> memref<128xi32, #tpu.memory_space<vmem>>
    %dma_start3A_38 = arith.constant 0 : i32
    %dma_start3A_39 = arith.constant 0 : i32
    %dma_start3A_40 = tpu.memref_slice %arg11[%dma_start3A_38, %dma_start3A_39] : memref<10016x64xf32, #tpu.memory_space<vmem_shared>> -> memref<10016x64xf32, #tpu.memory_space<vmem_shared>>
    tpu.enqueue_indirect_dma source(%dma_start3A_40 : memref<10016x64xf32, #tpu.memory_space<vmem_shared>>) target(%arg10 : memref<128x64xf32, #tpu.memory_space<vmem>>) offsets(%dma_start3A_37 : memref<128xi32, #tpu.memory_space<vmem>>) semaphore(%arg12 : memref<!tpu.dma_semaphore, #tpu.memory_space<semaphore_mem>>)
    %dma_wait3A_41 = arith.constant 2 : i32
    %dma_wait3A_42 = arith.constant 0 : i32
    %dma_wait3A_43 = tpu.memref_slice %arg13[%dma_wait3A_41, %dma_wait3A_42] : memref<5x128xi32, #tpu.memory_space<vmem>> -> memref<1x128xi32, #tpu.memory_space<vmem>>
    %dma_wait3A_44 = tpu.memref_squeeze %dma_wait3A_43 : memref<1x128xi32, #tpu.memory_space<vmem>> -> memref<128xi32, #tpu.memory_space<vmem>>
    %dma_wait3A_45 = arith.constant 0 : i32
    %dma_wait3A_46 = arith.constant 0 : i32
    %dma_wait3A_47 = tpu.memref_slice %arg11[%dma_wait3A_45, %dma_wait3A_46] : memref<10016x64xf32, #tpu.memory_space<vmem_shared>> -> memref<10016x64xf32, #tpu.memory_space<vmem_shared>>
    tpu.wait_indirect_dma semaphore(%arg12 : memref<!tpu.dma_semaphore, #tpu.memory_space<semaphore_mem>>) src(%dma_wait3A_47 : memref<10016x64xf32, #tpu.memory_space<vmem_shared>>) dst(%arg10 : memref<128x64xf32, #tpu.memory_space<vmem>>)
    %run_scoped3A_48 = arith.constant 2 : i32
    "tpu.region"() ({
      %run_scoped3A_79 = tpu.sem_alloc : memref<!tpu.dma_semaphore, #tpu.memory_space<semaphore_mem>>
      %dma_start3A_80 = arith.constant 0 : i32
      %dma_start3A_81 = arith.constant 0 : i32
      %dma_start3A_82 = arith.constant 0 : i32
      %dma_start3A_83 = arith.constant 0 : i32
      %dma_start3A_84 = tpu.memref_slice %arg7[%arg0, %dma_start3A_80, %dma_start3A_81, %dma_start3A_82, %dma_start3A_83] : memref<2x16x5x128x64xf32, #tpu.memory_space<hbm>> -> memref<1x16x5x128x64xf32, #tpu.memory_space<hbm>>
      %dma_start3A_85 = tpu.memref_squeeze %dma_start3A_84 : memref<1x16x5x128x64xf32, #tpu.memory_space<hbm>> -> memref<16x5x128x64xf32, #tpu.memory_space<hbm>>
      %dma_start3A_86 = arith.constant 0 : i32
      %dma_start3A_87 = arith.constant 0 : i32
      %dma_start3A_88 = arith.constant 0 : i32
      %dma_start3A_89 = tpu.memref_slice %dma_start3A_85[%arg1, %dma_start3A_86, %dma_start3A_87, %dma_start3A_88] : memref<16x5x128x64xf32, #tpu.memory_space<hbm>> -> memref<1x5x128x64xf32, #tpu.memory_space<hbm>>
      %dma_start3A_90 = tpu.memref_squeeze %dma_start3A_89 : memref<1x5x128x64xf32, #tpu.memory_space<hbm>> -> memref<5x128x64xf32, #tpu.memory_space<hbm>>
      %dma_start3A_91 = arith.constant 0 : i32
      %dma_start3A_92 = arith.constant 0 : i32
      %dma_start3A_93 = tpu.memref_slice %dma_start3A_90[%run_scoped3A_48, %dma_start3A_91, %dma_start3A_92] : memref<5x128x64xf32, #tpu.memory_space<hbm>> -> memref<1x128x64xf32, #tpu.memory_space<hbm>>
      %dma_start3A_94 = tpu.memref_squeeze %dma_start3A_93 : memref<1x128x64xf32, #tpu.memory_space<hbm>> -> memref<128x64xf32, #tpu.memory_space<hbm>>
      %dma_start3A_95 = arith.constant 0 : i32
      %dma_start3A_96 = arith.constant 0 : i32
      %dma_start3A_97 = arith.constant 0 : i32
      %dma_start3A_98 = arith.constant 0 : i32
      %dma_start3A_99 = tpu.memref_slice %arg7[%arg0, %dma_start3A_95, %dma_start3A_96, %dma_start3A_97, %dma_start3A_98] : memref<2x16x5x128x64xf32, #tpu.memory_space<hbm>> -> memref<1x16x5x128x64xf32, #tpu.memory_space<hbm>>
      %dma_start3A_100 = tpu.memref_squeeze %dma_start3A_99 : memref<1x16x5x128x64xf32, #tpu.memory_space<hbm>> -> memref<16x5x128x64xf32, #tpu.memory_space<hbm>>
      %dma_start3A_101 = arith.constant 0 : i32
      %dma_start3A_102 = arith.constant 0 : i32
      %dma_start3A_103 = arith.constant 0 : i32
      %dma_start3A_104 = tpu.memref_slice %dma_start3A_100[%arg1, %dma_start3A_101, %dma_start3A_102, %dma_start3A_103] : memref<16x5x128x64xf32, #tpu.memory_space<hbm>> -> memref<1x5x128x64xf32, #tpu.memory_space<hbm>>
      %dma_start3A_105 = tpu.memref_squeeze %dma_start3A_104 : memref<1x5x128x64xf32, #tpu.memory_space<hbm>> -> memref<5x128x64xf32, #tpu.memory_space<hbm>>
      %dma_start3A_106 = arith.constant 0 : i32
      %dma_start3A_107 = arith.constant 0 : i32
      %dma_start3A_108 = tpu.memref_slice %dma_start3A_105[%run_scoped3A_48, %dma_start3A_106, %dma_start3A_107] : memref<5x128x64xf32, #tpu.memory_space<hbm>> -> memref<1x128x64xf32, #tpu.memory_space<hbm>>
      %dma_start3A_109 = tpu.memref_squeeze %dma_start3A_108 : memref<1x128x64xf32, #tpu.memory_space<hbm>> -> memref<128x64xf32, #tpu.memory_space<hbm>>
      tpu.enqueue_dma source(%arg10 : memref<128x64xf32, #tpu.memory_space<vmem>>) target(%dma_start3A_109 : memref<128x64xf32, #tpu.memory_space<hbm>>) target_semaphore(%run_scoped3A_79 : memref<!tpu.dma_semaphore, #tpu.memory_space<semaphore_mem>>)
      %dma_wait3A_110 = arith.constant 0 : i32
      %dma_wait3A_111 = arith.constant 0 : i32
      %dma_wait3A_112 = arith.constant 0 : i32
      %dma_wait3A_113 = arith.constant 0 : i32
      %dma_wait3A_114 = tpu.memref_slice %arg7[%arg0, %dma_wait3A_110, %dma_wait3A_111, %dma_wait3A_112, %dma_wait3A_113] : memref<2x16x5x128x64xf32, #tpu.memory_space<hbm>> -> memref<1x16x5x128x64xf32, #tpu.memory_space<hbm>>
      %dma_wait3A_115 = tpu.memref_squeeze %dma_wait3A_114 : memref<1x16x5x128x64xf32, #tpu.memory_space<hbm>> -> memref<16x5x128x64xf32, #tpu.memory_space<hbm>>
      %dma_wait3A_116 = arith.constant 0 : i32
      %dma_wait3A_117 = arith.constant 0 : i32
      %dma_wait3A_118 = arith.constant 0 : i32
      %dma_wait3A_119 = tpu.memref_slice %dma_wait3A_115[%arg1, %dma_wait3A_116, %dma_wait3A_117, %dma_wait3A_118] : memref<16x5x128x64xf32, #tpu.memory_space<hbm>> -> memref<1x5x128x64xf32, #tpu.memory_space<hbm>>
      %dma_wait3A_120 = tpu.memref_squeeze %dma_wait3A_119 : memref<1x5x128x64xf32, #tpu.memory_space<hbm>> -> memref<5x128x64xf32, #tpu.memory_space<hbm>>
      %dma_wait3A_121 = arith.constant 0 : i32
      %dma_wait3A_122 = arith.constant 0 : i32
      %dma_wait3A_123 = tpu.memref_slice %dma_wait3A_120[%run_scoped3A_48, %dma_wait3A_121, %dma_wait3A_122] : memref<5x128x64xf32, #tpu.memory_space<hbm>> -> memref<1x128x64xf32, #tpu.memory_space<hbm>>
      %dma_wait3A_124 = tpu.memref_squeeze %dma_wait3A_123 : memref<1x128x64xf32, #tpu.memory_space<hbm>> -> memref<128x64xf32, #tpu.memory_space<hbm>>
      %dma_wait3A_125 = arith.constant 0 : i32
      %dma_wait3A_126 = arith.constant 0 : i32
      %dma_wait3A_127 = arith.constant 0 : i32
      %dma_wait3A_128 = arith.constant 0 : i32
      %dma_wait3A_129 = tpu.memref_slice %arg7[%arg0, %dma_wait3A_125, %dma_wait3A_126, %dma_wait3A_127, %dma_wait3A_128] : memref<2x16x5x128x64xf32, #tpu.memory_space<hbm>> -> memref<1x16x5x128x64xf32, #tpu.memory_space<hbm>>
      %dma_wait3A_130 = tpu.memref_squeeze %dma_wait3A_129 : memref<1x16x5x128x64xf32, #tpu.memory_space<hbm>> -> memref<16x5x128x64xf32, #tpu.memory_space<hbm>>
      %dma_wait3A_131 = arith.constant 0 : i32
      %dma_wait3A_132 = arith.constant 0 : i32
      %dma_wait3A_133 = arith.constant 0 : i32
      %dma_wait3A_134 = tpu.memref_slice %dma_wait3A_130[%arg1, %dma_wait3A_131, %dma_wait3A_132, %dma_wait3A_133] : memref<16x5x128x64xf32, #tpu.memory_space<hbm>> -> memref<1x5x128x64xf32, #tpu.memory_space<hbm>>
      %dma_wait3A_135 = tpu.memref_squeeze %dma_wait3A_134 : memref<1x5x128x64xf32, #tpu.memory_space<hbm>> -> memref<5x128x64xf32, #tpu.memory_space<hbm>>
      %dma_wait3A_136 = arith.constant 0 : i32
      %dma_wait3A_137 = arith.constant 0 : i32
      %dma_wait3A_138 = tpu.memref_slice %dma_wait3A_135[%run_scoped3A_48, %dma_wait3A_136, %dma_wait3A_137] : memref<5x128x64xf32, #tpu.memory_space<hbm>> -> memref<1x128x64xf32, #tpu.memory_space<hbm>>
      %dma_wait3A_139 = tpu.memref_squeeze %dma_wait3A_138 : memref<1x128x64xf32, #tpu.memory_space<hbm>> -> memref<128x64xf32, #tpu.memory_space<hbm>>
      tpu.wait_dma2 semaphore(%run_scoped3A_79 : memref<!tpu.dma_semaphore, #tpu.memory_space<semaphore_mem>>) src(%arg10 : memref<128x64xf32, #tpu.memory_space<vmem>>) dst(%dma_wait3A_139 : memref<128x64xf32, #tpu.memory_space<hbm>>)
      tpu.yield
    }) : () -> ()
    %dma_start3A_49 = arith.constant 3 : i32
    %dma_start3A_50 = arith.constant 0 : i32
    %dma_start3A_51 = tpu.memref_slice %arg13[%dma_start3A_49, %dma_start3A_50] : memref<5x128xi32, #tpu.memory_space<vmem>> -> memref<1x128xi32, #tpu.memory_space<vmem>>
    %dma_start3A_52 = tpu.memref_squeeze %dma_start3A_51 : memref<1x128xi32, #tpu.memory_space<vmem>> -> memref<128xi32, #tpu.memory_space<vmem>>
    %dma_start3A_53 = arith.constant 0 : i32
    %dma_start3A_54 = arith.constant 0 : i32
    %dma_start3A_55 = tpu.memref_slice %arg11[%dma_start3A_53, %dma_start3A_54] : memref<10016x64xf32, #tpu.memory_space<vmem_shared>> -> memref<10016x64xf32, #tpu.memory_space<vmem_shared>>
    tpu.enqueue_indirect_dma source(%dma_start3A_55 : memref<10016x64xf32, #tpu.memory_space<vmem_shared>>) target(%arg10 : memref<128x64xf32, #tpu.memory_space<vmem>>) offsets(%dma_start3A_52 : memref<128xi32, #tpu.memory_space<vmem>>) semaphore(%arg12 : memref<!tpu.dma_semaphore, #tpu.memory_space<semaphore_mem>>)
    %dma_wait3A_56 = arith.constant 3 : i32
    %dma_wait3A_57 = arith.constant 0 : i32
    %dma_wait3A_58 = tpu.memref_slice %arg13[%dma_wait3A_56, %dma_wait3A_57] : memref<5x128xi32, #tpu.memory_space<vmem>> -> memref<1x128xi32, #tpu.memory_space<vmem>>
    %dma_wait3A_59 = tpu.memref_squeeze %dma_wait3A_58 : memref<1x128xi32, #tpu.memory_space<vmem>> -> memref<128xi32, #tpu.memory_space<vmem>>
    %dma_wait3A_60 = arith.constant 0 : i32
    %dma_wait3A_61 = arith.constant 0 : i32
    %dma_wait3A_62 = tpu.memref_slice %arg11[%dma_wait3A_60, %dma_wait3A_61] : memref<10016x64xf32, #tpu.memory_space<vmem_shared>> -> memref<10016x64xf32, #tpu.memory_space<vmem_shared>>
    tpu.wait_indirect_dma semaphore(%arg12 : memref<!tpu.dma_semaphore, #tpu.memory_space<semaphore_mem>>) src(%dma_wait3A_62 : memref<10016x64xf32, #tpu.memory_space<vmem_shared>>) dst(%arg10 : memref<128x64xf32, #tpu.memory_space<vmem>>)
    %run_scoped3A_63 = arith.constant 3 : i32
    "tpu.region"() ({
      %run_scoped3A_79 = tpu.sem_alloc : memref<!tpu.dma_semaphore, #tpu.memory_space<semaphore_mem>>
      %dma_start3A_80 = arith.constant 0 : i32
      %dma_start3A_81 = arith.constant 0 : i32
      %dma_start3A_82 = arith.constant 0 : i32
      %dma_start3A_83 = arith.constant 0 : i32
      %dma_start3A_84 = tpu.memref_slice %arg7[%arg0, %dma_start3A_80, %dma_start3A_81, %dma_start3A_82, %dma_start3A_83] : memref<2x16x5x128x64xf32, #tpu.memory_space<hbm>> -> memref<1x16x5x128x64xf32, #tpu.memory_space<hbm>>
      %dma_start3A_85 = tpu.memref_squeeze %dma_start3A_84 : memref<1x16x5x128x64xf32, #tpu.memory_space<hbm>> -> memref<16x5x128x64xf32, #tpu.memory_space<hbm>>
      %dma_start3A_86 = arith.constant 0 : i32
      %dma_start3A_87 = arith.constant 0 : i32
      %dma_start3A_88 = arith.constant 0 : i32
      %dma_start3A_89 = tpu.memref_slice %dma_start3A_85[%arg1, %dma_start3A_86, %dma_start3A_87, %dma_start3A_88] : memref<16x5x128x64xf32, #tpu.memory_space<hbm>> -> memref<1x5x128x64xf32, #tpu.memory_space<hbm>>
      %dma_start3A_90 = tpu.memref_squeeze %dma_start3A_89 : memref<1x5x128x64xf32, #tpu.memory_space<hbm>> -> memref<5x128x64xf32, #tpu.memory_space<hbm>>
      %dma_start3A_91 = arith.constant 0 : i32
      %dma_start3A_92 = arith.constant 0 : i32
      %dma_start3A_93 = tpu.memref_slice %dma_start3A_90[%run_scoped3A_63, %dma_start3A_91, %dma_start3A_92] : memref<5x128x64xf32, #tpu.memory_space<hbm>> -> memref<1x128x64xf32, #tpu.memory_space<hbm>>
      %dma_start3A_94 = tpu.memref_squeeze %dma_start3A_93 : memref<1x128x64xf32, #tpu.memory_space<hbm>> -> memref<128x64xf32, #tpu.memory_space<hbm>>
      %dma_start3A_95 = arith.constant 0 : i32
      %dma_start3A_96 = arith.constant 0 : i32
      %dma_start3A_97 = arith.constant 0 : i32
      %dma_start3A_98 = arith.constant 0 : i32
      %dma_start3A_99 = tpu.memref_slice %arg7[%arg0, %dma_start3A_95, %dma_start3A_96, %dma_start3A_97, %dma_start3A_98] : memref<2x16x5x128x64xf32, #tpu.memory_space<hbm>> -> memref<1x16x5x128x64xf32, #tpu.memory_space<hbm>>
      %dma_start3A_100 = tpu.memref_squeeze %dma_start3A_99 : memref<1x16x5x128x64xf32, #tpu.memory_space<hbm>> -> memref<16x5x128x64xf32, #tpu.memory_space<hbm>>
      %dma_start3A_101 = arith.constant 0 : i32
      %dma_start3A_102 = arith.constant 0 : i32
      %dma_start3A_103 = arith.constant 0 : i32
      %dma_start3A_104 = tpu.memref_slice %dma_start3A_100[%arg1, %dma_start3A_101, %dma_start3A_102, %dma_start3A_103] : memref<16x5x128x64xf32, #tpu.memory_space<hbm>> -> memref<1x5x128x64xf32, #tpu.memory_space<hbm>>
      %dma_start3A_105 = tpu.memref_squeeze %dma_start3A_104 : memref<1x5x128x64xf32, #tpu.memory_space<hbm>> -> memref<5x128x64xf32, #tpu.memory_space<hbm>>
      %dma_start3A_106 = arith.constant 0 : i32
      %dma_start3A_107 = arith.constant 0 : i32
      %dma_start3A_108 = tpu.memref_slice %dma_start3A_105[%run_scoped3A_63, %dma_start3A_106, %dma_start3A_107] : memref<5x128x64xf32, #tpu.memory_space<hbm>> -> memref<1x128x64xf32, #tpu.memory_space<hbm>>
      %dma_start3A_109 = tpu.memref_squeeze %dma_start3A_108 : memref<1x128x64xf32, #tpu.memory_space<hbm>> -> memref<128x64xf32, #tpu.memory_space<hbm>>
      tpu.enqueue_dma source(%arg10 : memref<128x64xf32, #tpu.memory_space<vmem>>) target(%dma_start3A_109 : memref<128x64xf32, #tpu.memory_space<hbm>>) target_semaphore(%run_scoped3A_79 : memref<!tpu.dma_semaphore, #tpu.memory_space<semaphore_mem>>)
      %dma_wait3A_110 = arith.constant 0 : i32
      %dma_wait3A_111 = arith.constant 0 : i32
      %dma_wait3A_112 = arith.constant 0 : i32
      %dma_wait3A_113 = arith.constant 0 : i32
      %dma_wait3A_114 = tpu.memref_slice %arg7[%arg0, %dma_wait3A_110, %dma_wait3A_111, %dma_wait3A_112, %dma_wait3A_113] : memref<2x16x5x128x64xf32, #tpu.memory_space<hbm>> -> memref<1x16x5x128x64xf32, #tpu.memory_space<hbm>>
      %dma_wait3A_115 = tpu.memref_squeeze %dma_wait3A_114 : memref<1x16x5x128x64xf32, #tpu.memory_space<hbm>> -> memref<16x5x128x64xf32, #tpu.memory_space<hbm>>
      %dma_wait3A_116 = arith.constant 0 : i32
      %dma_wait3A_117 = arith.constant 0 : i32
      %dma_wait3A_118 = arith.constant 0 : i32
      %dma_wait3A_119 = tpu.memref_slice %dma_wait3A_115[%arg1, %dma_wait3A_116, %dma_wait3A_117, %dma_wait3A_118] : memref<16x5x128x64xf32, #tpu.memory_space<hbm>> -> memref<1x5x128x64xf32, #tpu.memory_space<hbm>>
      %dma_wait3A_120 = tpu.memref_squeeze %dma_wait3A_119 : memref<1x5x128x64xf32, #tpu.memory_space<hbm>> -> memref<5x128x64xf32, #tpu.memory_space<hbm>>
      %dma_wait3A_121 = arith.constant 0 : i32
      %dma_wait3A_122 = arith.constant 0 : i32
      %dma_wait3A_123 = tpu.memref_slice %dma_wait3A_120[%run_scoped3A_63, %dma_wait3A_121, %dma_wait3A_122] : memref<5x128x64xf32, #tpu.memory_space<hbm>> -> memref<1x128x64xf32, #tpu.memory_space<hbm>>
      %dma_wait3A_124 = tpu.memref_squeeze %dma_wait3A_123 : memref<1x128x64xf32, #tpu.memory_space<hbm>> -> memref<128x64xf32, #tpu.memory_space<hbm>>
      %dma_wait3A_125 = arith.constant 0 : i32
      %dma_wait3A_126 = arith.constant 0 : i32
      %dma_wait3A_127 = arith.constant 0 : i32
      %dma_wait3A_128 = arith.constant 0 : i32
      %dma_wait3A_129 = tpu.memref_slice %arg7[%arg0, %dma_wait3A_125, %dma_wait3A_126, %dma_wait3A_127, %dma_wait3A_128] : memref<2x16x5x128x64xf32, #tpu.memory_space<hbm>> -> memref<1x16x5x128x64xf32, #tpu.memory_space<hbm>>
      %dma_wait3A_130 = tpu.memref_squeeze %dma_wait3A_129 : memref<1x16x5x128x64xf32, #tpu.memory_space<hbm>> -> memref<16x5x128x64xf32, #tpu.memory_space<hbm>>
      %dma_wait3A_131 = arith.constant 0 : i32
      %dma_wait3A_132 = arith.constant 0 : i32
      %dma_wait3A_133 = arith.constant 0 : i32
      %dma_wait3A_134 = tpu.memref_slice %dma_wait3A_130[%arg1, %dma_wait3A_131, %dma_wait3A_132, %dma_wait3A_133] : memref<16x5x128x64xf32, #tpu.memory_space<hbm>> -> memref<1x5x128x64xf32, #tpu.memory_space<hbm>>
      %dma_wait3A_135 = tpu.memref_squeeze %dma_wait3A_134 : memref<1x5x128x64xf32, #tpu.memory_space<hbm>> -> memref<5x128x64xf32, #tpu.memory_space<hbm>>
      %dma_wait3A_136 = arith.constant 0 : i32
      %dma_wait3A_137 = arith.constant 0 : i32
      %dma_wait3A_138 = tpu.memref_slice %dma_wait3A_135[%run_scoped3A_63, %dma_wait3A_136, %dma_wait3A_137] : memref<5x128x64xf32, #tpu.memory_space<hbm>> -> memref<1x128x64xf32, #tpu.memory_space<hbm>>
      %dma_wait3A_139 = tpu.memref_squeeze %dma_wait3A_138 : memref<1x128x64xf32, #tpu.memory_space<hbm>> -> memref<128x64xf32, #tpu.memory_space<hbm>>
      tpu.wait_dma2 semaphore(%run_scoped3A_79 : memref<!tpu.dma_semaphore, #tpu.memory_space<semaphore_mem>>) src(%arg10 : memref<128x64xf32, #tpu.memory_space<vmem>>) dst(%dma_wait3A_139 : memref<128x64xf32, #tpu.memory_space<hbm>>)
      tpu.yield
    }) : () -> ()
    %dma_start3A_64 = arith.constant 4 : i32
    %dma_start3A_65 = arith.constant 0 : i32
    %dma_start3A_66 = tpu.memref_slice %arg13[%dma_start3A_64, %dma_start3A_65] : memref<5x128xi32, #tpu.memory_space<vmem>> -> memref<1x128xi32, #tpu.memory_space<vmem>>
    %dma_start3A_67 = tpu.memref_squeeze %dma_start3A_66 : memref<1x128xi32, #tpu.memory_space<vmem>> -> memref<128xi32, #tpu.memory_space<vmem>>
    %dma_start3A_68 = arith.constant 0 : i32
    %dma_start3A_69 = arith.constant 0 : i32
    %dma_start3A_70 = tpu.memref_slice %arg11[%dma_start3A_68, %dma_start3A_69] : memref<10016x64xf32, #tpu.memory_space<vmem_shared>> -> memref<10016x64xf32, #tpu.memory_space<vmem_shared>>
    tpu.enqueue_indirect_dma source(%dma_start3A_70 : memref<10016x64xf32, #tpu.memory_space<vmem_shared>>) target(%arg10 : memref<128x64xf32, #tpu.memory_space<vmem>>) offsets(%dma_start3A_67 : memref<128xi32, #tpu.memory_space<vmem>>) semaphore(%arg12 : memref<!tpu.dma_semaphore, #tpu.memory_space<semaphore_mem>>)
    %dma_wait3A_71 = arith.constant 4 : i32
    %dma_wait3A_72 = arith.constant 0 : i32
    %dma_wait3A_73 = tpu.memref_slice %arg13[%dma_wait3A_71, %dma_wait3A_72] : memref<5x128xi32, #tpu.memory_space<vmem>> -> memref<1x128xi32, #tpu.memory_space<vmem>>
    %dma_wait3A_74 = tpu.memref_squeeze %dma_wait3A_73 : memref<1x128xi32, #tpu.memory_space<vmem>> -> memref<128xi32, #tpu.memory_space<vmem>>
    %dma_wait3A_75 = arith.constant 0 : i32
    %dma_wait3A_76 = arith.constant 0 : i32
    %dma_wait3A_77 = tpu.memref_slice %arg11[%dma_wait3A_75, %dma_wait3A_76] : memref<10016x64xf32, #tpu.memory_space<vmem_shared>> -> memref<10016x64xf32, #tpu.memory_space<vmem_shared>>
    tpu.wait_indirect_dma semaphore(%arg12 : memref<!tpu.dma_semaphore, #tpu.memory_space<semaphore_mem>>) src(%dma_wait3A_77 : memref<10016x64xf32, #tpu.memory_space<vmem_shared>>) dst(%arg10 : memref<128x64xf32, #tpu.memory_space<vmem>>)
    %run_scoped3A_78 = arith.constant 4 : i32
    "tpu.region"() ({
      %run_scoped3A_79 = tpu.sem_alloc : memref<!tpu.dma_semaphore, #tpu.memory_space<semaphore_mem>>
      %dma_start3A_80 = arith.constant 0 : i32
      %dma_start3A_81 = arith.constant 0 : i32
      %dma_start3A_82 = arith.constant 0 : i32
      %dma_start3A_83 = arith.constant 0 : i32
      %dma_start3A_84 = tpu.memref_slice %arg7[%arg0, %dma_start3A_80, %dma_start3A_81, %dma_start3A_82, %dma_start3A_83] : memref<2x16x5x128x64xf32, #tpu.memory_space<hbm>> -> memref<1x16x5x128x64xf32, #tpu.memory_space<hbm>>
      %dma_start3A_85 = tpu.memref_squeeze %dma_start3A_84 : memref<1x16x5x128x64xf32, #tpu.memory_space<hbm>> -> memref<16x5x128x64xf32, #tpu.memory_space<hbm>>
      %dma_start3A_86 = arith.constant 0 : i32
      %dma_start3A_87 = arith.constant 0 : i32
      %dma_start3A_88 = arith.constant 0 : i32
      %dma_start3A_89 = tpu.memref_slice %dma_start3A_85[%arg1, %dma_start3A_86, %dma_start3A_87, %dma_start3A_88] : memref<16x5x128x64xf32, #tpu.memory_space<hbm>> -> memref<1x5x128x64xf32, #tpu.memory_space<hbm>>
      %dma_start3A_90 = tpu.memref_squeeze %dma_start3A_89 : memref<1x5x128x64xf32, #tpu.memory_space<hbm>> -> memref<5x128x64xf32, #tpu.memory_space<hbm>>
      %dma_start3A_91 = arith.constant 0 : i32
      %dma_start3A_92 = arith.constant 0 : i32
      %dma_start3A_93 = tpu.memref_slice %dma_start3A_90[%run_scoped3A_78, %dma_start3A_91, %dma_start3A_92] : memref<5x128x64xf32, #tpu.memory_space<hbm>> -> memref<1x128x64xf32, #tpu.memory_space<hbm>>
      %dma_start3A_94 = tpu.memref_squeeze %dma_start3A_93 : memref<1x128x64xf32, #tpu.memory_space<hbm>> -> memref<128x64xf32, #tpu.memory_space<hbm>>
      %dma_start3A_95 = arith.constant 0 : i32
      %dma_start3A_96 = arith.constant 0 : i32
      %dma_start3A_97 = arith.constant 0 : i32
      %dma_start3A_98 = arith.constant 0 : i32
      %dma_start3A_99 = tpu.memref_slice %arg7[%arg0, %dma_start3A_95, %dma_start3A_96, %dma_start3A_97, %dma_start3A_98] : memref<2x16x5x128x64xf32, #tpu.memory_space<hbm>> -> memref<1x16x5x128x64xf32, #tpu.memory_space<hbm>>
      %dma_start3A_100 = tpu.memref_squeeze %dma_start3A_99 : memref<1x16x5x128x64xf32, #tpu.memory_space<hbm>> -> memref<16x5x128x64xf32, #tpu.memory_space<hbm>>
      %dma_start3A_101 = arith.constant 0 : i32
      %dma_start3A_102 = arith.constant 0 : i32
      %dma_start3A_103 = arith.constant 0 : i32
      %dma_start3A_104 = tpu.memref_slice %dma_start3A_100[%arg1, %dma_start3A_101, %dma_start3A_102, %dma_start3A_103] : memref<16x5x128x64xf32, #tpu.memory_space<hbm>> -> memref<1x5x128x64xf32, #tpu.memory_space<hbm>>
      %dma_start3A_105 = tpu.memref_squeeze %dma_start3A_104 : memref<1x5x128x64xf32, #tpu.memory_space<hbm>> -> memref<5x128x64xf32, #tpu.memory_space<hbm>>
      %dma_start3A_106 = arith.constant 0 : i32
      %dma_start3A_107 = arith.constant 0 : i32
      %dma_start3A_108 = tpu.memref_slice %dma_start3A_105[%run_scoped3A_78, %dma_start3A_106, %dma_start3A_107] : memref<5x128x64xf32, #tpu.memory_space<hbm>> -> memref<1x128x64xf32, #tpu.memory_space<hbm>>
      %dma_start3A_109 = tpu.memref_squeeze %dma_start3A_108 : memref<1x128x64xf32, #tpu.memory_space<hbm>> -> memref<128x64xf32, #tpu.memory_space<hbm>>
      tpu.enqueue_dma source(%arg10 : memref<128x64xf32, #tpu.memory_space<vmem>>) target(%dma_start3A_109 : memref<128x64xf32, #tpu.memory_space<hbm>>) target_semaphore(%run_scoped3A_79 : memref<!tpu.dma_semaphore, #tpu.memory_space<semaphore_mem>>)
      %dma_wait3A_110 = arith.constant 0 : i32
      %dma_wait3A_111 = arith.constant 0 : i32
      %dma_wait3A_112 = arith.constant 0 : i32
      %dma_wait3A_113 = arith.constant 0 : i32
      %dma_wait3A_114 = tpu.memref_slice %arg7[%arg0, %dma_wait3A_110, %dma_wait3A_111, %dma_wait3A_112, %dma_wait3A_113] : memref<2x16x5x128x64xf32, #tpu.memory_space<hbm>> -> memref<1x16x5x128x64xf32, #tpu.memory_space<hbm>>
      %dma_wait3A_115 = tpu.memref_squeeze %dma_wait3A_114 : memref<1x16x5x128x64xf32, #tpu.memory_space<hbm>> -> memref<16x5x128x64xf32, #tpu.memory_space<hbm>>
      %dma_wait3A_116 = arith.constant 0 : i32
      %dma_wait3A_117 = arith.constant 0 : i32
      %dma_wait3A_118 = arith.constant 0 : i32
      %dma_wait3A_119 = tpu.memref_slice %dma_wait3A_115[%arg1, %dma_wait3A_116, %dma_wait3A_117, %dma_wait3A_118] : memref<16x5x128x64xf32, #tpu.memory_space<hbm>> -> memref<1x5x128x64xf32, #tpu.memory_space<hbm>>
      %dma_wait3A_120 = tpu.memref_squeeze %dma_wait3A_119 : memref<1x5x128x64xf32, #tpu.memory_space<hbm>> -> memref<5x128x64xf32, #tpu.memory_space<hbm>>
      %dma_wait3A_121 = arith.constant 0 : i32
      %dma_wait3A_122 = arith.constant 0 : i32
      %dma_wait3A_123 = tpu.memref_slice %dma_wait3A_120[%run_scoped3A_78, %dma_wait3A_121, %dma_wait3A_122] : memref<5x128x64xf32, #tpu.memory_space<hbm>> -> memref<1x128x64xf32, #tpu.memory_space<hbm>>
      %dma_wait3A_124 = tpu.memref_squeeze %dma_wait3A_123 : memref<1x128x64xf32, #tpu.memory_space<hbm>> -> memref<128x64xf32, #tpu.memory_space<hbm>>
      %dma_wait3A_125 = arith.constant 0 : i32
      %dma_wait3A_126 = arith.constant 0 : i32
      %dma_wait3A_127 = arith.constant 0 : i32
      %dma_wait3A_128 = arith.constant 0 : i32
      %dma_wait3A_129 = tpu.memref_slice %arg7[%arg0, %dma_wait3A_125, %dma_wait3A_126, %dma_wait3A_127, %dma_wait3A_128] : memref<2x16x5x128x64xf32, #tpu.memory_space<hbm>> -> memref<1x16x5x128x64xf32, #tpu.memory_space<hbm>>
      %dma_wait3A_130 = tpu.memref_squeeze %dma_wait3A_129 : memref<1x16x5x128x64xf32, #tpu.memory_space<hbm>> -> memref<16x5x128x64xf32, #tpu.memory_space<hbm>>
      %dma_wait3A_131 = arith.constant 0 : i32
      %dma_wait3A_132 = arith.constant 0 : i32
      %dma_wait3A_133 = arith.constant 0 : i32
      %dma_wait3A_134 = tpu.memref_slice %dma_wait3A_130[%arg1, %dma_wait3A_131, %dma_wait3A_132, %dma_wait3A_133] : memref<16x5x128x64xf32, #tpu.memory_space<hbm>> -> memref<1x5x128x64xf32, #tpu.memory_space<hbm>>
      %dma_wait3A_135 = tpu.memref_squeeze %dma_wait3A_134 : memref<1x5x128x64xf32, #tpu.memory_space<hbm>> -> memref<5x128x64xf32, #tpu.memory_space<hbm>>
      %dma_wait3A_136 = arith.constant 0 : i32
      %dma_wait3A_137 = arith.constant 0 : i32
      %dma_wait3A_138 = tpu.memref_slice %dma_wait3A_135[%run_scoped3A_78, %dma_wait3A_136, %dma_wait3A_137] : memref<5x128x64xf32, #tpu.memory_space<hbm>> -> memref<1x128x64xf32, #tpu.memory_space<hbm>>
      %dma_wait3A_139 = tpu.memref_squeeze %dma_wait3A_138 : memref<1x128x64xf32, #tpu.memory_space<hbm>> -> memref<128x64xf32, #tpu.memory_space<hbm>>
      tpu.wait_dma2 semaphore(%run_scoped3A_79 : memref<!tpu.dma_semaphore, #tpu.memory_space<semaphore_mem>>) src(%arg10 : memref<128x64xf32, #tpu.memory_space<vmem>>) dst(%dma_wait3A_139 : memref<128x64xf32, #tpu.memory_space<hbm>>)
      tpu.yield
    }) : () -> ()
    return
  }
}

module attributes {stable_mosaic.version = 14 : i64} {
  func.func @body(%arg0: i32, %arg1: memref<2000x128xf32, #tpu.memory_space<vmem>>, %arg2: memref<2000x1xf32, #tpu.memory_space<vmem>>, %arg3: memref<128x128xf32, #tpu.memory_space<vmem>>, %arg4: memref<1x128xf32, #tpu.memory_space<vmem>>, %arg5: memref<128x128xf32, #tpu.memory_space<vmem>>, %arg6: memref<1x128xf32, #tpu.memory_space<vmem>>, %arg7: memref<2000x128xf32, #tpu.memory_space<vmem>>) attributes {dimension_semantics = [#tpu.dimension_semantics<arbitrary>], iteration_bounds = array<i64: 5>, scalar_prefetch = 0 : i64, scratch_operands = 0 : i64, tpu.core_type = #tpu.core_type<tc>, window_params = [{transform_indices = @transform_0, window_bounds = array<i64: 2000, 128>}, {transform_indices = @transform_1, window_bounds = array<i64: 2000, 1>}, {pipeline_mode = #tpu.pipeline_mode<synchronous>, transform_indices = @transform_2, window_bounds = array<i64: 128, 128>}, {pipeline_mode = #tpu.pipeline_mode<synchronous>, transform_indices = @transform_3, window_bounds = array<i64: 1, 128>}, {pipeline_mode = #tpu.pipeline_mode<synchronous>, transform_indices = @transform_4, window_bounds = array<i64: 128, 128>}, {pipeline_mode = #tpu.pipeline_mode<synchronous>, transform_indices = @transform_5, window_bounds = array<i64: 1, 128>}, {transform_indices = @transform_6, window_bounds = array<i64: 2000, 128>}]} {
    %get3A = arith.constant 0 : index
    %get3A_0 = arith.constant 0 : index
    %get3A_1 = vector.load %arg1[%get3A, %get3A_0] : memref<2000x128xf32, #tpu.memory_space<vmem>>, vector<2000x128xf32>
    %get3A_2 = arith.constant 0 : index
    %get3A_3 = arith.constant 0 : index
    %get3A_4 = vector.load %arg3[%get3A_2, %get3A_3] : memref<128x128xf32, #tpu.memory_space<vmem>>, vector<128x128xf32>
    %dot_general3A = arith.constant dense<0.000000e+00> : vector<2000x128xf32>
    %dot_general3A_5 = tpu.matmul %get3A_1, %get3A_4, %dot_general3A {dimension_numbers = #tpu.dot_dimension_numbers<[1], [0], [0], [1], [0, 0, 1, 1], [], []>, precision = #tpu.contract_precision<fp32>, transpose_lhs_hint = false} : vector<2000x128xf32>, vector<128x128xf32>, vector<2000x128xf32> -> vector<2000x128xf32>
    %get3A_6 = arith.constant 0 : index
    %get3A_7 = arith.constant 0 : index
    %get3A_8 = vector.load %arg4[%get3A_6, %get3A_7] : memref<1x128xf32, #tpu.memory_space<vmem>>, vector<1x128xf32>
    %add3A = vector.broadcast %get3A_8 : vector<1x128xf32> to vector<2000x128xf32>
    %add3A_9 = arith.addf %dot_general3A_5, %add3A : vector<2000x128xf32>
    %get3A_10 = arith.constant 0 : index
    %get3A_11 = arith.constant 0 : index
    %get3A_12 = vector.load %arg5[%get3A_10, %get3A_11] : memref<128x128xf32, #tpu.memory_space<vmem>>, vector<128x128xf32>
    %dot_general3A_13 = arith.constant dense<0.000000e+00> : vector<2000x128xf32>
    %dot_general3A_14 = tpu.matmul %get3A_1, %get3A_12, %dot_general3A_13 {dimension_numbers = #tpu.dot_dimension_numbers<[1], [0], [0], [1], [0, 0, 1, 1], [], []>, precision = #tpu.contract_precision<fp32>, transpose_lhs_hint = false} : vector<2000x128xf32>, vector<128x128xf32>, vector<2000x128xf32> -> vector<2000x128xf32>
    %get3A_15 = arith.constant 0 : index
    %get3A_16 = arith.constant 0 : index
    %get3A_17 = vector.load %arg6[%get3A_15, %get3A_16] : memref<1x128xf32, #tpu.memory_space<vmem>>, vector<1x128xf32>
    %add3A_18 = vector.broadcast %get3A_17 : vector<1x128xf32> to vector<2000x128xf32>
    %add3A_19 = arith.addf %dot_general3A_14, %add3A_18 : vector<2000x128xf32>
    %get3A_20 = arith.constant 0 : index
    %get3A_21 = arith.constant 0 : index
    %get3A_22 = vector.load %arg2[%get3A_20, %get3A_21] : memref<2000x1xf32, #tpu.memory_space<vmem>>, vector<2000x1xf32>
    %gt3A = arith.constant 0.000000e+00 : f32
    %gt3A_23 = vector.broadcast %gt3A : f32 to vector<2000x1xf32>
    %gt3A_24 = arith.cmpf ogt, %get3A_22, %gt3A_23 : vector<2000x1xf32>
    %broadcast_in_dim3A = vector.shape_cast %gt3A_24 : vector<2000x1xi1> to vector<2000x1xi1>
    %broadcast_in_dim3A_25 = vector.broadcast %broadcast_in_dim3A : vector<2000x1xi1> to vector<2000x128xi1>
    %select_n3A = arith.select %broadcast_in_dim3A_25, %add3A_19, %add3A_9 : vector<2000x128xi1>, vector<2000x128xf32>
    %swap3A = arith.constant 0 : index
    %swap3A_26 = arith.constant 0 : index
    %swap3A_27 = vector.load %arg7[%swap3A, %swap3A_26] : memref<2000x128xf32, #tpu.memory_space<vmem>>, vector<2000x128xf32>
    tpu.vector_store %arg7[%swap3A, %swap3A_26], %select_n3A {strides = array<i32>} : memref<2000x128xf32, #tpu.memory_space<vmem>>, vector<2000x128xf32>,
    return
  }
  func.func @transform_0(%arg0: i32) -> (i32, i32) {
    %c0_i32 = arith.constant 0 : i32
    %c0_i32_0 = arith.constant 0 : i32
    return %arg0, %c0_i32 : i32, i32
  }
  func.func @transform_1(%arg0: i32) -> (i32, i32) {
    %c0_i32 = arith.constant 0 : i32
    %c0_i32_0 = arith.constant 0 : i32
    return %arg0, %c0_i32 : i32, i32
  }
  func.func @transform_2(%arg0: i32) -> (i32, i32) {
    %c0_i32 = arith.constant 0 : i32
    %c0_i32_0 = arith.constant 0 : i32
    %c0_i32_1 = arith.constant 0 : i32
    return %c0_i32, %c0_i32_0 : i32, i32
  }
  func.func @transform_3(%arg0: i32) -> (i32, i32) {
    %c0_i32 = arith.constant 0 : i32
    %c0_i32_0 = arith.constant 0 : i32
    %c0_i32_1 = arith.constant 0 : i32
    return %c0_i32, %c0_i32_0 : i32, i32
  }
  func.func @transform_4(%arg0: i32) -> (i32, i32) {
    %c0_i32 = arith.constant 0 : i32
    %c0_i32_0 = arith.constant 0 : i32
    %c0_i32_1 = arith.constant 0 : i32
    return %c0_i32, %c0_i32_0 : i32, i32
  }
  func.func @transform_5(%arg0: i32) -> (i32, i32) {
    %c0_i32 = arith.constant 0 : i32
    %c0_i32_0 = arith.constant 0 : i32
    %c0_i32_1 = arith.constant 0 : i32
    return %c0_i32, %c0_i32_0 : i32, i32
  }
  func.func @transform_6(%arg0: i32) -> (i32, i32) {
    %c0_i32 = arith.constant 0 : i32
    %c0_i32_0 = arith.constant 0 : i32
    return %arg0, %c0_i32 : i32, i32
  }
}

module attributes {stable_mosaic.version = 14 : i64} {
  func.func @body(%arg0: i32, %arg1: memref<2000x64xf32, #tpu.memory_space<vmem>>, %arg2: memref<2000x64xf32, #tpu.memory_space<vmem>>, %arg3: memref<2000x1xf32, #tpu.memory_space<vmem>>, %arg4: memref<2000x1xf32, #tpu.memory_space<vmem>>, %arg5: memref<2000x1xf32, #tpu.memory_space<vmem>>, %arg6: memref<64x128xf32, #tpu.memory_space<vmem>>, %arg7: memref<64x128xf32, #tpu.memory_space<vmem>>, %arg8: memref<1x128xf32, #tpu.memory_space<vmem>>, %arg9: memref<128x128xf32, #tpu.memory_space<vmem>>, %arg10: memref<1x128xf32, #tpu.memory_space<vmem>>, %arg11: memref<128x128xf32, #tpu.memory_space<vmem>>, %arg12: memref<1x128xf32, #tpu.memory_space<vmem>>, %arg13: memref<2000x128xf32, #tpu.memory_space<vmem>>) attributes {dimension_semantics = [#tpu.dimension_semantics<arbitrary>], iteration_bounds = array<i64: 5>, scalar_prefetch = 0 : i64, scratch_operands = 0 : i64, tpu.core_type = #tpu.core_type<tc>, window_params = [{transform_indices = @transform_0, window_bounds = array<i64: 2000, 64>}, {transform_indices = @transform_1, window_bounds = array<i64: 2000, 64>}, {transform_indices = @transform_2, window_bounds = array<i64: 2000, 1>}, {transform_indices = @transform_3, window_bounds = array<i64: 2000, 1>}, {transform_indices = @transform_4, window_bounds = array<i64: 2000, 1>}, {pipeline_mode = #tpu.pipeline_mode<synchronous>, transform_indices = @transform_5, window_bounds = array<i64: 64, 128>}, {pipeline_mode = #tpu.pipeline_mode<synchronous>, transform_indices = @transform_6, window_bounds = array<i64: 64, 128>}, {pipeline_mode = #tpu.pipeline_mode<synchronous>, transform_indices = @transform_7, window_bounds = array<i64: 1, 128>}, {pipeline_mode = #tpu.pipeline_mode<synchronous>, transform_indices = @transform_8, window_bounds = array<i64: 128, 128>}, {pipeline_mode = #tpu.pipeline_mode<synchronous>, transform_indices = @transform_9, window_bounds = array<i64: 1, 128>}, {pipeline_mode = #tpu.pipeline_mode<synchronous>, transform_indices = @transform_10, window_bounds = array<i64: 128, 128>}, {pipeline_mode = #tpu.pipeline_mode<synchronous>, transform_indices = @transform_11, window_bounds = array<i64: 1, 128>}, {transform_indices = @transform_12, window_bounds = array<i64: 2000, 128>}]} {
    %get3A = arith.constant 0 : index
    %get3A_0 = arith.constant 0 : index
    %get3A_1 = vector.load %arg3[%get3A, %get3A_0] : memref<2000x1xf32, #tpu.memory_space<vmem>>, vector<2000x1xf32>
    %get3A_2 = arith.constant 0 : index
    %get3A_3 = arith.constant 0 : index
    %get3A_4 = vector.load %arg4[%get3A_2, %get3A_3] : memref<2000x1xf32, #tpu.memory_space<vmem>>, vector<2000x1xf32>
    %add3A = arith.addf %get3A_1, %get3A_4 : vector<2000x1xf32>
    %max3A = arith.constant 1.000000e+00 : f32
    %max3A_5 = vector.broadcast %max3A : f32 to vector<2000x1xf32>
    %max3A_6 = arith.maximumf %add3A, %max3A_5 : vector<2000x1xf32>
    %div3A = arith.constant 1.000000e+00 : f32
    %div3A_7 = vector.broadcast %div3A : f32 to vector<2000x1xf32>
    %div3A_8 = arith.divf %div3A_7, %max3A_6 : vector<2000x1xf32>
    %get3A_9 = arith.constant 0 : index
    %get3A_10 = arith.constant 0 : index
    %get3A_11 = vector.load %arg1[%get3A_9, %get3A_10] : memref<2000x64xf32, #tpu.memory_space<vmem>>, vector<2000x64xf32>
    %get3A_12 = arith.constant 0 : index
    %get3A_13 = arith.constant 0 : index
    %get3A_14 = vector.load %arg6[%get3A_12, %get3A_13] : memref<64x128xf32, #tpu.memory_space<vmem>>, vector<64x128xf32>
    %dot_general3A = arith.constant dense<0.000000e+00> : vector<2000x128xf32>
    %dot_general3A_15 = tpu.matmul %get3A_11, %get3A_14, %dot_general3A {dimension_numbers = #tpu.dot_dimension_numbers<[1], [0], [0], [1], [0, 0, 1, 1], [], []>, precision = #tpu.contract_precision<fp32>, transpose_lhs_hint = false} : vector<2000x64xf32>, vector<64x128xf32>, vector<2000x128xf32> -> vector<2000x128xf32>
    %get3A_16 = arith.constant 0 : index
    %get3A_17 = arith.constant 0 : index
    %get3A_18 = vector.load %arg2[%get3A_16, %get3A_17] : memref<2000x64xf32, #tpu.memory_space<vmem>>, vector<2000x64xf32>
    %get3A_19 = arith.constant 0 : index
    %get3A_20 = arith.constant 0 : index
    %get3A_21 = vector.load %arg7[%get3A_19, %get3A_20] : memref<64x128xf32, #tpu.memory_space<vmem>>, vector<64x128xf32>
    %dot_general3A_22 = arith.constant dense<0.000000e+00> : vector<2000x128xf32>
    %dot_general3A_23 = tpu.matmul %get3A_18, %get3A_21, %dot_general3A_22 {dimension_numbers = #tpu.dot_dimension_numbers<[1], [0], [0], [1], [0, 0, 1, 1], [], []>, precision = #tpu.contract_precision<fp32>, transpose_lhs_hint = false} : vector<2000x64xf32>, vector<64x128xf32>, vector<2000x128xf32> -> vector<2000x128xf32>
    %add3A_24 = arith.addf %dot_general3A_15, %dot_general3A_23 : vector<2000x128xf32>
    %mul3A = vector.broadcast %div3A_8 : vector<2000x1xf32> to vector<2000x128xf32>
    %mul3A_25 = arith.mulf %add3A_24, %mul3A : vector<2000x128xf32>
    %get3A_26 = arith.constant 0 : index
    %get3A_27 = arith.constant 0 : index
    %get3A_28 = vector.load %arg8[%get3A_26, %get3A_27] : memref<1x128xf32, #tpu.memory_space<vmem>>, vector<1x128xf32>
    %add3A_29 = vector.broadcast %get3A_28 : vector<1x128xf32> to vector<2000x128xf32>
    %add3A_30 = arith.addf %mul3A_25, %add3A_29 : vector<2000x128xf32>
    %max3A_31 = arith.constant 0.000000e+00 : f32
    %max3A_32 = vector.broadcast %max3A_31 : f32 to vector<2000x128xf32>
    %max3A_33 = arith.maximumf %add3A_30, %max3A_32 : vector<2000x128xf32>
    %get3A_34 = arith.constant 0 : index
    %get3A_35 = arith.constant 0 : index
    %get3A_36 = vector.load %arg9[%get3A_34, %get3A_35] : memref<128x128xf32, #tpu.memory_space<vmem>>, vector<128x128xf32>
    %dot_general3A_37 = arith.constant dense<0.000000e+00> : vector<2000x128xf32>
    %dot_general3A_38 = tpu.matmul %max3A_33, %get3A_36, %dot_general3A_37 {dimension_numbers = #tpu.dot_dimension_numbers<[1], [0], [0], [1], [0, 0, 1, 1], [], []>, precision = #tpu.contract_precision<fp32>, transpose_lhs_hint = false} : vector<2000x128xf32>, vector<128x128xf32>, vector<2000x128xf32> -> vector<2000x128xf32>
    %get3A_39 = arith.constant 0 : index
    %get3A_40 = arith.constant 0 : index
    %get3A_41 = vector.load %arg10[%get3A_39, %get3A_40] : memref<1x128xf32, #tpu.memory_space<vmem>>, vector<1x128xf32>
    %add3A_42 = vector.broadcast %get3A_41 : vector<1x128xf32> to vector<2000x128xf32>
    %add3A_43 = arith.addf %dot_general3A_38, %add3A_42 : vector<2000x128xf32>
    %get3A_44 = arith.constant 0 : index
    %get3A_45 = arith.constant 0 : index
    %get3A_46 = vector.load %arg11[%get3A_44, %get3A_45] : memref<128x128xf32, #tpu.memory_space<vmem>>, vector<128x128xf32>
    %dot_general3A_47 = arith.constant dense<0.000000e+00> : vector<2000x128xf32>
    %dot_general3A_48 = tpu.matmul %max3A_33, %get3A_46, %dot_general3A_47 {dimension_numbers = #tpu.dot_dimension_numbers<[1], [0], [0], [1], [0, 0, 1, 1], [], []>, precision = #tpu.contract_precision<fp32>, transpose_lhs_hint = false} : vector<2000x128xf32>, vector<128x128xf32>, vector<2000x128xf32> -> vector<2000x128xf32>
    %get3A_49 = arith.constant 0 : index
    %get3A_50 = arith.constant 0 : index
    %get3A_51 = vector.load %arg12[%get3A_49, %get3A_50] : memref<1x128xf32, #tpu.memory_space<vmem>>, vector<1x128xf32>
    %add3A_52 = vector.broadcast %get3A_51 : vector<1x128xf32> to vector<2000x128xf32>
    %add3A_53 = arith.addf %dot_general3A_48, %add3A_52 : vector<2000x128xf32>
    %get3A_54 = arith.constant 0 : index
    %get3A_55 = arith.constant 0 : index
    %get3A_56 = vector.load %arg5[%get3A_54, %get3A_55] : memref<2000x1xf32, #tpu.memory_space<vmem>>, vector<2000x1xf32>
    %gt3A = arith.constant 0.000000e+00 : f32
    %gt3A_57 = vector.broadcast %gt3A : f32 to vector<2000x1xf32>
    %gt3A_58 = arith.cmpf ogt, %get3A_56, %gt3A_57 : vector<2000x1xf32>
    %broadcast_in_dim3A = vector.shape_cast %gt3A_58 : vector<2000x1xi1> to vector<2000x1xi1>
    %broadcast_in_dim3A_59 = vector.broadcast %broadcast_in_dim3A : vector<2000x1xi1> to vector<2000x128xi1>
    %select_n3A = arith.select %broadcast_in_dim3A_59, %add3A_53, %add3A_43 : vector<2000x128xi1>, vector<2000x128xf32>
    %swap3A = arith.constant 0 : index
    %swap3A_60 = arith.constant 0 : index
    %swap3A_61 = vector.load %arg13[%swap3A, %swap3A_60] : memref<2000x128xf32, #tpu.memory_space<vmem>>, vector<2000x128xf32>
    tpu.vector_store %arg13[%swap3A, %swap3A_60], %select_n3A {strides = array<i32>} : memref<2000x128xf32, #tpu.memory_space<vmem>>, vector<2000x128xf32>,
    return
  }
  func.func @transform_0(%arg0: i32) -> (i32, i32) {
    %c0_i32 = arith.constant 0 : i32
    %c0_i32_0 = arith.constant 0 : i32
    return %arg0, %c0_i32 : i32, i32
  }
  func.func @transform_1(%arg0: i32) -> (i32, i32) {
    %c0_i32 = arith.constant 0 : i32
    %c0_i32_0 = arith.constant 0 : i32
    return %arg0, %c0_i32 : i32, i32
  }
  func.func @transform_2(%arg0: i32) -> (i32, i32) {
    %c0_i32 = arith.constant 0 : i32
    %c0_i32_0 = arith.constant 0 : i32
    return %arg0, %c0_i32 : i32, i32
  }
  func.func @transform_3(%arg0: i32) -> (i32, i32) {
    %c0_i32 = arith.constant 0 : i32
    %c0_i32_0 = arith.constant 0 : i32
    return %arg0, %c0_i32 : i32, i32
  }
  func.func @transform_4(%arg0: i32) -> (i32, i32) {
    %c0_i32 = arith.constant 0 : i32
    %c0_i32_0 = arith.constant 0 : i32
    return %arg0, %c0_i32 : i32, i32
  }
  func.func @transform_5(%arg0: i32) -> (i32, i32) {
    %c0_i32 = arith.constant 0 : i32
    %c0_i32_0 = arith.constant 0 : i32
    %c0_i32_1 = arith.constant 0 : i32
    return %c0_i32, %c0_i32_0 : i32, i32
  }
  func.func @transform_6(%arg0: i32) -> (i32, i32) {
    %c0_i32 = arith.constant 0 : i32
    %c0_i32_0 = arith.constant 0 : i32
    %c0_i32_1 = arith.constant 0 : i32
    return %c0_i32, %c0_i32_0 : i32, i32
  }
  func.func @transform_7(%arg0: i32) -> (i32, i32) {
    %c0_i32 = arith.constant 0 : i32
    %c0_i32_0 = arith.constant 0 : i32
    %c0_i32_1 = arith.constant 0 : i32
    return %c0_i32, %c0_i32_0 : i32, i32
  }
  func.func @transform_8(%arg0: i32) -> (i32, i32) {
    %c0_i32 = arith.constant 0 : i32
    %c0_i32_0 = arith.constant 0 : i32
    %c0_i32_1 = arith.constant 0 : i32
    return %c0_i32, %c0_i32_0 : i32, i32
  }
  func.func @transform_9(%arg0: i32) -> (i32, i32) {
    %c0_i32 = arith.constant 0 : i32
    %c0_i32_0 = arith.constant 0 : i32
    %c0_i32_1 = arith.constant 0 : i32
    return %c0_i32, %c0_i32_0 : i32, i32
  }
  func.func @transform_10(%arg0: i32) -> (i32, i32) {
    %c0_i32 = arith.constant 0 : i32
    %c0_i32_0 = arith.constant 0 : i32
    %c0_i32_1 = arith.constant 0 : i32
    return %c0_i32, %c0_i32_0 : i32, i32
  }
  func.func @transform_11(%arg0: i32) -> (i32, i32) {
    %c0_i32 = arith.constant 0 : i32
    %c0_i32_0 = arith.constant 0 : i32
    %c0_i32_1 = arith.constant 0 : i32
    return %c0_i32, %c0_i32_0 : i32, i32
  }
  func.func @transform_12(%arg0: i32) -> (i32, i32) {
    %c0_i32 = arith.constant 0 : i32
    %c0_i32_0 = arith.constant 0 : i32
    return %arg0, %c0_i32 : i32, i32
  }
}

module attributes {stable_mosaic.version = 14 : i64} {
  func.func @body(%arg0: i32, %arg1: memref<2000x64xf32, #tpu.memory_space<vmem>>, %arg2: memref<2000x64xf32, #tpu.memory_space<vmem>>, %arg3: memref<2000x1xf32, #tpu.memory_space<vmem>>, %arg4: memref<2000x1xf32, #tpu.memory_space<vmem>>, %arg5: memref<64x128xf32, #tpu.memory_space<vmem>>, %arg6: memref<64x128xf32, #tpu.memory_space<vmem>>, %arg7: memref<1x128xf32, #tpu.memory_space<vmem>>, %arg8: memref<2000x128xf32, #tpu.memory_space<vmem>>) attributes {dimension_semantics = [#tpu.dimension_semantics<arbitrary>], iteration_bounds = array<i64: 5>, scalar_prefetch = 0 : i64, scratch_operands = 0 : i64, tpu.core_type = #tpu.core_type<tc>, window_params = [{transform_indices = @transform_0, window_bounds = array<i64: 2000, 64>}, {transform_indices = @transform_1, window_bounds = array<i64: 2000, 64>}, {transform_indices = @transform_2, window_bounds = array<i64: 2000, 1>}, {transform_indices = @transform_3, window_bounds = array<i64: 2000, 1>}, {pipeline_mode = #tpu.pipeline_mode<synchronous>, transform_indices = @transform_4, window_bounds = array<i64: 64, 128>}, {pipeline_mode = #tpu.pipeline_mode<synchronous>, transform_indices = @transform_5, window_bounds = array<i64: 64, 128>}, {pipeline_mode = #tpu.pipeline_mode<synchronous>, transform_indices = @transform_6, window_bounds = array<i64: 1, 128>}, {transform_indices = @transform_7, window_bounds = array<i64: 2000, 128>}]} {
    %get3A = arith.constant 0 : index
    %get3A_0 = arith.constant 0 : index
    %get3A_1 = vector.load %arg3[%get3A, %get3A_0] : memref<2000x1xf32, #tpu.memory_space<vmem>>, vector<2000x1xf32>
    %get3A_2 = arith.constant 0 : index
    %get3A_3 = arith.constant 0 : index
    %get3A_4 = vector.load %arg4[%get3A_2, %get3A_3] : memref<2000x1xf32, #tpu.memory_space<vmem>>, vector<2000x1xf32>
    %add3A = arith.addf %get3A_1, %get3A_4 : vector<2000x1xf32>
    %max3A = arith.constant 1.000000e+00 : f32
    %max3A_5 = vector.broadcast %max3A : f32 to vector<2000x1xf32>
    %max3A_6 = arith.maximumf %add3A, %max3A_5 : vector<2000x1xf32>
    %div3A = arith.constant 1.000000e+00 : f32
    %div3A_7 = vector.broadcast %div3A : f32 to vector<2000x1xf32>
    %div3A_8 = arith.divf %div3A_7, %max3A_6 : vector<2000x1xf32>
    %get3A_9 = arith.constant 0 : index
    %get3A_10 = arith.constant 0 : index
    %get3A_11 = vector.load %arg1[%get3A_9, %get3A_10] : memref<2000x64xf32, #tpu.memory_space<vmem>>, vector<2000x64xf32>
    %get3A_12 = arith.constant 0 : index
    %get3A_13 = arith.constant 0 : index
    %get3A_14 = vector.load %arg5[%get3A_12, %get3A_13] : memref<64x128xf32, #tpu.memory_space<vmem>>, vector<64x128xf32>
    %dot_general3A = arith.constant dense<0.000000e+00> : vector<2000x128xf32>
    %dot_general3A_15 = tpu.matmul %get3A_11, %get3A_14, %dot_general3A {dimension_numbers = #tpu.dot_dimension_numbers<[1], [0], [0], [1], [0, 0, 1, 1], [], []>, precision = #tpu.contract_precision<fp32>, transpose_lhs_hint = false} : vector<2000x64xf32>, vector<64x128xf32>, vector<2000x128xf32> -> vector<2000x128xf32>
    %get3A_16 = arith.constant 0 : index
    %get3A_17 = arith.constant 0 : index
    %get3A_18 = vector.load %arg2[%get3A_16, %get3A_17] : memref<2000x64xf32, #tpu.memory_space<vmem>>, vector<2000x64xf32>
    %get3A_19 = arith.constant 0 : index
    %get3A_20 = arith.constant 0 : index
    %get3A_21 = vector.load %arg6[%get3A_19, %get3A_20] : memref<64x128xf32, #tpu.memory_space<vmem>>, vector<64x128xf32>
    %dot_general3A_22 = arith.constant dense<0.000000e+00> : vector<2000x128xf32>
    %dot_general3A_23 = tpu.matmul %get3A_18, %get3A_21, %dot_general3A_22 {dimension_numbers = #tpu.dot_dimension_numbers<[1], [0], [0], [1], [0, 0, 1, 1], [], []>, precision = #tpu.contract_precision<fp32>, transpose_lhs_hint = false} : vector<2000x64xf32>, vector<64x128xf32>, vector<2000x128xf32> -> vector<2000x128xf32>
    %add3A_24 = arith.addf %dot_general3A_15, %dot_general3A_23 : vector<2000x128xf32>
    %mul3A = vector.broadcast %div3A_8 : vector<2000x1xf32> to vector<2000x128xf32>
    %mul3A_25 = arith.mulf %add3A_24, %mul3A : vector<2000x128xf32>
    %get3A_26 = arith.constant 0 : index
    %get3A_27 = arith.constant 0 : index
    %get3A_28 = vector.load %arg7[%get3A_26, %get3A_27] : memref<1x128xf32, #tpu.memory_space<vmem>>, vector<1x128xf32>
    %add3A_29 = vector.broadcast %get3A_28 : vector<1x128xf32> to vector<2000x128xf32>
    %add3A_30 = arith.addf %mul3A_25, %add3A_29 : vector<2000x128xf32>
    %max3A_31 = arith.constant 0.000000e+00 : f32
    %max3A_32 = vector.broadcast %max3A_31 : f32 to vector<2000x128xf32>
    %max3A_33 = arith.maximumf %add3A_30, %max3A_32 : vector<2000x128xf32>
    %swap3A = arith.constant 0 : index
    %swap3A_34 = arith.constant 0 : index
    %swap3A_35 = vector.load %arg8[%swap3A, %swap3A_34] : memref<2000x128xf32, #tpu.memory_space<vmem>>, vector<2000x128xf32>
    tpu.vector_store %arg8[%swap3A, %swap3A_34], %max3A_33 {strides = array<i32>} : memref<2000x128xf32, #tpu.memory_space<vmem>>, vector<2000x128xf32>,
    return
  }
  func.func @transform_0(%arg0: i32) -> (i32, i32) {
    %c0_i32 = arith.constant 0 : i32
    %c0_i32_0 = arith.constant 0 : i32
    return %arg0, %c0_i32 : i32, i32
  }
  func.func @transform_1(%arg0: i32) -> (i32, i32) {
    %c0_i32 = arith.constant 0 : i32
    %c0_i32_0 = arith.constant 0 : i32
    return %arg0, %c0_i32 : i32, i32
  }
  func.func @transform_2(%arg0: i32) -> (i32, i32) {
    %c0_i32 = arith.constant 0 : i32
    %c0_i32_0 = arith.constant 0 : i32
    return %arg0, %c0_i32 : i32, i32
  }
  func.func @transform_3(%arg0: i32) -> (i32, i32) {
    %c0_i32 = arith.constant 0 : i32
    %c0_i32_0 = arith.constant 0 : i32
    return %arg0, %c0_i32 : i32, i32
  }
  func.func @transform_4(%arg0: i32) -> (i32, i32) {
    %c0_i32 = arith.constant 0 : i32
    %c0_i32_0 = arith.constant 0 : i32
    %c0_i32_1 = arith.constant 0 : i32
    return %c0_i32, %c0_i32_0 : i32, i32
  }
  func.func @transform_5(%arg0: i32) -> (i32, i32) {
    %c0_i32 = arith.constant 0 : i32
    %c0_i32_0 = arith.constant 0 : i32
    %c0_i32_1 = arith.constant 0 : i32
    return %c0_i32, %c0_i32_0 : i32, i32
  }
  func.func @transform_6(%arg0: i32) -> (i32, i32) {
    %c0_i32 = arith.constant 0 : i32
    %c0_i32_0 = arith.constant 0 : i32
    %c0_i32_1 = arith.constant 0 : i32
    return %c0_i32, %c0_i32_0 : i32, i32
  }
  func.func @transform_7(%arg0: i32) -> (i32, i32) {
    %c0_i32 = arith.constant 0 : i32
    %c0_i32_0 = arith.constant 0 : i32
    return %arg0, %c0_i32 : i32, i32
  }
}

</mosaic_0001>

<sc_bundles>
// kernel: kernel.11.cloned.1.call-start
scs
__scs_entry_jumppad:
0x0: {  	(pc) =	sbr.rel $0x88, $3  }
0x1: {  	(tag) =	ssettag $0x0;
	lr =	simm.s32 $0x1  }
0x2: {  	[smem:$0x3F92] =	sst lr;
	_ =	strace $0xD0000000  }
0x3: {  	_ = 	snop  }
0x4: {  	_ = 	snop  }
0x5: {  	_ = 	snop  }
0x6: {  	_ = 	snop  }
0x7: {  	_ = 	snop  }
__scs_overlays_trampoline_lowered:
0x8: {  	[smem:$0x3FA1] =	sst s0  }
0x9: {  	[smem:$0x3FA2] =	sst s1  }
0xa: {  	[smem:$0x3FA3] =	sst s2  }
0xb: {  	[smem:$0x3FA4] =	sst s3  }
0xc: {  	[smem:$0x3FA5] =	sst s4  }
0xd: {  	[smem:$0x3FA6] =	sst s5  }
0xe: {  	[smem:$0x3FA7] =	sst s6  }
0xf: {  	[smem:$0x3FA8] =	sst s7  }
0x10: {  	[smem:$0x3FA9] =	sst s8  }
0x11: {  	[smem:$0x3FAA] =	sst s9;
	s0 =	simm.s32 @!p0 $0x0  }
0x12: {  	s1 =	sld [smem:$0x3F90];
	s0 =	simm.s32 @p0 $0x1  }
0x13: {  	[smem:$0x3FAB] =	sst s0;
	s0 =	simm.s32 @!p1 $0x0  }
0x14: {  	s2 =	sld [smem:$0x3F8F];
	s0 =	simm.s32 @p1 $0x1  }
0x15: {  	[smem:$0x3FAC] =	sst s0;
	s0 =	simm.s32 @!p2 $0x0  }
0x16: {  	s3 =	sld [smem:$0x3FDB];
	s0 =	simm.s32 @p2 $0x1  }
0x17: {  	s4 =	simm.s32 $0x1BF5;
	[smem:$0x3FAE] =	sst s0  }
0x18: {  	s0 =	sld [smem:$0x3F91];
	_ =	swait.ge [sflag:s4], $0x0  }
0x19: {  	s7 =	sld [smem:$0x3F92]  }
0x1a: {  	s8 =	sadd.s32 $0xFFFFE003, lr  }
0x1b: {  	s9 =	sadd.s32 $0xFFFFFEF7, lr;
	s5 =	simm.s32 $0xFFFFFFFF;
	p2 =	slt.u32 s8, $0xFFFFF086  }
0x1c: {  	p1 =	slt.u32 s9, $0xF7A;
	s5 =	simm.s32 @!p2 $0x0  }
0x1d: {  	s5 =	simm.s32 @p1 $0x1;
	p0 =	seq.s32 s7, s2  }
0x1e: {  	s7 =	smul.u32 @!p0 $0xF7A, s2;
	p2 =	seq.s32 @!p0 s5, $0x0  }
0x1f: {  	s9 =	smul.u32 $0xF7A, s1;
	s8 =	simm.s32 @!p0 $0x1BF5;
	p2 =	por !p2, p0  }
0x20: {  	[sflag:s8] =	ssyncset.s32 @!p0 $0xFFFFF086;
	s6 =	sadd.s32 @!p0 s3, s7;
	s7 =	simm.s32 @!p0 $0x108  }
0x21: {  	s3 =	sadd.s32 s3, s9;
	s6 =	sadd.s32 @!p0 $0x88, s6;
	s7 =	simm.s32 @p2 $0x1082  }
0x22: {  	[simem:s7], [sflag:s8] =	dma.local @!p0 [hbm:s6], $0xF7A  }
0x23: {  	s9 =	sor.u32 $0xD0000000, s2;
	s6 =	simm.s32 $0x108;
	_ =	swait.ge @!p0 [sflag:s8], $0x0  }
0x24: {  	s3 =	sadd.s32 $0x88, s3;
	s6 =	simm.s32 @!p1 $0x1082;
	[sflag:s4] =	ssyncset.s32 $0xFFFFF086  }
0x25: {  	[simem:s6], [sflag:s4] =	dma.local [hbm:s3], $0xF7A  }
0x26: {  	[smem:$0x3F92] =	sst s1;
	(tag) =	ssettag s2;
	_ =	strace s9  }
0x27: {  	s1 =	sld [smem:$0x3FA2]  }
0x28: {  	s2 =	sld [smem:$0x3FA3]  }
0x29: {  	s4 =	sld [smem:$0x3FA5]  }
0x2a: {  	p0 =	seq.s32 s5, $0x0;
	s5 =	sld [smem:$0x3FA6]  }
0x2b: {  	s6 =	sld [smem:$0x3FA7]  }
0x2c: {  	s7 =	sld [smem:$0x3FA8]  }
0x2d: {  	s3 =	simm.s32 $0x108;
	s8 =	sld [smem:$0x3FA9]  }
0x2e: {  	s3 =	simm.s32 @!p0 $0x1082;
	s9 =	sld [smem:$0x3FAA]  }
0x2f: {  	lr =	sadd.s32 s0, s3;
	s0 =	sld [smem:$0x3FA1]  }
0x30: {  	s3 =	sld [smem:$0x3FA4]  }
0x31: {  	[smem:$0x3FAD] =	sst s10  }
0x32: {  	s10 =	sld [smem:$0x3FAB];
	_ =	sdelay $0x3  }
0x33: {  	p0 =	seq.s32 s10, $0x1;
	s10 =	sld [smem:$0x3FAD];
	_ =	sdelay $0x3  }
0x34: {  	[smem:$0x3FAD] =	sst s10  }
0x35: {  	s10 =	sld [smem:$0x3FAC];
	_ =	sdelay $0x3  }
0x36: {  	p1 =	seq.s32 s10, $0x1;
	s10 =	sld [smem:$0x3FAD];
	_ =	sdelay $0x3  }
0x37: {  	[smem:$0x3FAD] =	sst s10  }
0x38: {  	s10 =	sld [smem:$0x3FAE]  }
0x39: {  	_ = 	snop;
	(pc) =	sbr.ind lr, $3  }
0x3a: {  	_ = 	snop  }
0x3b: {  	_ = 	snop  }
0x3c: {  	p2 =	seq.s32 s10, $0x1;
	s10 =	sld [smem:$0x3FAD]  }
0x3d: {  	_ =	shalt  }
0x3e: {  	_ =	shalt  }
0x3f: {  	_ =	shalt  }
0x40: {  	_ =	shalt  }
0x41: {  	_ =	shalt  }
0x42: {  	_ =	shalt  }
0x43: {  	_ =	shalt  }
0x44: {  	_ =	shalt  }
0x45: {  	_ =	shalt  }
0x46: {  	_ =	shalt  }
0x47: {  	_ =	shalt  }
0x48: {  	_ =	shalt  }
0x49: {  	_ =	shalt  }
0x4a: {  	_ =	shalt  }
0x4b: {  	_ =	shalt  }
0x4c: {  	_ =	shalt  }
0x4d: {  	_ =	shalt  }
0x4e: {  	_ =	shalt  }
0x4f: {  	_ =	shalt  }
0x50: {  	_ =	shalt  }
0x51: {  	_ =	shalt  }
0x52: {  	_ =	shalt  }
0x53: {  	_ =	shalt  }
0x54: {  	_ =	shalt  }
0x55: {  	_ =	shalt  }
0x56: {  	_ =	shalt  }
0x57: {  	_ =	shalt  }
0x58: {  	_ =	shalt  }
0x59: {  	_ =	shalt  }
0x5a: {  	_ =	shalt  }
0x5b: {  	_ =	shalt  }
0x5c: {  	_ =	shalt  }
0x5d: {  	_ =	shalt  }
0x5e: {  	_ =	shalt  }
0x5f: {  	_ =	shalt  }
0x60: {  	_ =	shalt  }
0x61: {  	_ =	shalt  }
0x62: {  	_ =	shalt  }
0x63: {  	_ =	shalt  }
0x64: {  	_ =	shalt  }
0x65: {  	_ =	shalt  }
0x66: {  	_ =	shalt  }
0x67: {  	_ =	shalt  }
0x68: {  	_ =	shalt  }
0x69: {  	_ =	shalt  }
0x6a: {  	_ =	shalt  }
0x6b: {  	_ =	shalt  }
0x6c: {  	_ =	shalt  }
0x6d: {  	_ =	shalt  }
0x6e: {  	_ =	shalt  }
0x6f: {  	_ =	shalt  }
0x70: {  	_ =	shalt  }
0x71: {  	_ =	shalt  }
0x72: {  	_ =	shalt  }
0x73: {  	_ =	shalt  }
0x74: {  	_ =	shalt  }
0x75: {  	_ =	shalt  }
0x76: {  	_ =	shalt  }
0x77: {  	_ =	shalt  }
0x78: {  	_ =	shalt  }
0x79: {  	_ =	shalt  }
0x7a: {  	_ =	shalt  }
0x7b: {  	_ =	shalt  }
0x7c: {  	_ =	shalt  }
0x7d: {  	_ =	shalt  }
0x7e: {  	_ =	shalt  }
0x7f: {  	_ =	shalt  }
0x80: {  	_ =	shalt  }
0x81: {  	_ =	shalt  }
0x82: {  	_ =	shalt  }
0x83: {  	_ =	shalt  }
0x84: {  	_ =	shalt  }
0x85: {  	_ =	shalt  }
0x86: {  	_ =	shalt  }
0x87: {  	_ =	shalt  }
.Lfunc_end0:
.L_simem_size_0:
called_computation.1_lowered:
.L_overlay_start_0:
0x88: {  	s2 =	sld [smem:$0x3FD9]  }
0x89: {  	s3 =	sld [smem:$0x3FFE];
	_ =	sdelay $0x1  }
0x8a: {  	s1 =	srdreg.scid  }
0x8b: {  	s0 =	sand.u32 $0x1, s1  }
0x8c: {  	s17 =	sshll.u32 s0, $0xA;
	s2 =	sadd.s32 s3, s2  }
0x8d: {  	s2 =	sadd.s32 s2, s17  }
0x8e: {  	[smem:$0x3FB9] =	sst s2  }
0x8f: {  	_ = 	snop  }
0x90: {  	s2 =	sld [smem:$0x3FD0];
	(tm) =	ssettm $0x1  }
0x91: {  	s18 =	sld [smem:$0x3FFB];
	_ =	sdelay $0x3  }
0x92: {  	_ =	strace s18  }
0x93: {  	s3 =	sld [smem:$0x3FFC];
	_ =	sdelay $0x3  }
0x94: {  	_ =	strace s3  }
0x95: {  	s3 =	sld [smem:$0x3FFD];
	_ =	sdelay $0x3  }
0x96: {  	_ =	strace s3  }
0x97: {  	_ =	strace $0x8FFFFFFF  }
0x98: {  	s19 =	sld [smem:$0x3FDB];
	_ =	sdelay $0x1  }
0x99: {  	s4 =	simm.s32 $_scs_section_size  }
0x9a: {  	s5 =	simm.s32 $_size__tile_overlayer_lowered;
	s6 =	simm.s32 $_tile_overlayer_lowered  }
0x9b: {  	s22 =	simm.s32 $0x1BFF;
	s21 =	sshll.u32 s6, $0x1;
	s3 =	sadd.s32 s4, s19  }
0x9c: {  	s7 =	simm.s32 $0x0;
	s20 =	sshll.u32 s5, $0x1;
	s5 =	sadd.s32 s21, s3  }
0x9d: {  	[timem:s7], [sflag:s22] =	dma.local [hbm:s5], s20  }
0x9e: {  	_ =	swait.ge [sflag:s22], s20  }
0x9f: {  	s4 =	ssub.s32 $0x0, s20;
	[sflag:s22] =	ssyncset.done $0x0  }
0xa0: {  	[sflag:s22] =	ssyncadd.s32 s4;
	_ =	sdelay $0x1  }
0xa1: {  	s23 =	simm.s32 $0x1B8B  }
0xa2: {  	_ =	swait.ge [sflag:s23], $0x1  }
0xa3: {  	[sflag:s23] =	ssyncset.done $0x0  }
0xa4: {  	s25 =	simm.s32 $0x1B8E;
	s24 =	sld [smem:$0x3FFE];
	[sflag:s23] =	ssyncadd.s32 $0xFFFFFFFF  }
0xa5: {  	s26 =	simm.s32 $execute0_lowered;
	[smem:$0x3FD2] =	sst s25  }
0xa6: {  	s5 =	sshll.u32 s26, $0x1;
	_ =	strace $0x80000049;
	[dreg:$0x1] =	wrdreg $0xFFFFFFFF  }
0xa7: {  	s28 =	simm.s32 $_size_execute0_lowered;
	s3 =	sadd.s32 s3, s5;
	[dreg:$0x0] =	wrdreg $0x0  }
0xa8: {  	s5 =	sshll.u32 s28, $0x1;
	[dreg:$0x2] =	wrdreg s3  }
0xa9: {  	[dreg:$0x3] =	wrdreg s5  }
0xaa: {  	[dreg:$0x4] =	wrdreg $0xC0  }
0xab: {  	_ =	task [dreg:s7], $0x5FFFF  }
0xac: {  	[dreg:$0x1] =	wrdreg $0xFFFFFFFF  }
0xad: {  	[dreg:$0x0] =	wrdreg $0x60  }
0xae: {  	[dreg:$0x2] =	wrdreg s2  }
0xaf: {  	[dreg:$0x3] =	wrdreg s24  }
0xb0: {  	[dreg:$0x4] =	wrdreg $0xBD000  }
0xb1: {  	[dreg:$0x5] =	wrdreg $0x9  }
0xb2: {  	_ =	task.clear_ibuf [dreg:s7], $0x6FFFF;
	_ =	strace $0x90000049  }
0xb3: {  	s29 =	simm.s32 $0x9;
	_ =	strace $0x8000004B  }
0xb4: {  	_ =	swait.ge [sflag:s29], $0x1  }
0xb5: {  	[sflag:s29] =	ssyncadd.s32 $0xFFFFFFFF  }
0xb6: {  	_ =	strace $0x9000004B  }
0xb7: {  	_ =	sfence  }
0xb8: {  	s30 =	sld [smem:$0x0];
	_ =	sdelay $0x2  }
0xb9: {  	s31 =	sshll.u32 s1, $0xD;
	s1 =	sshrl.u32 s1, $0x2  }
0xba: {  	s3 =	sand.u32 $0x4000, s31;
	s1 =	sadd.s32 s1, s30  }
0xbb: {  	s0 =	sor.u32 s3, s0;
	s1 =	sshll.u32 s1, $0x11  }
0xbc: {  	s0 =	sor.u32 s1, s0  }
0xbd: {  	s0 =	sadd.s32 $0x8F2B, s0  }
0xbe: {  	[sflag:s0] =	ssyncadd.remote.s32 $0x1  }
0xbf: {  	_ =	sfence.sel $0xFFFF  }
0xc0: {  	[dreg:$0x0] =	wrdreg $0xFFFFFFFF;
	(pc) =	sbr.abs _section_cstart, $3  }
0xc1: {  	[dreg:$0x1] =	wrdreg $0xFFFFFFFF  }
0xc2: {  	_ =	task.clear_ibuf [dreg:s7], $0x2FFFF;
	_ =	strace $0x9FFFFFFF  }
0xc3: {  	(tm) =	ssettm $0x7FFFFFFF  }
tec
execute0_lowered:
.L_overlay_start_1:
0x0: {  	(tag) =	ssettag $0x1  }
0x1: {  	s2 =	rddreg [dreg:$0x0]  }
0x2: {  	s6 =	rddreg [dreg:$0x1]  }
0x3: {  	s3 =	rddreg [dreg:$0x2]  }
0x4: {  	s0 =	rddreg [dreg:$0x3];
	s1 =	stileid.u32  }
0x5: {  	s5 =	srdreg.scid;
	s4 =	simm.s32 $0x0;
	s7 =	smul.u32 $0x9D0, s1  }
0x6: {  	s13 =	simm.s32 $0x80;
	s14 =	simm.s32 $0x9D00;
	s11 =	smul.u32 $0x27200, s1  }
0x7: {  	s15 =	simm.s32 $0x1;
	s8 =	sand.u32 $0x1, s5;
	s17 =	smul.u32 $0x1390, s1  }
0x8: {  	[smem:$0x7FF] =	sst s4;
	s5 =	sadd.s32 $0x4800, s6;
	s9 =	smul.u32 $0x13900, s8  }
0x9: {  	s31 =	sshll.u32 s1, $0x6;
	s10 =	smul.u32 $0x9D00, s8;
	s8 =	ssub.s32 $0x2, s8  }
0xa: {  	_ =	strace $0x8000004A;
	s7 =	sadd.s32 s7, s6;
	s29 =	sshrl.u32 s8, $0x1  }
0xb: {  	s30 =	sshrl.u32 s11, $0x2;
	s11 =	sor.u32 $0x1C02, s31;
	s9 =	sadd.s32 s9, s6  }
0xc: {  	s10 =	sadd.s32 s10, s7;
	s8 =	ssub.s32 s8, s29;
	s7 =	sadd.s32 $0x1DE00, s7  }
0xd: {  	s12 =	sadd.s32 s30, s3;
	s6 =	sadd.s32 $0x27C00, s10;
	s16 =	sadd.s32 $0x62800, s9  }
0xe: {  	s8 =	smax.u32 s8, $0x1;
	s9 =	simm.s32 $0x2;
	s10 =	simm.s32 $0x4E80  }
0xf: {  	s12 =	sshrl.u32 s12, $0x3;
	s16 =	sadd.s32 s17, s16;
	s17 =	simm.s32 $0x0  }
.LBB2_1:
0x10: {  	[tilespmem:s4], [sflag:$0x2] =	stream.linear.gather [hbm4b:s6+s4], $0x4E80, $0x38;
	[tilespmem:$0x15980] =	vst v63  }
0x11: {  	_ =	swait.ge [sflag:s9], $0x4E80  }
0x12: {  	[sflag:s9] =	ssyncset.done $0x0  }
0x13: {  	[sflag:s9] =	ssyncadd.s32 $0xFFFFB180  }
0x14: {  	[tilespmem:s10], [sflag:$0x2] =	stream.linear.gather [hbm4b:s7+s4], $0x4E80, $0x38;
	[tilespmem:$0x15980] =	vst v63  }
0x15: {  	_ =	swait.ge [sflag:s9], $0x4E80  }
0x16: {  	[sflag:s9] =	ssyncset.done $0x0  }
0x17: {  	[sflag:s9] =	ssyncadd.s32 $0xFFFFB180  }
0x18: {  	[spmem:s12], [sflag:s11] =	dma.local [hbm:s5], $0x1390  }
0x19: {  	_ =	swait.ge [sflag:s9], $0x1390  }
0x1a: {  	[sflag:s9] =	ssyncset.done $0x0  }
0x1b: {  	[sflag:s9] =	ssyncadd.s32 $0xFFFFEC70  }
0x1c: {  	s18 =	simm.s32 $0x0;
	[bflag:$0x0] =	sbarrier.arrive $0xFFFF  }
0x1d: {  	[tilespmem:s14], [sflag:$0x1] =	stream.indirect.gather [hbm4b:s2+s13], $0x40, s18, s13, $0xb8;
	[tilespmem:$0x15980] =	vst v63  }
0x1e: {  	_ =	swait.ge [sflag:s15], $0x2000  }
0x1f: {  	[sflag:s15] =	ssyncset.done $0x0  }
0x20: {  	s31 =	simm.s32 $0x4E80;
	[sflag:s15] =	ssyncadd.s32 $0xFFFFE000  }
0x21: {  	[spmem:s3] =	stream.indirect.scatter.add.f32 [tilespmem:s14], [sflag:$0x2], $0x40, s31, s13, $0xb8;
	[tilespmem:$0x15980] =	vst v63  }
0x22: {  	_ =	swait.ge [sflag:s9], $0x2000  }
0x23: {  	s19 =	simm.s32 $0x400;
	s18 =	simm.s32 $0x200;
	[sflag:s9] =	ssyncset.done $0x0  }
.LBB2_2:
0x24: {  	s20 =	sshra.s32 s18, $0x2  }
0x25: {  	[sflag:s9] =	ssyncadd.s32 $0xFFFFE000;
	s18 =	smov.u32 s19;
	s21 =	sadd.s32 $0x200, s19  }
0x26: {  	[tilespmem:s14], [sflag:$0x1] =	stream.indirect.gather [hbm4b:s2+s13], $0x40, s20, s13, $0xb8;
	[tilespmem:$0x15980] =	vst v63  }
0x27: {  	p0 =	sne.s32 s19, $0x13800;
	_ =	swait.ge [sflag:s15], $0x2000  }
.Ltmp0:
0x28: {  	[sflag:s15] =	ssyncset.done $0x0;
	(pc) =	sbr.rel @p0 .LBB2_2-.Ltmp0, $4  }
0x29: {  	s19 =	sadd.s32 $0x4E80, s20;
	[sflag:s15] =	ssyncadd.s32 $0xFFFFE000  }
0x2a: {  	[spmem:s3] =	stream.indirect.scatter.add.f32 [tilespmem:s14], [sflag:$0x2], $0x40, s19, s13, $0xb8;
	[tilespmem:$0x15980] =	vst v63  }
0x2b: {  	_ =	swait.ge [sflag:s9], $0x2000  }
0x2c: {  	s19 =	smov.u32 s21;
	[sflag:s9] =	ssyncset.done $0x0  }
0x2d: {  	s18 =	sshra.s32 s18, $0x2;
	[sflag:s9] =	ssyncadd.s32 $0xFFFFE000  }
0x2e: {  	[tilespmem:s14], [sflag:$0x1] =	stream.indirect.gather [hbm4b:s2+s13], $0x40, s18, s13, $0xb8;
	[tilespmem:$0x15980] =	vst v63  }
0x2f: {  	_ =	swait.ge [sflag:s15], $0x2000  }
0x30: {  	[sflag:s15] =	ssyncset.done $0x0  }
0x31: {  	s18 =	sadd.s32 $0x4E80, s18;
	[sflag:s15] =	ssyncadd.s32 $0xFFFFE000  }
0x32: {  	[spmem:s3] =	stream.indirect.scatter.add.f32 [tilespmem:s14], [sflag:$0x2], $0x40, s18, s13, $0xb8;
	[tilespmem:$0x15980] =	vst v63  }
0x33: {  	_ =	swait.ge [sflag:s9], $0x2000  }
0x34: {  	s17 =	sadd.s32 $0x1, s17;
	[sflag:s9] =	ssyncset.done $0x0  }
0x35: {  	p0 =	sne.s32 s17, s8;
	[sflag:s9] =	ssyncadd.s32 $0xFFFFE000  }
.Ltmp1:
0x36: {  	[bflag:$0x0] =	sbarrier.arrive $0xFFFF;
	(pc) =	sbr.rel @p0 .LBB2_1-.Ltmp1, $4  }
0x37: {  	[hbm:s16], [sflag:s11] =	dma.local [spmem:s12], $0x1390  }
0x38: {  	_ =	swait.ge [sflag:s9], $0x1390  }
0x39: {  	[sflag:s9] =	ssyncset.done $0x0  }
0x3a: {  	[sflag:s9] =	ssyncadd.s32 $0xFFFFEC70  }
0x3b: {  	_ =	sfence.sel $0x180000  }
0x3c: {  	[bflag:$0x0] =	sbarrier.arrive $0xFFFF  }
0x3d: {  	p0 =	sne.s32 s1, $0x0;
	_ =	strace $0x9000004A  }
0x3e: {  	s0 =	sadd.s32 @!p0 $0x100000, s0;
	[bflag:$0x2] =	sbarrier.arrive $0xFFFF  }
0x3f: {  	[sflag:s0] =	ssyncadd.tile.s32 @!p0 $0x1;
	_ =	shalt  }
.Lfunc_end2:
_tile_overlayer_lowered:
.L_overlay_start_2:
0x40: {  	(tag) =	ssettag $0x2  }
0x41: {  	s0 =	rddreg [dreg:$0x0];
	s2 =	stileid.u32  }
0x42: {  	s1 =	rddreg [dreg:$0x1];
	p0 =	sne.s32 s2, $0x0  }
0x43: {  	s3 =	rddreg [dreg:$0x2];
	[bflag:$0x3] =	sbarrier.arrive $0xFFFF;
	s2 =	simm.s32 @!p0 $0x1C02  }
0x44: {  	[timem:s3], [sflag:s2] =	dma.local @!p0 [hbm:s0], s1  }
0x45: {  	s0 =	simm.s32 @!p0 $0x2  }
0x46: {  	_ =	swait.ge @!p0 [sflag:s0], s1  }
0x47: {  	s1 =	ssub.s32 @!p0 $0x0, s1;
	[sflag:s0] =	ssyncset.done @!p0 $0x0  }
0x48: {  	[sflag:s0] =	ssyncadd.s32 @!p0 s1  }
0x49: {  	[bflag:$0x3] =	sbarrier.arrive $0xFFFF  }
0x4a: {  	_ =	shalt  }

// kernel: kernel.14.cloned.1.call-start
scs
__scs_entry_jumppad:
0x0: {  	(pc) =	sbr.rel $0x88, $3  }
0x1: {  	(tag) =	ssettag $0x0;
	lr =	simm.s32 $0x1  }
0x2: {  	[smem:$0x3F92] =	sst lr;
	_ =	strace $0xD0000000  }
0x3: {  	_ = 	snop  }
0x4: {  	_ = 	snop  }
0x5: {  	_ = 	snop  }
0x6: {  	_ = 	snop  }
0x7: {  	_ = 	snop  }
__scs_overlays_trampoline_lowered:
0x8: {  	[smem:$0x3FA1] =	sst s0  }
0x9: {  	[smem:$0x3FA2] =	sst s1  }
0xa: {  	[smem:$0x3FA3] =	sst s2  }
0xb: {  	[smem:$0x3FA4] =	sst s3  }
0xc: {  	[smem:$0x3FA5] =	sst s4  }
0xd: {  	[smem:$0x3FA6] =	sst s5  }
0xe: {  	[smem:$0x3FA7] =	sst s6  }
0xf: {  	[smem:$0x3FA8] =	sst s7  }
0x10: {  	[smem:$0x3FA9] =	sst s8  }
0x11: {  	[smem:$0x3FAA] =	sst s9;
	s0 =	simm.s32 @!p0 $0x0  }
0x12: {  	s1 =	sld [smem:$0x3F90];
	s0 =	simm.s32 @p0 $0x1  }
0x13: {  	[smem:$0x3FAB] =	sst s0;
	s0 =	simm.s32 @!p1 $0x0  }
0x14: {  	s2 =	sld [smem:$0x3F8F];
	s0 =	simm.s32 @p1 $0x1  }
0x15: {  	[smem:$0x3FAC] =	sst s0;
	s0 =	simm.s32 @!p2 $0x0  }
0x16: {  	s3 =	sld [smem:$0x3FDB];
	s0 =	simm.s32 @p2 $0x1  }
0x17: {  	s4 =	simm.s32 $0x1BF5;
	[smem:$0x3FAE] =	sst s0  }
0x18: {  	s0 =	sld [smem:$0x3F91];
	_ =	swait.ge [sflag:s4], $0x0  }
0x19: {  	s7 =	sld [smem:$0x3F92]  }
0x1a: {  	s8 =	sadd.s32 $0xFFFFE003, lr  }
0x1b: {  	s9 =	sadd.s32 $0xFFFFFEF7, lr;
	s5 =	simm.s32 $0xFFFFFFFF;
	p2 =	slt.u32 s8, $0xFFFFF086  }
0x1c: {  	p1 =	slt.u32 s9, $0xF7A;
	s5 =	simm.s32 @!p2 $0x0  }
0x1d: {  	s5 =	simm.s32 @p1 $0x1;
	p0 =	seq.s32 s7, s2  }
0x1e: {  	s7 =	smul.u32 @!p0 $0xF7A, s2;
	p2 =	seq.s32 @!p0 s5, $0x0  }
0x1f: {  	s9 =	smul.u32 $0xF7A, s1;
	s8 =	simm.s32 @!p0 $0x1BF5;
	p2 =	por !p2, p0  }
0x20: {  	[sflag:s8] =	ssyncset.s32 @!p0 $0xFFFFF086;
	s6 =	sadd.s32 @!p0 s3, s7;
	s7 =	simm.s32 @!p0 $0x108  }
0x21: {  	s3 =	sadd.s32 s3, s9;
	s6 =	sadd.s32 @!p0 $0x88, s6;
	s7 =	simm.s32 @p2 $0x1082  }
0x22: {  	[simem:s7], [sflag:s8] =	dma.local @!p0 [hbm:s6], $0xF7A  }
0x23: {  	s9 =	sor.u32 $0xD0000000, s2;
	s6 =	simm.s32 $0x108;
	_ =	swait.ge @!p0 [sflag:s8], $0x0  }
0x24: {  	s3 =	sadd.s32 $0x88, s3;
	s6 =	simm.s32 @!p1 $0x1082;
	[sflag:s4] =	ssyncset.s32 $0xFFFFF086  }
0x25: {  	[simem:s6], [sflag:s4] =	dma.local [hbm:s3], $0xF7A  }
0x26: {  	[smem:$0x3F92] =	sst s1;
	(tag) =	ssettag s2;
	_ =	strace s9  }
0x27: {  	s1 =	sld [smem:$0x3FA2]  }
0x28: {  	s2 =	sld [smem:$0x3FA3]  }
0x29: {  	s4 =	sld [smem:$0x3FA5]  }
0x2a: {  	p0 =	seq.s32 s5, $0x0;
	s5 =	sld [smem:$0x3FA6]  }
0x2b: {  	s6 =	sld [smem:$0x3FA7]  }
0x2c: {  	s7 =	sld [smem:$0x3FA8]  }
0x2d: {  	s3 =	simm.s32 $0x108;
	s8 =	sld [smem:$0x3FA9]  }
0x2e: {  	s3 =	simm.s32 @!p0 $0x1082;
	s9 =	sld [smem:$0x3FAA]  }
0x2f: {  	lr =	sadd.s32 s0, s3;
	s0 =	sld [smem:$0x3FA1]  }
0x30: {  	s3 =	sld [smem:$0x3FA4]  }
0x31: {  	[smem:$0x3FAD] =	sst s10  }
0x32: {  	s10 =	sld [smem:$0x3FAB];
	_ =	sdelay $0x3  }
0x33: {  	p0 =	seq.s32 s10, $0x1;
	s10 =	sld [smem:$0x3FAD];
	_ =	sdelay $0x3  }
0x34: {  	[smem:$0x3FAD] =	sst s10  }
0x35: {  	s10 =	sld [smem:$0x3FAC];
	_ =	sdelay $0x3  }
0x36: {  	p1 =	seq.s32 s10, $0x1;
	s10 =	sld [smem:$0x3FAD];
	_ =	sdelay $0x3  }
0x37: {  	[smem:$0x3FAD] =	sst s10  }
0x38: {  	s10 =	sld [smem:$0x3FAE]  }
0x39: {  	_ = 	snop;
	(pc) =	sbr.ind lr, $3  }
0x3a: {  	_ = 	snop  }
0x3b: {  	_ = 	snop  }
0x3c: {  	p2 =	seq.s32 s10, $0x1;
	s10 =	sld [smem:$0x3FAD]  }
0x3d: {  	_ =	shalt  }
0x3e: {  	_ =	shalt  }
0x3f: {  	_ =	shalt  }
0x40: {  	_ =	shalt  }
0x41: {  	_ =	shalt  }
0x42: {  	_ =	shalt  }
0x43: {  	_ =	shalt  }
0x44: {  	_ =	shalt  }
0x45: {  	_ =	shalt  }
0x46: {  	_ =	shalt  }
0x47: {  	_ =	shalt  }
0x48: {  	_ =	shalt  }
0x49: {  	_ =	shalt  }
0x4a: {  	_ =	shalt  }
0x4b: {  	_ =	shalt  }
0x4c: {  	_ =	shalt  }
0x4d: {  	_ =	shalt  }
0x4e: {  	_ =	shalt  }
0x4f: {  	_ =	shalt  }
0x50: {  	_ =	shalt  }
0x51: {  	_ =	shalt  }
0x52: {  	_ =	shalt  }
0x53: {  	_ =	shalt  }
0x54: {  	_ =	shalt  }
0x55: {  	_ =	shalt  }
0x56: {  	_ =	shalt  }
0x57: {  	_ =	shalt  }
0x58: {  	_ =	shalt  }
0x59: {  	_ =	shalt  }
0x5a: {  	_ =	shalt  }
0x5b: {  	_ =	shalt  }
0x5c: {  	_ =	shalt  }
0x5d: {  	_ =	shalt  }
0x5e: {  	_ =	shalt  }
0x5f: {  	_ =	shalt  }
0x60: {  	_ =	shalt  }
0x61: {  	_ =	shalt  }
0x62: {  	_ =	shalt  }
0x63: {  	_ =	shalt  }
0x64: {  	_ =	shalt  }
0x65: {  	_ =	shalt  }
0x66: {  	_ =	shalt  }
0x67: {  	_ =	shalt  }
0x68: {  	_ =	shalt  }
0x69: {  	_ =	shalt  }
0x6a: {  	_ =	shalt  }
0x6b: {  	_ =	shalt  }
0x6c: {  	_ =	shalt  }
0x6d: {  	_ =	shalt  }
0x6e: {  	_ =	shalt  }
0x6f: {  	_ =	shalt  }
0x70: {  	_ =	shalt  }
0x71: {  	_ =	shalt  }
0x72: {  	_ =	shalt  }
0x73: {  	_ =	shalt  }
0x74: {  	_ =	shalt  }
0x75: {  	_ =	shalt  }
0x76: {  	_ =	shalt  }
0x77: {  	_ =	shalt  }
0x78: {  	_ =	shalt  }
0x79: {  	_ =	shalt  }
0x7a: {  	_ =	shalt  }
0x7b: {  	_ =	shalt  }
0x7c: {  	_ =	shalt  }
0x7d: {  	_ =	shalt  }
0x7e: {  	_ =	shalt  }
0x7f: {  	_ =	shalt  }
0x80: {  	_ =	shalt  }
0x81: {  	_ =	shalt  }
0x82: {  	_ =	shalt  }
0x83: {  	_ =	shalt  }
0x84: {  	_ =	shalt  }
0x85: {  	_ =	shalt  }
0x86: {  	_ =	shalt  }
0x87: {  	_ =	shalt  }
.Lfunc_end0:
.L_simem_size_0:
called_computation.2_lowered:
.L_overlay_start_0:
0x88: {  	s2 =	sld [smem:$0x3FD9]  }
0x89: {  	s3 =	sld [smem:$0x3FFE];
	_ =	sdelay $0x1  }
0x8a: {  	s1 =	srdreg.scid  }
0x8b: {  	s0 =	sand.u32 $0x1, s1  }
0x8c: {  	s17 =	sshll.u32 s0, $0xA;
	s2 =	sadd.s32 s3, s2  }
0x8d: {  	s2 =	sadd.s32 s2, s17  }
0x8e: {  	[smem:$0x3FB9] =	sst s2  }
0x8f: {  	_ = 	snop  }
0x90: {  	s2 =	sld [smem:$0x3FD0];
	(tm) =	ssettm $0x1  }
0x91: {  	s18 =	sld [smem:$0x3FFB];
	_ =	sdelay $0x3  }
0x92: {  	_ =	strace s18  }
0x93: {  	s3 =	sld [smem:$0x3FFC];
	_ =	sdelay $0x3  }
0x94: {  	_ =	strace s3  }
0x95: {  	s3 =	sld [smem:$0x3FFD];
	_ =	sdelay $0x3  }
0x96: {  	_ =	strace s3  }
0x97: {  	_ =	strace $0x8FFFFFFF  }
0x98: {  	s19 =	sld [smem:$0x3FDB];
	_ =	sdelay $0x1  }
0x99: {  	s4 =	simm.s32 $_scs_section_size  }
0x9a: {  	s5 =	simm.s32 $_size__tile_overlayer_lowered;
	s6 =	simm.s32 $_tile_overlayer_lowered  }
0x9b: {  	s22 =	simm.s32 $0x1BFF;
	s21 =	sshll.u32 s6, $0x1;
	s3 =	sadd.s32 s4, s19  }
0x9c: {  	s7 =	simm.s32 $0x0;
	s20 =	sshll.u32 s5, $0x1;
	s5 =	sadd.s32 s21, s3  }
0x9d: {  	[timem:s7], [sflag:s22] =	dma.local [hbm:s5], s20  }
0x9e: {  	_ =	swait.ge [sflag:s22], s20  }
0x9f: {  	s4 =	ssub.s32 $0x0, s20;
	[sflag:s22] =	ssyncset.done $0x0  }
0xa0: {  	[sflag:s22] =	ssyncadd.s32 s4;
	_ =	sdelay $0x1  }
0xa1: {  	s23 =	simm.s32 $0x1B8B  }
0xa2: {  	_ =	swait.ge [sflag:s23], $0x1  }
0xa3: {  	[sflag:s23] =	ssyncset.done $0x0  }
0xa4: {  	s25 =	simm.s32 $0x1B8E;
	s24 =	sld [smem:$0x3FFE];
	[sflag:s23] =	ssyncadd.s32 $0xFFFFFFFF  }
0xa5: {  	s26 =	simm.s32 $execute0_lowered;
	[smem:$0x3FD2] =	sst s25  }
0xa6: {  	s5 =	sshll.u32 s26, $0x1;
	_ =	strace $0x8000004C;
	[dreg:$0x1] =	wrdreg $0xFFFFFFFF  }
0xa7: {  	s28 =	simm.s32 $_size_execute0_lowered;
	s3 =	sadd.s32 s3, s5;
	[dreg:$0x0] =	wrdreg $0x0  }
0xa8: {  	s5 =	sshll.u32 s28, $0x1;
	[dreg:$0x2] =	wrdreg s3  }
0xa9: {  	[dreg:$0x3] =	wrdreg s5  }
0xaa: {  	[dreg:$0x4] =	wrdreg $0xC0  }
0xab: {  	_ =	task [dreg:s7], $0x5FFFF  }
0xac: {  	[dreg:$0x1] =	wrdreg $0xFFFFFFFF  }
0xad: {  	[dreg:$0x0] =	wrdreg $0x60  }
0xae: {  	[dreg:$0x2] =	wrdreg s2  }
0xaf: {  	[dreg:$0x3] =	wrdreg s24  }
0xb0: {  	[dreg:$0x4] =	wrdreg $0xBD000  }
0xb1: {  	[dreg:$0x5] =	wrdreg $0x9  }
0xb2: {  	_ =	task.clear_ibuf [dreg:s7], $0x6FFFF;
	_ =	strace $0x9000004C  }
0xb3: {  	s29 =	simm.s32 $0x9;
	_ =	strace $0x8000004E  }
0xb4: {  	_ =	swait.ge [sflag:s29], $0x1  }
0xb5: {  	[sflag:s29] =	ssyncadd.s32 $0xFFFFFFFF  }
0xb6: {  	_ =	strace $0x9000004E  }
0xb7: {  	_ =	sfence  }
0xb8: {  	s30 =	sld [smem:$0x0];
	_ =	sdelay $0x2  }
0xb9: {  	s31 =	sshll.u32 s1, $0xD;
	s1 =	sshrl.u32 s1, $0x2  }
0xba: {  	s3 =	sand.u32 $0x4000, s31;
	s1 =	sadd.s32 s1, s30  }
0xbb: {  	s0 =	sor.u32 s3, s0;
	s1 =	sshll.u32 s1, $0x11  }
0xbc: {  	s0 =	sor.u32 s1, s0  }
0xbd: {  	s0 =	sadd.s32 $0x8F2B, s0  }
0xbe: {  	[sflag:s0] =	ssyncadd.remote.s32 $0x1  }
0xbf: {  	_ =	sfence.sel $0xFFFF  }
0xc0: {  	[dreg:$0x0] =	wrdreg $0xFFFFFFFF;
	(pc) =	sbr.abs _section_cstart, $3  }
0xc1: {  	[dreg:$0x1] =	wrdreg $0xFFFFFFFF  }
0xc2: {  	_ =	task.clear_ibuf [dreg:s7], $0x2FFFF;
	_ =	strace $0x9FFFFFFF  }
0xc3: {  	(tm) =	ssettm $0x7FFFFFFF  }
tec
execute0_lowered:
.L_overlay_start_1:
0x0: {  	(tag) =	ssettag $0x1  }
0x1: {  	s2 =	rddreg [dreg:$0x0]  }
0x2: {  	s6 =	rddreg [dreg:$0x1]  }
0x3: {  	s3 =	rddreg [dreg:$0x2];
	s1 =	stileid.u32  }
0x4: {  	s4 =	simm.s32 $0x0;
	s7 =	srdreg.scid;
	s14 =	simm.s32 $0x80  }
0x5: {  	s15 =	simm.s32 $0x9D00;
	s16 =	simm.s32 $0x1;
	s5 =	smul.u32 $0x9D0, s1  }
0x6: {  	s17 =	simm.s32 $0x15980;
	s21 =	simm.s32 $0x15A80;
	s8 =	smul.u32 $0x50, s1  }
0x7: {  	s23 =	simm.s32 $0x15B00;
	s25 =	simm.s32 $0x15B80;
	s13 =	smul.u32 $0x27200, s1  }
0x8: {  	s28 =	simm.s32 $0x0;
	s7 =	sand.u32 $0x1, s7;
	s19 =	smul.u32 $0x1400, s1  }
0x9: {  	[smem:$0x7FF] =	sst s4;
	s31 =	sshll.u32 s1, $0x6;
	s10 =	smul.u32 $0x14000, s7  }
0xa: {  	_ =	strace $0x8000004D;
	s11 =	ssub.s32 $0x2, s7;
	s7 =	smul.u32 $0x9D00, s7  }
0xb: {  	s9 =	sadd.s32 s5, s6;
	s5 =	sadd.s32 $0x4800, s6;
	s8 =	sadd.s32 s8, s6  }
0xc: {  	s12 =	sshrl.u32 s11, $0x1;
	s30 =	sshrl.u32 s13, $0x2;
	s10 =	sadd.s32 s10, s6  }
0xd: {  	s11 =	ssub.s32 s11, s12;
	s29 =	sadd.s32 s7, s9;
	s7 =	sadd.s32 $0x1DE00, s9  }
0xe: {  	s13 =	sadd.s32 s30, s3;
	s8 =	sadd.s32 $0x4200, s8;
	s12 =	sor.u32 $0x1C02, s31  }
0xf: {  	s6 =	sadd.s32 $0x27C00, s29;
	s18 =	sadd.s32 $0x3B600, s10;
	s9 =	smax.u32 s11, $0x1  }
0x10: {  	s10 =	simm.s32 $0x2;
	s11 =	simm.s32 $0x4E80;
	s18 =	sadd.s32 s19, s18  }
0x11: {  	s13 =	sshrl.u32 s13, $0x3;
	s19 =	simm.s32 $0x15A00;
	s20 =	sadd.s32 $0x400, s18  }
0x12: {  	s22 =	sadd.s32 $0x800, s18;
	s24 =	sadd.s32 $0xC00, s18;
	s26 =	sadd.s32 $0x1000, s18  }
.LBB2_1:
0x13: {  	[tilespmem:s4], [sflag:$0x2] =	stream.linear.gather [hbm4b:s6+s4], $0x4E80, $0x38;
	[tilespmem:$0x15C00] =	vst v63  }
0x14: {  	_ =	swait.ge [sflag:s10], $0x4E80  }
0x15: {  	[sflag:s10] =	ssyncset.done $0x0  }
0x16: {  	[sflag:s10] =	ssyncadd.s32 $0xFFFFB180  }
0x17: {  	[tilespmem:s11], [sflag:$0x2] =	stream.linear.gather [hbm4b:s7+s4], $0x4E80, $0x38;
	[tilespmem:$0x15C00] =	vst v63  }
0x18: {  	_ =	swait.ge [sflag:s10], $0x4E80  }
0x19: {  	[sflag:s10] =	ssyncset.done $0x0  }
0x1a: {  	[sflag:s10] =	ssyncadd.s32 $0xFFFFB180  }
0x1b: {  	[spmem:s13], [sflag:s12] =	dma.local [hbm:s5], $0x1390  }
0x1c: {  	_ =	swait.ge [sflag:s10], $0x1390  }
0x1d: {  	[sflag:s10] =	ssyncset.done $0x0  }
0x1e: {  	[sflag:s10] =	ssyncadd.s32 $0xFFFFEC70  }
0x1f: {  	s29 =	simm.s32 $0x0;
	[bflag:$0x0] =	sbarrier.arrive $0xFFFF  }
0x20: {  	[tilespmem:s15], [sflag:$0x1] =	stream.indirect.gather [hbm4b:s2+s14], $0x40, s29, s14, $0xb8;
	[tilespmem:$0x15C00] =	vst v63  }
0x21: {  	_ =	swait.ge [sflag:s16], $0x2000  }
0x22: {  	[sflag:s16] =	ssyncset.done $0x0  }
0x23: {  	s29 =	simm.s32 $0x4E80;
	[sflag:s16] =	ssyncadd.s32 $0xFFFFE000  }
0x24: {  	[spmem:s3] =	stream.indirect.scatter.add.f32 [tilespmem:s15], [sflag:$0x2], $0x40, s29, s14, $0xb8;
	[tilespmem:$0x15C00] =	vst v63  }
0x25: {  	_ =	swait.ge [sflag:s10], $0x2000  }
0x26: {  	s30 =	simm.s32 $0x400;
	s29 =	simm.s32 $0x200;
	[sflag:s10] =	ssyncset.done $0x0  }
.LBB2_2:
0x27: {  	s31 =	sshra.s32 s29, $0x2  }
0x28: {  	[sflag:s10] =	ssyncadd.s32 $0xFFFFE000;
	s29 =	smov.u32 s30;
	s0 =	sadd.s32 $0x200, s30  }
0x29: {  	[tilespmem:s15], [sflag:$0x1] =	stream.indirect.gather [hbm4b:s2+s14], $0x40, s31, s14, $0xb8;
	[tilespmem:$0x15C00] =	vst v63  }
0x2a: {  	p0 =	sne.s32 s30, $0x13800;
	_ =	swait.ge [sflag:s16], $0x2000  }
.Ltmp0:
0x2b: {  	[sflag:s16] =	ssyncset.done $0x0;
	(pc) =	sbr.rel @p0 .LBB2_2-.Ltmp0, $4  }
0x2c: {  	s30 =	sadd.s32 $0x4E80, s31;
	[sflag:s16] =	ssyncadd.s32 $0xFFFFE000  }
0x2d: {  	[spmem:s3] =	stream.indirect.scatter.add.f32 [tilespmem:s15], [sflag:$0x2], $0x40, s30, s14, $0xb8;
	[tilespmem:$0x15C00] =	vst v63  }
0x2e: {  	_ =	swait.ge [sflag:s10], $0x2000  }
0x2f: {  	s30 =	smov.u32 s0;
	[sflag:s10] =	ssyncset.done $0x0  }
0x30: {  	s0 =	sshra.s32 s29, $0x2;
	[sflag:s10] =	ssyncadd.s32 $0xFFFFE000  }
0x31: {  	[tilespmem:s15], [sflag:$0x1] =	stream.indirect.gather [hbm4b:s2+s14], $0x40, s0, s14, $0xb8;
	[tilespmem:$0x15C00] =	vst v63  }
0x32: {  	_ =	swait.ge [sflag:s16], $0x2000  }
0x33: {  	[sflag:s16] =	ssyncset.done $0x0  }
0x34: {  	s0 =	sadd.s32 $0x4E80, s0;
	[sflag:s16] =	ssyncadd.s32 $0xFFFFE000  }
0x35: {  	[spmem:s3] =	stream.indirect.scatter.add.f32 [tilespmem:s15], [sflag:$0x2], $0x40, s0, s14, $0xb8;
	[tilespmem:$0x15C00] =	vst v63  }
0x36: {  	_ =	swait.ge [sflag:s10], $0x2000  }
0x37: {  	[sflag:s10] =	ssyncset.done $0x0  }
0x38: {  	[sflag:s10] =	ssyncadd.s32 $0xFFFFE000  }
0x39: {  	[bflag:$0x0] =	sbarrier.arrive $0xFFFF  }
0x3a: {  	[tilespmem:s17], [sflag:$0x2] =	stream.linear.gather [hbm4b:s8+s4], $0x280, $0x38;
	[tilespmem:$0x15C00] =	vst v63  }
0x3b: {  	_ =	swait.ge [sflag:s10], $0x280  }
0x3c: {  	[sflag:s10] =	ssyncset.done $0x0  }
0x3d: {  	[sflag:s10] =	ssyncadd.s32 $0xFFFFFD80  }
0x3e: {  	[tilespmem:s15], [sflag:$0x1] =	stream.indirect.gather [spmem:s3], $0x40, s17, s14, $0xb8;
	[tilespmem:$0x15C00] =	vst v63  }
0x3f: {  	_ =	swait.ge [sflag:s16], $0x2000  }
0x40: {  	[sflag:s16] =	ssyncset.done $0x0  }
0x41: {  	[sflag:s16] =	ssyncadd.s32 $0xFFFFE000  }
0x42: {  	[hbm4b:s18+s4] =	stream.linear.scatter [tilespmem:s15], [sflag:$0x2], $0x2000, $0x38;
	[tilespmem:$0x15C00] =	vst v63  }
0x43: {  	_ =	swait.ge [sflag:s10], $0x2000  }
0x44: {  	[sflag:s10] =	ssyncset.done $0x0  }
0x45: {  	[sflag:s10] =	ssyncadd.s32 $0xFFFFE000  }
0x46: {  	[tilespmem:s15], [sflag:$0x1] =	stream.indirect.gather [spmem:s3], $0x40, s19, s14, $0xb8;
	[tilespmem:$0x15C00] =	vst v63  }
0x47: {  	_ =	swait.ge [sflag:s16], $0x2000  }
0x48: {  	[sflag:s16] =	ssyncset.done $0x0  }
0x49: {  	[sflag:s16] =	ssyncadd.s32 $0xFFFFE000  }
0x4a: {  	[hbm4b:s20+s4] =	stream.linear.scatter [tilespmem:s15], [sflag:$0x2], $0x2000, $0x38;
	[tilespmem:$0x15C00] =	vst v63  }
0x4b: {  	_ =	swait.ge [sflag:s10], $0x2000  }
0x4c: {  	[sflag:s10] =	ssyncset.done $0x0  }
0x4d: {  	[sflag:s10] =	ssyncadd.s32 $0xFFFFE000  }
0x4e: {  	[tilespmem:s15], [sflag:$0x1] =	stream.indirect.gather [spmem:s3], $0x40, s21, s14, $0xb8;
	[tilespmem:$0x15C00] =	vst v63  }
0x4f: {  	_ =	swait.ge [sflag:s16], $0x2000  }
0x50: {  	[sflag:s16] =	ssyncset.done $0x0  }
0x51: {  	[sflag:s16] =	ssyncadd.s32 $0xFFFFE000  }
0x52: {  	[hbm4b:s22+s4] =	stream.linear.scatter [tilespmem:s15], [sflag:$0x2], $0x2000, $0x38;
	[tilespmem:$0x15C00] =	vst v63  }
0x53: {  	_ =	swait.ge [sflag:s10], $0x2000  }
0x54: {  	[sflag:s10] =	ssyncset.done $0x0  }
0x55: {  	[sflag:s10] =	ssyncadd.s32 $0xFFFFE000  }
0x56: {  	[tilespmem:s15], [sflag:$0x1] =	stream.indirect.gather [spmem:s3], $0x40, s23, s14, $0xb8;
	[tilespmem:$0x15C00] =	vst v63  }
0x57: {  	_ =	swait.ge [sflag:s16], $0x2000  }
0x58: {  	[sflag:s16] =	ssyncset.done $0x0  }
0x59: {  	[sflag:s16] =	ssyncadd.s32 $0xFFFFE000  }
0x5a: {  	[hbm4b:s24+s4] =	stream.linear.scatter [tilespmem:s15], [sflag:$0x2], $0x2000, $0x38;
	[tilespmem:$0x15C00] =	vst v63  }
0x5b: {  	_ =	swait.ge [sflag:s10], $0x2000  }
0x5c: {  	[sflag:s10] =	ssyncset.done $0x0  }
0x5d: {  	[sflag:s10] =	ssyncadd.s32 $0xFFFFE000  }
0x5e: {  	[tilespmem:s15], [sflag:$0x1] =	stream.indirect.gather [spmem:s3], $0x40, s25, s14, $0xb8;
	[tilespmem:$0x15C00] =	vst v63  }
0x5f: {  	s28 =	sadd.s32 $0x1, s28;
	_ =	swait.ge [sflag:s16], $0x2000  }
0x60: {  	p0 =	sne.s32 s28, s9;
	[sflag:s16] =	ssyncset.done $0x0  }
.Ltmp1:
0x61: {  	[sflag:s16] =	ssyncadd.s32 $0xFFFFE000;
	(pc) =	sbr.rel @p0 .LBB2_1-.Ltmp1, $4  }
0x62: {  	[hbm4b:s26+s4] =	stream.linear.scatter [tilespmem:s15], [sflag:$0x2], $0x2000, $0x38;
	[tilespmem:$0x15C00] =	vst v63  }
0x63: {  	_ =	swait.ge [sflag:s10], $0x2000  }
0x64: {  	[sflag:s10] =	ssyncset.done $0x0  }
0x65: {  	[sflag:s10] =	ssyncadd.s32 $0xFFFFE000  }
0x66: {  	_ =	sfence.sel $0x180000  }
0x67: {  	[bflag:$0x0] =	sbarrier.arrive $0xFFFF  }
0x68: {  	_ =	strace $0x9000004D  }
0x69: {  	[bflag:$0x2] =	sbarrier.arrive $0xFFFF  }
0x6a: {  	p0 =	sne.s32 s1, $0x0;
	s0 =	rddreg [dreg:$0x3]  }
0x6b: {  	s0 =	sadd.s32 @!p0 $0x100000, s0  }
0x6c: {  	[sflag:s0] =	ssyncadd.tile.s32 @!p0 $0x1;
	_ =	shalt  }
.Lfunc_end2:
_tile_overlayer_lowered:
.L_overlay_start_2:
0x6d: {  	(tag) =	ssettag $0x2  }
0x6e: {  	s0 =	rddreg [dreg:$0x0];
	s2 =	stileid.u32  }
0x6f: {  	s1 =	rddreg [dreg:$0x1];
	p0 =	sne.s32 s2, $0x0  }
0x70: {  	s3 =	rddreg [dreg:$0x2];
	[bflag:$0x3] =	sbarrier.arrive $0xFFFF;
	s2 =	simm.s32 @!p0 $0x1C02  }
0x71: {  	[timem:s3], [sflag:s2] =	dma.local @!p0 [hbm:s0], s1  }
0x72: {  	s0 =	simm.s32 @!p0 $0x2  }
0x73: {  	_ =	swait.ge @!p0 [sflag:s0], s1  }
0x74: {  	s1 =	ssub.s32 @!p0 $0x0, s1;
	[sflag:s0] =	ssyncset.done @!p0 $0x0  }
0x75: {  	[sflag:s0] =	ssyncadd.s32 @!p0 s1  }
0x76: {  	[bflag:$0x3] =	sbarrier.arrive $0xFFFF  }
0x77: {  	_ =	shalt  }

// kernel: kernel.8.cloned.1.call-start
scs
__scs_entry_jumppad:
0x0: {  	(pc) =	sbr.rel $0x88, $3  }
0x1: {  	(tag) =	ssettag $0x0;
	lr =	simm.s32 $0x1  }
0x2: {  	[smem:$0x3F92] =	sst lr;
	_ =	strace $0xD0000000  }
0x3: {  	_ = 	snop  }
0x4: {  	_ = 	snop  }
0x5: {  	_ = 	snop  }
0x6: {  	_ = 	snop  }
0x7: {  	_ = 	snop  }
__scs_overlays_trampoline_lowered:
0x8: {  	[smem:$0x3FA1] =	sst s0  }
0x9: {  	[smem:$0x3FA2] =	sst s1  }
0xa: {  	[smem:$0x3FA3] =	sst s2  }
0xb: {  	[smem:$0x3FA4] =	sst s3  }
0xc: {  	[smem:$0x3FA5] =	sst s4  }
0xd: {  	[smem:$0x3FA6] =	sst s5  }
0xe: {  	[smem:$0x3FA7] =	sst s6  }
0xf: {  	[smem:$0x3FA8] =	sst s7  }
0x10: {  	[smem:$0x3FA9] =	sst s8  }
0x11: {  	[smem:$0x3FAA] =	sst s9;
	s0 =	simm.s32 @!p0 $0x0  }
0x12: {  	s1 =	sld [smem:$0x3F90];
	s0 =	simm.s32 @p0 $0x1  }
0x13: {  	[smem:$0x3FAB] =	sst s0;
	s0 =	simm.s32 @!p1 $0x0  }
0x14: {  	s2 =	sld [smem:$0x3F8F];
	s0 =	simm.s32 @p1 $0x1  }
0x15: {  	[smem:$0x3FAC] =	sst s0;
	s0 =	simm.s32 @!p2 $0x0  }
0x16: {  	s3 =	sld [smem:$0x3FDB];
	s0 =	simm.s32 @p2 $0x1  }
0x17: {  	s4 =	simm.s32 $0x1BF5;
	[smem:$0x3FAE] =	sst s0  }
0x18: {  	s0 =	sld [smem:$0x3F91];
	_ =	swait.ge [sflag:s4], $0x0  }
0x19: {  	s7 =	sld [smem:$0x3F92]  }
0x1a: {  	s8 =	sadd.s32 $0xFFFFE003, lr  }
0x1b: {  	s9 =	sadd.s32 $0xFFFFFEF7, lr;
	s5 =	simm.s32 $0xFFFFFFFF;
	p2 =	slt.u32 s8, $0xFFFFF086  }
0x1c: {  	p1 =	slt.u32 s9, $0xF7A;
	s5 =	simm.s32 @!p2 $0x0  }
0x1d: {  	s5 =	simm.s32 @p1 $0x1;
	p0 =	seq.s32 s7, s2  }
0x1e: {  	s7 =	smul.u32 @!p0 $0xF7A, s2;
	p2 =	seq.s32 @!p0 s5, $0x0  }
0x1f: {  	s9 =	smul.u32 $0xF7A, s1;
	s8 =	simm.s32 @!p0 $0x1BF5;
	p2 =	por !p2, p0  }
0x20: {  	[sflag:s8] =	ssyncset.s32 @!p0 $0xFFFFF086;
	s6 =	sadd.s32 @!p0 s3, s7;
	s7 =	simm.s32 @!p0 $0x108  }
0x21: {  	s3 =	sadd.s32 s3, s9;
	s6 =	sadd.s32 @!p0 $0x88, s6;
	s7 =	simm.s32 @p2 $0x1082  }
0x22: {  	[simem:s7], [sflag:s8] =	dma.local @!p0 [hbm:s6], $0xF7A  }
0x23: {  	s9 =	sor.u32 $0xD0000000, s2;
	s6 =	simm.s32 $0x108;
	_ =	swait.ge @!p0 [sflag:s8], $0x0  }
0x24: {  	s3 =	sadd.s32 $0x88, s3;
	s6 =	simm.s32 @!p1 $0x1082;
	[sflag:s4] =	ssyncset.s32 $0xFFFFF086  }
0x25: {  	[simem:s6], [sflag:s4] =	dma.local [hbm:s3], $0xF7A  }
0x26: {  	[smem:$0x3F92] =	sst s1;
	(tag) =	ssettag s2;
	_ =	strace s9  }
0x27: {  	s1 =	sld [smem:$0x3FA2]  }
0x28: {  	s2 =	sld [smem:$0x3FA3]  }
0x29: {  	s4 =	sld [smem:$0x3FA5]  }
0x2a: {  	p0 =	seq.s32 s5, $0x0;
	s5 =	sld [smem:$0x3FA6]  }
0x2b: {  	s6 =	sld [smem:$0x3FA7]  }
0x2c: {  	s7 =	sld [smem:$0x3FA8]  }
0x2d: {  	s3 =	simm.s32 $0x108;
	s8 =	sld [smem:$0x3FA9]  }
0x2e: {  	s3 =	simm.s32 @!p0 $0x1082;
	s9 =	sld [smem:$0x3FAA]  }
0x2f: {  	lr =	sadd.s32 s0, s3;
	s0 =	sld [smem:$0x3FA1]  }
0x30: {  	s3 =	sld [smem:$0x3FA4]  }
0x31: {  	[smem:$0x3FAD] =	sst s10  }
0x32: {  	s10 =	sld [smem:$0x3FAB];
	_ =	sdelay $0x3  }
0x33: {  	p0 =	seq.s32 s10, $0x1;
	s10 =	sld [smem:$0x3FAD];
	_ =	sdelay $0x3  }
0x34: {  	[smem:$0x3FAD] =	sst s10  }
0x35: {  	s10 =	sld [smem:$0x3FAC];
	_ =	sdelay $0x3  }
0x36: {  	p1 =	seq.s32 s10, $0x1;
	s10 =	sld [smem:$0x3FAD];
	_ =	sdelay $0x3  }
0x37: {  	[smem:$0x3FAD] =	sst s10  }
0x38: {  	s10 =	sld [smem:$0x3FAE]  }
0x39: {  	_ = 	snop;
	(pc) =	sbr.ind lr, $3  }
0x3a: {  	_ = 	snop  }
0x3b: {  	_ = 	snop  }
0x3c: {  	p2 =	seq.s32 s10, $0x1;
	s10 =	sld [smem:$0x3FAD]  }
0x3d: {  	_ =	shalt  }
0x3e: {  	_ =	shalt  }
0x3f: {  	_ =	shalt  }
0x40: {  	_ =	shalt  }
0x41: {  	_ =	shalt  }
0x42: {  	_ =	shalt  }
0x43: {  	_ =	shalt  }
0x44: {  	_ =	shalt  }
0x45: {  	_ =	shalt  }
0x46: {  	_ =	shalt  }
0x47: {  	_ =	shalt  }
0x48: {  	_ =	shalt  }
0x49: {  	_ =	shalt  }
0x4a: {  	_ =	shalt  }
0x4b: {  	_ =	shalt  }
0x4c: {  	_ =	shalt  }
0x4d: {  	_ =	shalt  }
0x4e: {  	_ =	shalt  }
0x4f: {  	_ =	shalt  }
0x50: {  	_ =	shalt  }
0x51: {  	_ =	shalt  }
0x52: {  	_ =	shalt  }
0x53: {  	_ =	shalt  }
0x54: {  	_ =	shalt  }
0x55: {  	_ =	shalt  }
0x56: {  	_ =	shalt  }
0x57: {  	_ =	shalt  }
0x58: {  	_ =	shalt  }
0x59: {  	_ =	shalt  }
0x5a: {  	_ =	shalt  }
0x5b: {  	_ =	shalt  }
0x5c: {  	_ =	shalt  }
0x5d: {  	_ =	shalt  }
0x5e: {  	_ =	shalt  }
0x5f: {  	_ =	shalt  }
0x60: {  	_ =	shalt  }
0x61: {  	_ =	shalt  }
0x62: {  	_ =	shalt  }
0x63: {  	_ =	shalt  }
0x64: {  	_ =	shalt  }
0x65: {  	_ =	shalt  }
0x66: {  	_ =	shalt  }
0x67: {  	_ =	shalt  }
0x68: {  	_ =	shalt  }
0x69: {  	_ =	shalt  }
0x6a: {  	_ =	shalt  }
0x6b: {  	_ =	shalt  }
0x6c: {  	_ =	shalt  }
0x6d: {  	_ =	shalt  }
0x6e: {  	_ =	shalt  }
0x6f: {  	_ =	shalt  }
0x70: {  	_ =	shalt  }
0x71: {  	_ =	shalt  }
0x72: {  	_ =	shalt  }
0x73: {  	_ =	shalt  }
0x74: {  	_ =	shalt  }
0x75: {  	_ =	shalt  }
0x76: {  	_ =	shalt  }
0x77: {  	_ =	shalt  }
0x78: {  	_ =	shalt  }
0x79: {  	_ =	shalt  }
0x7a: {  	_ =	shalt  }
0x7b: {  	_ =	shalt  }
0x7c: {  	_ =	shalt  }
0x7d: {  	_ =	shalt  }
0x7e: {  	_ =	shalt  }
0x7f: {  	_ =	shalt  }
0x80: {  	_ =	shalt  }
0x81: {  	_ =	shalt  }
0x82: {  	_ =	shalt  }
0x83: {  	_ =	shalt  }
0x84: {  	_ =	shalt  }
0x85: {  	_ =	shalt  }
0x86: {  	_ =	shalt  }
0x87: {  	_ =	shalt  }
.Lfunc_end0:
.L_simem_size_0:
called_computation_lowered:
.L_overlay_start_0:
0x88: {  	s2 =	sld [smem:$0x3FD9]  }
0x89: {  	s3 =	sld [smem:$0x3FFE];
	_ =	sdelay $0x1  }
0x8a: {  	s1 =	srdreg.scid  }
0x8b: {  	s0 =	sand.u32 $0x1, s1  }
0x8c: {  	s17 =	sshll.u32 s0, $0xA;
	s2 =	sadd.s32 s3, s2  }
0x8d: {  	s2 =	sadd.s32 s2, s17  }
0x8e: {  	[smem:$0x3FB9] =	sst s2  }
0x8f: {  	_ = 	snop  }
0x90: {  	s2 =	sld [smem:$0x3FD0];
	(tm) =	ssettm $0x1  }
0x91: {  	s18 =	sld [smem:$0x3FFB];
	_ =	sdelay $0x3  }
0x92: {  	_ =	strace s18  }
0x93: {  	s3 =	sld [smem:$0x3FFC];
	_ =	sdelay $0x3  }
0x94: {  	_ =	strace s3  }
0x95: {  	s3 =	sld [smem:$0x3FFD];
	_ =	sdelay $0x3  }
0x96: {  	_ =	strace s3  }
0x97: {  	_ =	strace $0x8FFFFFFF  }
0x98: {  	s19 =	sld [smem:$0x3FDB];
	_ =	sdelay $0x1  }
0x99: {  	s4 =	simm.s32 $_scs_section_size  }
0x9a: {  	s5 =	simm.s32 $_size__tile_overlayer_lowered;
	s6 =	simm.s32 $_tile_overlayer_lowered  }
0x9b: {  	s22 =	simm.s32 $0x1BFF;
	s21 =	sshll.u32 s6, $0x1;
	s3 =	sadd.s32 s4, s19  }
0x9c: {  	s7 =	simm.s32 $0x0;
	s20 =	sshll.u32 s5, $0x1;
	s5 =	sadd.s32 s21, s3  }
0x9d: {  	[timem:s7], [sflag:s22] =	dma.local [hbm:s5], s20  }
0x9e: {  	_ =	swait.ge [sflag:s22], s20  }
0x9f: {  	s4 =	ssub.s32 $0x0, s20;
	[sflag:s22] =	ssyncset.done $0x0  }
0xa0: {  	[sflag:s22] =	ssyncadd.s32 s4;
	_ =	sdelay $0x1  }
0xa1: {  	s23 =	simm.s32 $0x1B8B  }
0xa2: {  	_ =	swait.ge [sflag:s23], $0x1  }
0xa3: {  	[sflag:s23] =	ssyncset.done $0x0  }
0xa4: {  	s25 =	simm.s32 $0x1B8E;
	s24 =	sld [smem:$0x3FFE];
	[sflag:s23] =	ssyncadd.s32 $0xFFFFFFFF  }
0xa5: {  	s26 =	simm.s32 $execute0_lowered;
	[smem:$0x3FD2] =	sst s25  }
0xa6: {  	s5 =	sshll.u32 s26, $0x1;
	_ =	strace $0x80000046;
	[dreg:$0x1] =	wrdreg $0xFFFFFFFF  }
0xa7: {  	s28 =	simm.s32 $_size_execute0_lowered;
	s3 =	sadd.s32 s3, s5;
	[dreg:$0x0] =	wrdreg $0x0  }
0xa8: {  	s5 =	sshll.u32 s28, $0x1;
	[dreg:$0x2] =	wrdreg s3  }
0xa9: {  	[dreg:$0x3] =	wrdreg s5  }
0xaa: {  	[dreg:$0x4] =	wrdreg $0xC0  }
0xab: {  	_ =	task [dreg:s7], $0x5FFFF  }
0xac: {  	[dreg:$0x1] =	wrdreg $0xFFFFFFFF  }
0xad: {  	[dreg:$0x0] =	wrdreg $0x60  }
0xae: {  	[dreg:$0x2] =	wrdreg s2  }
0xaf: {  	[dreg:$0x3] =	wrdreg s24  }
0xb0: {  	[dreg:$0x4] =	wrdreg $0x3A800  }
0xb1: {  	[dreg:$0x5] =	wrdreg $0x61A00  }
0xb2: {  	[dreg:$0x6] =	wrdreg $0x9  }
0xb3: {  	_ =	task.clear_ibuf [dreg:s7], $0x7FFFF;
	_ =	strace $0x90000046  }
0xb4: {  	s29 =	simm.s32 $0x9;
	_ =	strace $0x80000048  }
0xb5: {  	_ =	swait.ge [sflag:s29], $0x1  }
0xb6: {  	[sflag:s29] =	ssyncadd.s32 $0xFFFFFFFF  }
0xb7: {  	_ =	strace $0x90000048  }
0xb8: {  	_ =	sfence  }
0xb9: {  	s30 =	sld [smem:$0x0];
	_ =	sdelay $0x2  }
0xba: {  	s31 =	sshll.u32 s1, $0xD;
	s1 =	sshrl.u32 s1, $0x2  }
0xbb: {  	s3 =	sand.u32 $0x4000, s31;
	s1 =	sadd.s32 s1, s30  }
0xbc: {  	s0 =	sor.u32 s3, s0;
	s1 =	sshll.u32 s1, $0x11  }
0xbd: {  	s0 =	sor.u32 s1, s0  }
0xbe: {  	s0 =	sadd.s32 $0x8F2B, s0  }
0xbf: {  	[sflag:s0] =	ssyncadd.remote.s32 $0x1  }
0xc0: {  	_ =	sfence.sel $0xFFFF  }
0xc1: {  	[dreg:$0x0] =	wrdreg $0xFFFFFFFF;
	(pc) =	sbr.abs _section_cstart, $3  }
0xc2: {  	[dreg:$0x1] =	wrdreg $0xFFFFFFFF  }
0xc3: {  	_ =	task.clear_ibuf [dreg:s7], $0x2FFFF;
	_ =	strace $0x9FFFFFFF  }
0xc4: {  	(tm) =	ssettm $0x7FFFFFFF  }
0xc5: {  	_ =	shalt  }
tec
execute0_lowered:
.L_overlay_start_1:
0x0: {  	(tag) =	ssettag $0x1  }
0x1: {  	s7 =	rddreg [dreg:$0x0]  }
0x2: {  	s8 =	rddreg [dreg:$0x1]  }
0x3: {  	s2 =	rddreg [dreg:$0x2]  }
0x4: {  	s3 =	rddreg [dreg:$0x3]  }
0x5: {  	s0 =	rddreg [dreg:$0x4];
	s4 =	simm.s32 $0x0;
	s1 =	stileid.u32  }
0x6: {  	s5 =	srdreg.scid;
	s18 =	simm.s32 $0x80;
	s6 =	smul.u32 $0x50, s1  }
0x7: {  	s20 =	simm.s32 $0x2900;
	s21 =	simm.s32 $0x2980;
	s22 =	smul.u32 $0x4E4, s1  }
0x8: {  	s26 =	simm.s32 $0x1;
	s28 =	simm.s32 $0x0;
	s15 =	smul.u32 $0x2720, s1  }
0x9: {  	[smem:$0x7FF] =	sst s4;
	s19 =	sand.u32 $0x1, s5;
	s25 =	smul.u32 $0x500, s1  }
0xa: {  	s29 =	sshll.u32 s1, $0x1;
	s5 =	sadd.s32 $0x4800, s8;
	s9 =	smul.u32 $0x4E40, s19  }
0xb: {  	s31 =	sshll.u32 s1, $0x6;
	_ =	strace $0x80000047;
	s11 =	smul.u32 $0x5000, s19  }
0xc: {  	s12 =	sor.u32 s19, s29;
	s13 =	ssub.s32 $0x2, s19;
	p0 =	sne.s32 s19, $0x0  }
0xd: {  	s19 =	simm.s32 $0x2880;
	s10 =	sadd.s32 s6, s8;
	s6 =	sadd.s32 $0x4E00, s8  }
0xe: {  	s12 =	smul.u32 $0x500, s12;
	s30 =	sshrl.u32 s13, $0x1;
	s16 =	sadd.s32 s22, s8  }
0xf: {  	s17 =	sadd.s32 s15, s2;
	s14 =	sadd.s32 s9, s8;
	s11 =	sadd.s32 s11, s8  }
0x10: {  	s13 =	ssub.s32 s13, s30;
	s8 =	sadd.s32 $0x4200, s10;
	s9 =	sadd.s32 s15, s3  }
0x11: {  	s10 =	sadd.s32 $0x5000, s16;
	s15 =	sor.u32 $0x1C02, s31;
	s16 =	sshrl.u32 s17, $0x3  }
0x12: {  	s7 =	sadd.s32 s7, s12;
	s23 =	sadd.s32 $0xA000, s14;
	s24 =	sadd.s32 $0x13E00, s11  }
0x13: {  	s11 =	smax.u32 s13, $0x1;
	s12 =	simm.s32 $0x2;
	s13 =	simm.s32 $0x2800  }
0x14: {  	s14 =	simm.s32 $0x2A80;
	s17 =	sshrl.u32 s9, $0x3;
	s22 =	sadd.s32 s22, s23  }
0x15: {  	s23 =	simm.s32 $0x2A00;
	s24 =	sadd.s32 s25, s24;
	s25 =	simm.s32 $0x3280  }
.LBB2_1:
0x16: {  	[tilespmem:s4], [sflag:$0x2] =	stream.linear.gather [hbm4b:s7+s4], $0x2800, $0x38;
	[tilespmem:$0x88C0] =	vst v63  }
0x17: {  	_ =	swait.ge [sflag:s12], $0x2800  }
0x18: {  	[sflag:s12] =	ssyncset.done $0x0  }
0x19: {  	[sflag:s12] =	ssyncadd.s32 $0xFFFFD800  }
0x1a: {  	[tilespmem:s13], [sflag:$0x2] =	stream.linear.gather [hbm4b:s8+s4], $0x280, $0x38;
	[tilespmem:$0x88C0] =	vst v63  }
0x1b: {  	_ =	swait.ge [sflag:s12], $0x280  }
0x1c: {  	[sflag:s12] =	ssyncset.done $0x0  }
0x1d: {  	[sflag:s12] =	ssyncadd.s32 $0xFFFFFD80  }
0x1e: {  	[tilespmem:s14], [sflag:$0x2] =	stream.linear.gather [hbm4b:s6+s4], $0x800, $0x38;
	[tilespmem:$0x88C0] =	vst v63  }
0x1f: {  	_ =	swait.ge [sflag:s12], $0x800  }
0x20: {  	[sflag:s12] =	ssyncset.done $0x0  }
0x21: {  	[sflag:s12] =	ssyncadd.s32 $0xFFFFF800  }
0x22: {  	[spmem:s16], [sflag:s15] =	dma.local [hbm:s5], $0x4E4  }
0x23: {  	_ =	swait.ge [sflag:s12], $0x4E4  }
0x24: {  	[sflag:s12] =	ssyncset.done $0x0  }
0x25: {  	[sflag:s12] =	ssyncadd.s32 $0xFFFFFB1C  }
0x26: {  	[spmem:s17], [sflag:s15] =	dma.local [hbm:s5], $0x4E4  }
0x27: {  	_ =	swait.ge [sflag:s12], $0x4E4  }
0x28: {  	[sflag:s12] =	ssyncset.done $0x0  }
0x29: {  	[sflag:s12] =	ssyncadd.s32 $0xFFFFFB1C  }
0x2a: {  	s29 =	simm.s32 $0x0;
	[bflag:$0x0] =	sbarrier.arrive $0xFFFF  }
0x2b: {  	[spmem:s2] =	stream.indirect.scatter.add.f32 [tilespmem:s14], [sflag:$0x2], $0x10, s29, s18, $0xb8;
	[tilespmem:$0x88C0] =	vst v63  }
0x2c: {  	_ =	swait.ge [sflag:s12], $0x800  }
0x2d: {  	s29 =	simm.s32 $0x200;
	[sflag:s12] =	ssyncset.done $0x0  }
.LBB2_2:
0x2e: {  	s30 =	sshra.s32 s29, $0x2;
	[sflag:s12] =	ssyncadd.s32 $0xFFFFF800;
	p1 =	sne.s32 s29, $0x9E00  }
0x2f: {  	[spmem:s2] =	stream.indirect.scatter.add.f32 [tilespmem:s14], [sflag:$0x2], $0x10, s30, s18, $0xb8;
	[tilespmem:$0x88C0] =	vst v63  }
.Ltmp0:
0x30: {  	_ = 	snop;
	(pc) =	sbr.rel @p1 .LBB2_2-.Ltmp0, $4  }
0x31: {  	_ = 	snop  }
0x32: {  	s29 =	sadd.s32 $0x200, s29  }
0x33: {  	_ =	swait.ge [sflag:s12], $0x800  }
0x34: {  	[sflag:s12] =	ssyncset.done $0x0  }
0x35: {  	[sflag:s12] =	ssyncadd.s32 $0xFFFFF800  }
0x36: {  	[spmem:s3] =	stream.indirect.scatter [tilespmem:s14], [sflag:$0x2], $0x10, s13, s18, $0xb8;
	[tilespmem:$0x88C0] =	vst v63  }
0x37: {  	_ =	swait.ge [sflag:s12], $0x800  }
0x38: {  	[sflag:s12] =	ssyncset.done $0x0  }
0x39: {  	[sflag:s12] =	ssyncadd.s32 $0xFFFFF800  }
0x3a: {  	[spmem:s3] =	stream.indirect.scatter [tilespmem:s14], [sflag:$0x2], $0x10, s19, s18, $0xb8;
	[tilespmem:$0x88C0] =	vst v63  }
0x3b: {  	_ =	swait.ge [sflag:s12], $0x800  }
0x3c: {  	[sflag:s12] =	ssyncset.done $0x0  }
0x3d: {  	[sflag:s12] =	ssyncadd.s32 $0xFFFFF800  }
0x3e: {  	[spmem:s3] =	stream.indirect.scatter [tilespmem:s14], [sflag:$0x2], $0x10, s20, s18, $0xb8;
	[tilespmem:$0x88C0] =	vst v63  }
0x3f: {  	_ =	swait.ge [sflag:s12], $0x800  }
0x40: {  	[sflag:s12] =	ssyncset.done $0x0  }
0x41: {  	[sflag:s12] =	ssyncadd.s32 $0xFFFFF800  }
0x42: {  	[spmem:s3] =	stream.indirect.scatter [tilespmem:s14], [sflag:$0x2], $0x10, s21, s18, $0xb8;
	[tilespmem:$0x88C0] =	vst v63  }
0x43: {  	_ =	swait.ge [sflag:s12], $0x800  }
0x44: {  	[sflag:s12] =	ssyncset.done $0x0  }
0x45: {  	[sflag:s12] =	ssyncadd.s32 $0xFFFFF800  }
0x46: {  	[spmem:s3] =	stream.indirect.scatter [tilespmem:s14], [sflag:$0x2], $0x10, s23, s18, $0xb8;
	[tilespmem:$0x88C0] =	vst v63  }
0x47: {  	_ =	swait.ge [sflag:s12], $0x800  }
0x48: {  	[sflag:s12] =	ssyncset.done $0x0  }
0x49: {  	[sflag:s12] =	ssyncadd.s32 $0xFFFFF800  }
0x4a: {  	[bflag:$0x0] =	sbarrier.arrive $0xFFFF  }
0x4b: {  	[hbm:s22], [sflag:s15] =	dma.local [spmem:s16], $0x4E4  }
0x4c: {  	_ =	swait.ge [sflag:s12], $0x4E4  }
0x4d: {  	[sflag:s12] =	ssyncset.done $0x0  }
0x4e: {  	s29 =	sshrl.u32 @!p0 s9, $0x3;
	[sflag:s12] =	ssyncadd.s32 $0xFFFFFB1C  }
0x4f: {  	[hbm:s10], [sflag:s15] =	dma.local @!p0 [spmem:s29], $0x4E4  }
0x50: {  	s29 =	simm.s32 @!p0 $0x2  }
0x51: {  	_ =	swait.ge @!p0 [sflag:s29], $0x4E4  }
0x52: {  	[sflag:s29] =	ssyncset.done @!p0 $0x0  }
0x53: {  	[sflag:s29] =	ssyncadd.s32 @!p0 $0xFFFFFB1C  }
0x54: {  	[tilespmem:s25], [sflag:$0x1] =	stream.indirect.gather [spmem:s2], $0x10, s13, s18, $0xb8;
	[tilespmem:$0x88C0] =	vst v63  }
0x55: {  	_ =	swait.ge [sflag:s26], $0x800  }
0x56: {  	[sflag:s26] =	ssyncset.done $0x0  }
0x57: {  	[sflag:s26] =	ssyncadd.s32 $0xFFFFF800  }
0x58: {  	[hbm4b:s24+s4] =	stream.linear.scatter [tilespmem:s25], [sflag:$0x2], $0x800, $0x38;
	[tilespmem:$0x88C0] =	vst v63  }
0x59: {  	_ =	swait.ge [sflag:s12], $0x800  }
0x5a: {  	[sflag:s12] =	ssyncset.done $0x0  }
0x5b: {  	[sflag:s12] =	ssyncadd.s32 $0xFFFFF800  }
0x5c: {  	[tilespmem:s25], [sflag:$0x1] =	stream.indirect.gather [spmem:s2], $0x10, s19, s18, $0xb8;
	[tilespmem:$0x88C0] =	vst v63  }
0x5d: {  	_ =	swait.ge [sflag:s26], $0x800  }
0x5e: {  	[sflag:s26] =	ssyncset.done $0x0  }
0x5f: {  	s30 =	sadd.s32 $0x100, s24;
	[sflag:s26] =	ssyncadd.s32 $0xFFFFF800  }
0x60: {  	[hbm4b:s30+s4] =	stream.linear.scatter [tilespmem:s25], [sflag:$0x2], $0x800, $0x38;
	[tilespmem:$0x88C0] =	vst v63  }
0x61: {  	_ =	swait.ge [sflag:s12], $0x800  }
0x62: {  	[sflag:s12] =	ssyncset.done $0x0  }
0x63: {  	[sflag:s12] =	ssyncadd.s32 $0xFFFFF800  }
0x64: {  	[tilespmem:s25], [sflag:$0x1] =	stream.indirect.gather [spmem:s2], $0x10, s20, s18, $0xb8;
	[tilespmem:$0x88C0] =	vst v63  }
0x65: {  	_ =	swait.ge [sflag:s26], $0x800  }
0x66: {  	[sflag:s26] =	ssyncset.done $0x0  }
0x67: {  	s31 =	sadd.s32 $0x200, s24;
	[sflag:s26] =	ssyncadd.s32 $0xFFFFF800  }
0x68: {  	[hbm4b:s31+s4] =	stream.linear.scatter [tilespmem:s25], [sflag:$0x2], $0x800, $0x38;
	[tilespmem:$0x88C0] =	vst v63  }
0x69: {  	_ =	swait.ge [sflag:s12], $0x800  }
0x6a: {  	[sflag:s12] =	ssyncset.done $0x0  }
0x6b: {  	[sflag:s12] =	ssyncadd.s32 $0xFFFFF800  }
0x6c: {  	[tilespmem:s25], [sflag:$0x1] =	stream.indirect.gather [spmem:s2], $0x10, s21, s18, $0xb8;
	[tilespmem:$0x88C0] =	vst v63  }
0x6d: {  	_ =	swait.ge [sflag:s26], $0x800  }
0x6e: {  	[sflag:s26] =	ssyncset.done $0x0  }
0x6f: {  	s30 =	sadd.s32 $0x300, s24;
	[sflag:s26] =	ssyncadd.s32 $0xFFFFF800  }
0x70: {  	[hbm4b:s30+s4] =	stream.linear.scatter [tilespmem:s25], [sflag:$0x2], $0x800, $0x38;
	[tilespmem:$0x88C0] =	vst v63  }
0x71: {  	_ =	swait.ge [sflag:s12], $0x800  }
0x72: {  	[sflag:s12] =	ssyncset.done $0x0  }
0x73: {  	[sflag:s12] =	ssyncadd.s32 $0xFFFFF800  }
0x74: {  	[tilespmem:s25], [sflag:$0x1] =	stream.indirect.gather [spmem:s2], $0x10, s23, s18, $0xb8;
	[tilespmem:$0x88C0] =	vst v63  }
0x75: {  	s28 =	sadd.s32 $0x1, s28;
	_ =	swait.ge [sflag:s26], $0x800  }
0x76: {  	p1 =	sne.s32 s28, s11;
	[sflag:s26] =	ssyncset.done $0x0  }
.Ltmp1:
0x77: {  	s31 =	sadd.s32 $0x400, s24;
	[sflag:s26] =	ssyncadd.s32 $0xFFFFF800;
	(pc) =	sbr.rel @p1 .LBB2_1-.Ltmp1, $4  }
0x78: {  	[hbm4b:s31+s4] =	stream.linear.scatter [tilespmem:s25], [sflag:$0x2], $0x800, $0x38;
	[tilespmem:$0x88C0] =	vst v63  }
0x79: {  	_ =	swait.ge [sflag:s12], $0x800  }
0x7a: {  	[sflag:s12] =	ssyncset.done $0x0  }
0x7b: {  	[sflag:s12] =	ssyncadd.s32 $0xFFFFF800  }
0x7c: {  	_ =	sfence.sel $0x180000  }
0x7d: {  	[bflag:$0x0] =	sbarrier.arrive $0xFFFF  }
0x7e: {  	p0 =	sne.s32 s1, $0x0;
	_ =	strace $0x90000047  }
0x7f: {  	s0 =	sadd.s32 @!p0 $0x100000, s0;
	[bflag:$0x2] =	sbarrier.arrive $0xFFFF  }
0x80: {  	[sflag:s0] =	ssyncadd.tile.s32 @!p0 $0x1;
	_ =	shalt  }
.Lfunc_end2:
_tile_overlayer_lowered:
.L_overlay_start_2:
0x81: {  	(tag) =	ssettag $0x2  }
0x82: {  	s0 =	rddreg [dreg:$0x0];
	s2 =	stileid.u32  }
0x83: {  	s1 =	rddreg [dreg:$0x1];
	p0 =	sne.s32 s2, $0x0  }
0x84: {  	s3 =	rddreg [dreg:$0x2];
	[bflag:$0x3] =	sbarrier.arrive $0xFFFF;
	s2 =	simm.s32 @!p0 $0x1C02  }
0x85: {  	[timem:s3], [sflag:s2] =	dma.local @!p0 [hbm:s0], s1  }
0x86: {  	s0 =	simm.s32 @!p0 $0x2  }
0x87: {  	_ =	swait.ge @!p0 [sflag:s0], s1  }
0x88: {  	s1 =	ssub.s32 @!p0 $0x0, s1;
	[sflag:s0] =	ssyncset.done @!p0 $0x0  }
0x89: {  	[sflag:s0] =	ssyncadd.s32 @!p0 s1  }
0x8a: {  	[bflag:$0x3] =	sbarrier.arrive $0xFFFF  }
0x8b: {  	_ =	shalt  }

</sc_bundles>
